<compile_context>
chip_gen: v7x
topology: tpu7x:2x2x1
jax: 0.10.2.dev20260603
libtpu: 0.0.44.dev20260713+nightly
codegen_flags: <defaults>
</compile_context>

<pallas_src>
import functools

import jax
import jax.numpy as jnp
from jax import lax
from jax.experimental import pallas as pl
from jax.experimental.pallas import tpu as pltpu
from jax.experimental.pallas import tpu_sc as plsc

N_EMB = 1000000
EMB_DIM = 64
CLS = 2
CLS_PAD = 16
BATCH = 16384
HIST = 200

NC = 2
NS = 16
L = 16
NW = NC * NS
B_PER_W = BATCH // NW
G = 16
GROUPS = B_PER_W // G
IDX_PER_G = G * HIST
IDX_W = 128
IDX_ROWS = IDX_PER_G // IDX_W
UNROLL = 8

MM_BLK = 32768
MM_SUB = MM_BLK // 8
MM_SUB_SHIFT = 12
MM_GRID = -(-N_EMB // MM_BLK)
TW_ROWS = MM_GRID * MM_BLK


def _mm_body(t_ref, w_ref, o_ref):
    t16 = t_ref[...].astype(jnp.bfloat16)
    acc = None
    for j in range(8):
        part = lax.dot_general(
            t16[:, j * MM_SUB:(j + 1) * MM_SUB],
            w_ref[j * EMB_DIM:(j + 1) * EMB_DIM, :],
            dimension_numbers=(((0,), (0,)), ((), ())),
            preferred_element_type=jnp.float32,
        )
        acc = part if acc is None else acc + part
    o_ref[...] = acc


def _fold_table(tableT, Wexp):
    return pl.pallas_call(
        _mm_body,
        grid=(MM_GRID,),
        in_specs=[
            pl.BlockSpec((EMB_DIM, MM_BLK), lambda i: (0, i)),
            pl.BlockSpec((8 * EMB_DIM, 128), lambda i: (0, 0)),
        ],
        out_specs=pl.BlockSpec((MM_SUB, 128), lambda i: (i, 0)),
        out_shape=jax.ShapeDtypeStruct((MM_GRID * MM_SUB, 128), jnp.float32),
        compiler_params=pltpu.CompilerParams(fuse_transposed_lhs_in_matmul=True),
    )(tableT, Wexp)


def _sc_gather_sum(xT, tableW, b2):
    mesh = plsc.VectorSubcoreMesh(core_axis_name="c", subcore_axis_name="s")
    cp = pltpu.CompilerParams(
        needs_layout_passes=False,
        use_tc_tiling_on_sc=False,
    )

    @functools.partial(
        pl.kernel,
        out_type=jax.ShapeDtypeStruct((BATCH, CLS), jnp.float32),
        mesh=mesh,
        compiler_params=cp,
        scratch_types=[
            pltpu.VMEM((HIST, G), jnp.int32),
            pltpu.VMEM((2, IDX_ROWS, IDX_W), jnp.int32),
            pltpu.VMEM((2, IDX_PER_G, CLS_PAD), jnp.float32),
            pltpu.VMEM((B_PER_W, CLS), jnp.float32),
            pltpu.VMEM((CLS, L), jnp.float32),
            pltpu.SemaphoreType.DMA,
            pltpu.SemaphoreType.DMA,
        ],
    )
    def k(x_hbm, tw_hbm, b_hbm, out_hbm, raw_v, idx_v, rows_v, out_v, b_v,
          sem0, sem1):
        wid = lax.axis_index("s") * NC + lax.axis_index("c")
        col_base = wid * B_PER_W
        lanes = lax.iota(jnp.int32, L)
        col0 = jnp.zeros((L,), jnp.int32)
        col1 = jnp.ones((L,), jnp.int32)
        sems = (sem0, sem1)
        pltpu.sync_copy(b_hbm, b_v)

        def prep(g, buf, sem):
            pltpu.sync_copy(x_hbm.at[:, pl.ds(col_base + g * G, G)], raw_v)

            @pl.loop(0, IDX_ROWS)
            def _(rr):
                for kk in range(IDX_W // L):
                    v = raw_v[rr * (IDX_W // L) + kk, :]
                    idx_v[buf, rr, pl.ds(kk * L, L)] = (
                        (v & -MM_BLK)
                        | ((v & (MM_SUB - 1)) << 3)
                        | ((v >> MM_SUB_SHIFT) & 7))

            for j in range(IDX_ROWS):
                pltpu.async_copy(
                    tw_hbm.at[idx_v.at[buf, j]],
                    rows_v.at[buf, pl.ds(j * IDX_W, IDX_W)],
                    sem,
                )

        def drain(buf, sem):
            pltpu.make_async_copy(
                tw_hbm.at[pl.ds(0, IDX_PER_G)], rows_v.at[buf], sem).wait()

        def reduce(g, buf):
            def body(i, accs):
                a0, a1 = accs
                for kk in range(UNROLL):
                    r = (i * UNROLL + kk) * L + lanes
                    a0 = a0 + plsc.load_gather(rows_v.at[buf], [r, col0])
                    a1 = a1 + plsc.load_gather(rows_v.at[buf], [r, col1])
                return (a0, a1)

            a0, a1 = lax.fori_loop(0, HIST // UNROLL, body,
                                   (b_v[0, :], b_v[1, :]))
            row_idx = g * G + lanes
            plsc.store_scatter(out_v, [row_idx, col0], a0)
            plsc.store_scatter(out_v, [row_idx, col1], a1)

        prep(0, 0, sems[0])

        @pl.loop(0, GROUPS, step=2)
        def _(g):
            for p in range(2):
                nxt = g + p + 1

                @pl.when(nxt < GROUPS)
                def _():
                    prep(nxt, (p + 1) % 2, sems[(p + 1) % 2])

                drain(p, sems[p])
                reduce(g + p, p)

        pltpu.sync_copy(out_v, out_hbm.at[pl.ds(wid * B_PER_W, B_PER_W)])

    return k(xT, tableW, b2)


def kernel(x, table, W, b):
    xT = x.T.astype(jnp.int32)
    Wexp = jnp.zeros((8 * EMB_DIM, 128), jnp.bfloat16)
    for j in range(8):
        Wexp = Wexp.at[j * EMB_DIM:(j + 1) * EMB_DIM,
                       j * CLS_PAD:j * CLS_PAD + CLS].set(
                           (W.T * (1.0 / HIST)).astype(jnp.bfloat16))
    b2 = jnp.broadcast_to(b.reshape(CLS, 1), (CLS, L)).astype(jnp.float32)
    tableW = _fold_table(table.T, Wexp).reshape(TW_ROWS, CLS_PAD)
    return _sc_gather_sum(xT, tableW, b2)

# --- scband reference (transcript-rebuilt; emitter-appended) ---
"""Pipeline reference for scband-lr-22797686407240 (READ-ONLY COPY).

The authoritative reference and input builder live on the scoring server;
editing this copy changes nothing except your own understanding.
"""

import jax, jax.numpy as jnp
import numpy as np

N_EMB = 1000000
EMB_DIM = 64
CLASS_NUM = 2
BATCH = 16384
HIST = 200

def setup_inputs(seed: int = 0) -> dict:
    key = jax.random.key(seed)
    k1, k2, k3 = jax.random.split(key, 3)
    x = jax.random.randint(k1, (BATCH, HIST), 0, N_EMB, dtype=jnp.int64)
    table = jax.random.normal(k2, (N_EMB, EMB_DIM), dtype=jnp.float32) * 0.02
    W = jax.random.normal(k3, (CLASS_NUM, EMB_DIM), dtype=jnp.float32) * 0.05
    b = jnp.zeros((CLASS_NUM,), dtype=jnp.float32)
    return {"x": x, "table": table, "W": W, "b": b}

def reference(x, table, W, b):
    # emb = self.embedding(x)  -> gather rows from table
    emb = jnp.take(table, x, axis=0)            # [B, L, D]
    # rep = torch.mean(emb, 1)
    rep = jnp.mean(emb, axis=1)                 # [B, D]
    # logits = self.fc(rep)  (nn.Linear: rep @ W.T + b)
    logits = rep @ W.T + b                      # [B, C]
    return logits

if __name__ == "__main__":
    import jax
    _d = setup_inputs()
    print(jax.jit(kernel)(*tuple(_d.values())))

</pallas_src>

<mosaic_0001>
#map = affine_map<(d0, d1) -> (0, 0)>
module attributes {stable_mosaic.version = 14 : i64} {
  func.func @k(%arg0: i32, %arg1: i32, %arg2: memref<200x16384xi32, #tpu.memory_space<hbm>>, %arg3: memref<1015808x16xf32, #tpu.memory_space<hbm>>, %arg4: memref<2x16xf32, #tpu.memory_space<hbm>>, %arg5: memref<16384x2xf32, #tpu.memory_space<hbm>>, %arg6: memref<200x16xi32, #tpu.memory_space<vmem>>, %arg7: memref<2x25x128xi32, #tpu.memory_space<vmem>>, %arg8: memref<2x3200x16xf32, #tpu.memory_space<vmem>>, %arg9: memref<512x2xf32, #tpu.memory_space<vmem>>, %arg10: memref<2x16xf32, #tpu.memory_space<vmem>>, %arg11: memref<!tpu.dma_semaphore, #tpu.memory_space<semaphore_mem>>, %arg12: memref<!tpu.dma_semaphore, #tpu.memory_space<semaphore_mem>>) attributes {dimension_semantics = [#tpu.dimension_semantics<core_parallel>, #tpu.dimension_semantics<subcore_parallel>], iteration_bounds = array<i64: 2, 16>, scalar_prefetch = 0 : i64, scratch_operands = 7 : i64, tpu.core_type = #tpu.core_type<sc_vector_subcore>, window_params = [{transform_indices = #map}, {transform_indices = #map}, {transform_indices = #map}, {transform_indices = #map}]} {
    %mul3A = arith.constant 2 : i32
    %mul3A_0 = arith.muli %arg1, %mul3A : i32
    %add3A = arith.addi %mul3A_0, %arg0 : i32
    %mul3A_1 = arith.constant 512 : i32
    %mul3A_2 = arith.muli %add3A, %mul3A_1 : i32
    %iota3A = tpu.iota {dimensions = array<i32: 0>} : vector<16xi32>
    %broadcast_in_dim3A = arith.constant 0 : i32
    %broadcast_in_dim3A_3 = vector.broadcast %broadcast_in_dim3A : i32 to vector<16xi32>
    %broadcast_in_dim3A_4 = arith.constant 1 : i32
    %broadcast_in_dim3A_5 = vector.broadcast %broadcast_in_dim3A_4 : i32 to vector<16xi32>
    "tpu.region"() ({
      %run_scoped3A = tpu.sem_alloc : memref<!tpu.dma_semaphore, #tpu.memory_space<semaphore_mem>>
      tpu.enqueue_dma source(%arg4 : memref<2x16xf32, #tpu.memory_space<hbm>>) target(%arg10 : memref<2x16xf32, #tpu.memory_space<vmem>>) target_semaphore(%run_scoped3A : memref<!tpu.dma_semaphore, #tpu.memory_space<semaphore_mem>>)
      tpu.wait_dma2 semaphore(%run_scoped3A : memref<!tpu.dma_semaphore, #tpu.memory_space<semaphore_mem>>) src(%arg4 : memref<2x16xf32, #tpu.memory_space<hbm>>) dst(%arg10 : memref<2x16xf32, #tpu.memory_space<vmem>>)
      tpu.yield
    }) : () -> ()
    %add3A_6 = arith.constant 0 : i32
    %add3A_7 = arith.addi %mul3A_2, %add3A_6 : i32
    "tpu.region"() ({
      %run_scoped3A = tpu.sem_alloc : memref<!tpu.dma_semaphore, #tpu.memory_space<semaphore_mem>>
      %dma_start3A_343 = arith.constant 0 : i32
      %dma_start3A_344 = tpu.memref_slice %arg2[%dma_start3A_343, %add3A_7] : memref<200x16384xi32, #tpu.memory_space<hbm>> -> memref<200x16xi32, #tpu.memory_space<hbm>>
      %dma_start3A_345 = arith.constant 0 : i32
      %dma_start3A_346 = tpu.memref_slice %arg2[%dma_start3A_345, %add3A_7] : memref<200x16384xi32, #tpu.memory_space<hbm>> -> memref<200x16xi32, #tpu.memory_space<hbm>>
      tpu.enqueue_dma source(%dma_start3A_346 : memref<200x16xi32, #tpu.memory_space<hbm>>) target(%arg6 : memref<200x16xi32, #tpu.memory_space<vmem>>) target_semaphore(%run_scoped3A : memref<!tpu.dma_semaphore, #tpu.memory_space<semaphore_mem>>)
      %dma_wait3A = arith.constant 0 : i32
      %dma_wait3A_347 = tpu.memref_slice %arg2[%dma_wait3A, %add3A_7] : memref<200x16384xi32, #tpu.memory_space<hbm>> -> memref<200x16xi32, #tpu.memory_space<hbm>>
      %dma_wait3A_348 = arith.constant 0 : i32
      %dma_wait3A_349 = tpu.memref_slice %arg2[%dma_wait3A_348, %add3A_7] : memref<200x16384xi32, #tpu.memory_space<hbm>> -> memref<200x16xi32, #tpu.memory_space<hbm>>
      tpu.wait_dma2 semaphore(%run_scoped3A : memref<!tpu.dma_semaphore, #tpu.memory_space<semaphore_mem>>) src(%dma_wait3A_349 : memref<200x16xi32, #tpu.memory_space<hbm>>) dst(%arg6 : memref<200x16xi32, #tpu.memory_space<vmem>>)
      tpu.yield
    }) : () -> ()
    %scan3A = arith.constant 0 : i32
    %scan3A_8 = arith.constant 25 : i32
    %scan3A_9 = arith.addi %scan3A, %scan3A_8 : i32
    %scan3A_10 = arith.constant 1 : i32
    scf.for %scan3A_343 = %scan3A to %scan3A_9 step %scan3A_10  : i32 {
      %mul3A_344 = arith.constant 1 : i32
      %mul3A_345 = arith.muli %scan3A_343, %mul3A_344 : i32
      %add3A_346 = arith.constant 0 : i32
      %add3A_347 = arith.addi %add3A_346, %mul3A_345 : i32
      %mul3A_348 = arith.constant 8 : i32
      %mul3A_349 = arith.muli %add3A_347, %mul3A_348 : i32
      %add3A_350 = arith.constant 0 : i32
      %add3A_351 = arith.addi %mul3A_349, %add3A_350 : i32
      %get3A = arith.index_cast %add3A_351 : i32 to index
      %get3A_352 = arith.constant 0 : index
      %get3A_353 = tpu.vector_load %arg6[%get3A, %get3A_352] {strides = array<i32>} : memref<200x16xi32, #tpu.memory_space<vmem>>, vector<16xi32>,
      %and3A = arith.constant -32768 : i32
      %and3A_354 = vector.broadcast %and3A : i32 to vector<16xi32>
      %and3A_355 = arith.andi %get3A_353, %and3A_354 : vector<16xi32>
      %and3A_356 = arith.constant 4095 : i32
      %and3A_357 = vector.broadcast %and3A_356 : i32 to vector<16xi32>
      %and3A_358 = arith.andi %get3A_353, %and3A_357 : vector<16xi32>
      %shift_left3A = arith.constant 3 : i32
      %shift_left3A_359 = vector.broadcast %shift_left3A : i32 to vector<16xi32>
      %shift_left3A_360 = arith.shli %and3A_358, %shift_left3A_359 : vector<16xi32>
      %or3A = arith.ori %and3A_355, %shift_left3A_360 : vector<16xi32>
      %shift_right_arithmetic3A = arith.constant 12 : i32
      %shift_right_arithmetic3A_361 = vector.broadcast %shift_right_arithmetic3A : i32 to vector<16xi32>
      %shift_right_arithmetic3A_362 = arith.shrsi %get3A_353, %shift_right_arithmetic3A_361 : vector<16xi32>
      %and3A_363 = arith.constant 7 : i32
      %and3A_364 = vector.broadcast %and3A_363 : i32 to vector<16xi32>
      %and3A_365 = arith.andi %shift_right_arithmetic3A_362, %and3A_364 : vector<16xi32>
      %or3A_366 = arith.ori %or3A, %and3A_365 : vector<16xi32>
      %swap3A = arith.constant 0 : i32
      %swap3A_367 = arith.index_cast %swap3A : i32 to index
      %swap3A_368 = arith.index_cast %add3A_347 : i32 to index
      %swap3A_369 = arith.constant 0 : index
      %swap3A_370 = tpu.vector_load %arg7[%swap3A_367, %swap3A_368, %swap3A_369] {strides = array<i32>} : memref<2x25x128xi32, #tpu.memory_space<vmem>>, vector<16xi32>,
      tpu.vector_store %arg7[%swap3A_367, %swap3A_368, %swap3A_369], %or3A_366 {strides = array<i32>} : memref<2x25x128xi32, #tpu.memory_space<vmem>>, vector<16xi32>,
      %mul3A_371 = arith.constant 8 : i32
      %mul3A_372 = arith.muli %add3A_347, %mul3A_371 : i32
      %add3A_373 = arith.constant 1 : i32
      %add3A_374 = arith.addi %mul3A_372, %add3A_373 : i32
      %get3A_375 = arith.index_cast %add3A_374 : i32 to index
      %get3A_376 = arith.constant 0 : index
      %get3A_377 = tpu.vector_load %arg6[%get3A_375, %get3A_376] {strides = array<i32>} : memref<200x16xi32, #tpu.memory_space<vmem>>, vector<16xi32>,
      %and3A_378 = arith.constant -32768 : i32
      %and3A_379 = vector.broadcast %and3A_378 : i32 to vector<16xi32>
      %and3A_380 = arith.andi %get3A_377, %and3A_379 : vector<16xi32>
      %and3A_381 = arith.constant 4095 : i32
      %and3A_382 = vector.broadcast %and3A_381 : i32 to vector<16xi32>
      %and3A_383 = arith.andi %get3A_377, %and3A_382 : vector<16xi32>
      %shift_left3A_384 = arith.constant 3 : i32
      %shift_left3A_385 = vector.broadcast %shift_left3A_384 : i32 to vector<16xi32>
      %shift_left3A_386 = arith.shli %and3A_383, %shift_left3A_385 : vector<16xi32>
      %or3A_387 = arith.ori %and3A_380, %shift_left3A_386 : vector<16xi32>
      %shift_right_arithmetic3A_388 = arith.constant 12 : i32
      %shift_right_arithmetic3A_389 = vector.broadcast %shift_right_arithmetic3A_388 : i32 to vector<16xi32>
      %shift_right_arithmetic3A_390 = arith.shrsi %get3A_377, %shift_right_arithmetic3A_389 : vector<16xi32>
      %and3A_391 = arith.constant 7 : i32
      %and3A_392 = vector.broadcast %and3A_391 : i32 to vector<16xi32>
      %and3A_393 = arith.andi %shift_right_arithmetic3A_390, %and3A_392 : vector<16xi32>
      %or3A_394 = arith.ori %or3A_387, %and3A_393 : vector<16xi32>
      %swap3A_395 = arith.constant 0 : i32
      %swap3A_396 = arith.index_cast %swap3A_395 : i32 to index
      %swap3A_397 = arith.index_cast %add3A_347 : i32 to index
      %swap3A_398 = arith.constant 16 : index
      %swap3A_399 = tpu.vector_load %arg7[%swap3A_396, %swap3A_397, %swap3A_398] {strides = array<i32>} : memref<2x25x128xi32, #tpu.memory_space<vmem>>, vector<16xi32>,
      tpu.vector_store %arg7[%swap3A_396, %swap3A_397, %swap3A_398], %or3A_394 {strides = array<i32>} : memref<2x25x128xi32, #tpu.memory_space<vmem>>, vector<16xi32>,
      %mul3A_400 = arith.constant 8 : i32
      %mul3A_401 = arith.muli %add3A_347, %mul3A_400 : i32
      %add3A_402 = arith.constant 2 : i32
      %add3A_403 = arith.addi %mul3A_401, %add3A_402 : i32
      %get3A_404 = arith.index_cast %add3A_403 : i32 to index
      %get3A_405 = arith.constant 0 : index
      %get3A_406 = tpu.vector_load %arg6[%get3A_404, %get3A_405] {strides = array<i32>} : memref<200x16xi32, #tpu.memory_space<vmem>>, vector<16xi32>,
      %and3A_407 = arith.constant -32768 : i32
      %and3A_408 = vector.broadcast %and3A_407 : i32 to vector<16xi32>
      %and3A_409 = arith.andi %get3A_406, %and3A_408 : vector<16xi32>
      %and3A_410 = arith.constant 4095 : i32
      %and3A_411 = vector.broadcast %and3A_410 : i32 to vector<16xi32>
      %and3A_412 = arith.andi %get3A_406, %and3A_411 : vector<16xi32>
      %shift_left3A_413 = arith.constant 3 : i32
      %shift_left3A_414 = vector.broadcast %shift_left3A_413 : i32 to vector<16xi32>
      %shift_left3A_415 = arith.shli %and3A_412, %shift_left3A_414 : vector<16xi32>
      %or3A_416 = arith.ori %and3A_409, %shift_left3A_415 : vector<16xi32>
      %shift_right_arithmetic3A_417 = arith.constant 12 : i32
      %shift_right_arithmetic3A_418 = vector.broadcast %shift_right_arithmetic3A_417 : i32 to vector<16xi32>
      %shift_right_arithmetic3A_419 = arith.shrsi %get3A_406, %shift_right_arithmetic3A_418 : vector<16xi32>
      %and3A_420 = arith.constant 7 : i32
      %and3A_421 = vector.broadcast %and3A_420 : i32 to vector<16xi32>
      %and3A_422 = arith.andi %shift_right_arithmetic3A_419, %and3A_421 : vector<16xi32>
      %or3A_423 = arith.ori %or3A_416, %and3A_422 : vector<16xi32>
      %swap3A_424 = arith.constant 0 : i32
      %swap3A_425 = arith.index_cast %swap3A_424 : i32 to index
      %swap3A_426 = arith.index_cast %add3A_347 : i32 to index
      %swap3A_427 = arith.constant 32 : index
      %swap3A_428 = tpu.vector_load %arg7[%swap3A_425, %swap3A_426, %swap3A_427] {strides = array<i32>} : memref<2x25x128xi32, #tpu.memory_space<vmem>>, vector<16xi32>,
      tpu.vector_store %arg7[%swap3A_425, %swap3A_426, %swap3A_427], %or3A_423 {strides = array<i32>} : memref<2x25x128xi32, #tpu.memory_space<vmem>>, vector<16xi32>,
      %mul3A_429 = arith.constant 8 : i32
      %mul3A_430 = arith.muli %add3A_347, %mul3A_429 : i32
      %add3A_431 = arith.constant 3 : i32
      %add3A_432 = arith.addi %mul3A_430, %add3A_431 : i32
      %get3A_433 = arith.index_cast %add3A_432 : i32 to index
      %get3A_434 = arith.constant 0 : index
      %get3A_435 = tpu.vector_load %arg6[%get3A_433, %get3A_434] {strides = array<i32>} : memref<200x16xi32, #tpu.memory_space<vmem>>, vector<16xi32>,
      %and3A_436 = arith.constant -32768 : i32
      %and3A_437 = vector.broadcast %and3A_436 : i32 to vector<16xi32>
      %and3A_438 = arith.andi %get3A_435, %and3A_437 : vector<16xi32>
      %and3A_439 = arith.constant 4095 : i32
      %and3A_440 = vector.broadcast %and3A_439 : i32 to vector<16xi32>
      %and3A_441 = arith.andi %get3A_435, %and3A_440 : vector<16xi32>
      %shift_left3A_442 = arith.constant 3 : i32
      %shift_left3A_443 = vector.broadcast %shift_left3A_442 : i32 to vector<16xi32>
      %shift_left3A_444 = arith.shli %and3A_441, %shift_left3A_443 : vector<16xi32>
      %or3A_445 = arith.ori %and3A_438, %shift_left3A_444 : vector<16xi32>
      %shift_right_arithmetic3A_446 = arith.constant 12 : i32
      %shift_right_arithmetic3A_447 = vector.broadcast %shift_right_arithmetic3A_446 : i32 to vector<16xi32>
      %shift_right_arithmetic3A_448 = arith.shrsi %get3A_435, %shift_right_arithmetic3A_447 : vector<16xi32>
      %and3A_449 = arith.constant 7 : i32
      %and3A_450 = vector.broadcast %and3A_449 : i32 to vector<16xi32>
      %and3A_451 = arith.andi %shift_right_arithmetic3A_448, %and3A_450 : vector<16xi32>
      %or3A_452 = arith.ori %or3A_445, %and3A_451 : vector<16xi32>
      %swap3A_453 = arith.constant 0 : i32
      %swap3A_454 = arith.index_cast %swap3A_453 : i32 to index
      %swap3A_455 = arith.index_cast %add3A_347 : i32 to index
      %swap3A_456 = arith.constant 48 : index
      %swap3A_457 = tpu.vector_load %arg7[%swap3A_454, %swap3A_455, %swap3A_456] {strides = array<i32>} : memref<2x25x128xi32, #tpu.memory_space<vmem>>, vector<16xi32>,
      tpu.vector_store %arg7[%swap3A_454, %swap3A_455, %swap3A_456], %or3A_452 {strides = array<i32>} : memref<2x25x128xi32, #tpu.memory_space<vmem>>, vector<16xi32>,
      %mul3A_458 = arith.constant 8 : i32
      %mul3A_459 = arith.muli %add3A_347, %mul3A_458 : i32
      %add3A_460 = arith.constant 4 : i32
      %add3A_461 = arith.addi %mul3A_459, %add3A_460 : i32
      %get3A_462 = arith.index_cast %add3A_461 : i32 to index
      %get3A_463 = arith.constant 0 : index
      %get3A_464 = tpu.vector_load %arg6[%get3A_462, %get3A_463] {strides = array<i32>} : memref<200x16xi32, #tpu.memory_space<vmem>>, vector<16xi32>,
      %and3A_465 = arith.constant -32768 : i32
      %and3A_466 = vector.broadcast %and3A_465 : i32 to vector<16xi32>
      %and3A_467 = arith.andi %get3A_464, %and3A_466 : vector<16xi32>
      %and3A_468 = arith.constant 4095 : i32
      %and3A_469 = vector.broadcast %and3A_468 : i32 to vector<16xi32>
      %and3A_470 = arith.andi %get3A_464, %and3A_469 : vector<16xi32>
      %shift_left3A_471 = arith.constant 3 : i32
      %shift_left3A_472 = vector.broadcast %shift_left3A_471 : i32 to vector<16xi32>
      %shift_left3A_473 = arith.shli %and3A_470, %shift_left3A_472 : vector<16xi32>
      %or3A_474 = arith.ori %and3A_467, %shift_left3A_473 : vector<16xi32>
      %shift_right_arithmetic3A_475 = arith.constant 12 : i32
      %shift_right_arithmetic3A_476 = vector.broadcast %shift_right_arithmetic3A_475 : i32 to vector<16xi32>
      %shift_right_arithmetic3A_477 = arith.shrsi %get3A_464, %shift_right_arithmetic3A_476 : vector<16xi32>
      %and3A_478 = arith.constant 7 : i32
      %and3A_479 = vector.broadcast %and3A_478 : i32 to vector<16xi32>
      %and3A_480 = arith.andi %shift_right_arithmetic3A_477, %and3A_479 : vector<16xi32>
      %or3A_481 = arith.ori %or3A_474, %and3A_480 : vector<16xi32>
      %swap3A_482 = arith.constant 0 : i32
      %swap3A_483 = arith.index_cast %swap3A_482 : i32 to index
      %swap3A_484 = arith.index_cast %add3A_347 : i32 to index
      %swap3A_485 = arith.constant 64 : index
      %swap3A_486 = tpu.vector_load %arg7[%swap3A_483, %swap3A_484, %swap3A_485] {strides = array<i32>} : memref<2x25x128xi32, #tpu.memory_space<vmem>>, vector<16xi32>,
      tpu.vector_store %arg7[%swap3A_483, %swap3A_484, %swap3A_485], %or3A_481 {strides = array<i32>} : memref<2x25x128xi32, #tpu.memory_space<vmem>>, vector<16xi32>,
      %mul3A_487 = arith.constant 8 : i32
      %mul3A_488 = arith.muli %add3A_347, %mul3A_487 : i32
      %add3A_489 = arith.constant 5 : i32
      %add3A_490 = arith.addi %mul3A_488, %add3A_489 : i32
      %get3A_491 = arith.index_cast %add3A_490 : i32 to index
      %get3A_492 = arith.constant 0 : index
      %get3A_493 = tpu.vector_load %arg6[%get3A_491, %get3A_492] {strides = array<i32>} : memref<200x16xi32, #tpu.memory_space<vmem>>, vector<16xi32>,
      %and3A_494 = arith.constant -32768 : i32
      %and3A_495 = vector.broadcast %and3A_494 : i32 to vector<16xi32>
      %and3A_496 = arith.andi %get3A_493, %and3A_495 : vector<16xi32>
      %and3A_497 = arith.constant 4095 : i32
      %and3A_498 = vector.broadcast %and3A_497 : i32 to vector<16xi32>
      %and3A_499 = arith.andi %get3A_493, %and3A_498 : vector<16xi32>
      %shift_left3A_500 = arith.constant 3 : i32
      %shift_left3A_501 = vector.broadcast %shift_left3A_500 : i32 to vector<16xi32>
      %shift_left3A_502 = arith.shli %and3A_499, %shift_left3A_501 : vector<16xi32>
      %or3A_503 = arith.ori %and3A_496, %shift_left3A_502 : vector<16xi32>
      %shift_right_arithmetic3A_504 = arith.constant 12 : i32
      %shift_right_arithmetic3A_505 = vector.broadcast %shift_right_arithmetic3A_504 : i32 to vector<16xi32>
      %shift_right_arithmetic3A_506 = arith.shrsi %get3A_493, %shift_right_arithmetic3A_505 : vector<16xi32>
      %and3A_507 = arith.constant 7 : i32
      %and3A_508 = vector.broadcast %and3A_507 : i32 to vector<16xi32>
      %and3A_509 = arith.andi %shift_right_arithmetic3A_506, %and3A_508 : vector<16xi32>
      %or3A_510 = arith.ori %or3A_503, %and3A_509 : vector<16xi32>
      %swap3A_511 = arith.constant 0 : i32
      %swap3A_512 = arith.index_cast %swap3A_511 : i32 to index
      %swap3A_513 = arith.index_cast %add3A_347 : i32 to index
      %swap3A_514 = arith.constant 80 : index
      %swap3A_515 = tpu.vector_load %arg7[%swap3A_512, %swap3A_513, %swap3A_514] {strides = array<i32>} : memref<2x25x128xi32, #tpu.memory_space<vmem>>, vector<16xi32>,
      tpu.vector_store %arg7[%swap3A_512, %swap3A_513, %swap3A_514], %or3A_510 {strides = array<i32>} : memref<2x25x128xi32, #tpu.memory_space<vmem>>, vector<16xi32>,
      %mul3A_516 = arith.constant 8 : i32
      %mul3A_517 = arith.muli %add3A_347, %mul3A_516 : i32
      %add3A_518 = arith.constant 6 : i32
      %add3A_519 = arith.addi %mul3A_517, %add3A_518 : i32
      %get3A_520 = arith.index_cast %add3A_519 : i32 to index
      %get3A_521 = arith.constant 0 : index
      %get3A_522 = tpu.vector_load %arg6[%get3A_520, %get3A_521] {strides = array<i32>} : memref<200x16xi32, #tpu.memory_space<vmem>>, vector<16xi32>,
      %and3A_523 = arith.constant -32768 : i32
      %and3A_524 = vector.broadcast %and3A_523 : i32 to vector<16xi32>
      %and3A_525 = arith.andi %get3A_522, %and3A_524 : vector<16xi32>
      %and3A_526 = arith.constant 4095 : i32
      %and3A_527 = vector.broadcast %and3A_526 : i32 to vector<16xi32>
      %and3A_528 = arith.andi %get3A_522, %and3A_527 : vector<16xi32>
      %shift_left3A_529 = arith.constant 3 : i32
      %shift_left3A_530 = vector.broadcast %shift_left3A_529 : i32 to vector<16xi32>
      %shift_left3A_531 = arith.shli %and3A_528, %shift_left3A_530 : vector<16xi32>
      %or3A_532 = arith.ori %and3A_525, %shift_left3A_531 : vector<16xi32>
      %shift_right_arithmetic3A_533 = arith.constant 12 : i32
      %shift_right_arithmetic3A_534 = vector.broadcast %shift_right_arithmetic3A_533 : i32 to vector<16xi32>
      %shift_right_arithmetic3A_535 = arith.shrsi %get3A_522, %shift_right_arithmetic3A_534 : vector<16xi32>
      %and3A_536 = arith.constant 7 : i32
      %and3A_537 = vector.broadcast %and3A_536 : i32 to vector<16xi32>
      %and3A_538 = arith.andi %shift_right_arithmetic3A_535, %and3A_537 : vector<16xi32>
      %or3A_539 = arith.ori %or3A_532, %and3A_538 : vector<16xi32>
      %swap3A_540 = arith.constant 0 : i32
      %swap3A_541 = arith.index_cast %swap3A_540 : i32 to index
      %swap3A_542 = arith.index_cast %add3A_347 : i32 to index
      %swap3A_543 = arith.constant 96 : index
      %swap3A_544 = tpu.vector_load %arg7[%swap3A_541, %swap3A_542, %swap3A_543] {strides = array<i32>} : memref<2x25x128xi32, #tpu.memory_space<vmem>>, vector<16xi32>,
      tpu.vector_store %arg7[%swap3A_541, %swap3A_542, %swap3A_543], %or3A_539 {strides = array<i32>} : memref<2x25x128xi32, #tpu.memory_space<vmem>>, vector<16xi32>,
      %mul3A_545 = arith.constant 8 : i32
      %mul3A_546 = arith.muli %add3A_347, %mul3A_545 : i32
      %add3A_547 = arith.constant 7 : i32
      %add3A_548 = arith.addi %mul3A_546, %add3A_547 : i32
      %get3A_549 = arith.index_cast %add3A_548 : i32 to index
      %get3A_550 = arith.constant 0 : index
      %get3A_551 = tpu.vector_load %arg6[%get3A_549, %get3A_550] {strides = array<i32>} : memref<200x16xi32, #tpu.memory_space<vmem>>, vector<16xi32>,
      %and3A_552 = arith.constant -32768 : i32
      %and3A_553 = vector.broadcast %and3A_552 : i32 to vector<16xi32>
      %and3A_554 = arith.andi %get3A_551, %and3A_553 : vector<16xi32>
      %and3A_555 = arith.constant 4095 : i32
      %and3A_556 = vector.broadcast %and3A_555 : i32 to vector<16xi32>
      %and3A_557 = arith.andi %get3A_551, %and3A_556 : vector<16xi32>
      %shift_left3A_558 = arith.constant 3 : i32
      %shift_left3A_559 = vector.broadcast %shift_left3A_558 : i32 to vector<16xi32>
      %shift_left3A_560 = arith.shli %and3A_557, %shift_left3A_559 : vector<16xi32>
      %or3A_561 = arith.ori %and3A_554, %shift_left3A_560 : vector<16xi32>
      %shift_right_arithmetic3A_562 = arith.constant 12 : i32
      %shift_right_arithmetic3A_563 = vector.broadcast %shift_right_arithmetic3A_562 : i32 to vector<16xi32>
      %shift_right_arithmetic3A_564 = arith.shrsi %get3A_551, %shift_right_arithmetic3A_563 : vector<16xi32>
      %and3A_565 = arith.constant 7 : i32
      %and3A_566 = vector.broadcast %and3A_565 : i32 to vector<16xi32>
      %and3A_567 = arith.andi %shift_right_arithmetic3A_564, %and3A_566 : vector<16xi32>
      %or3A_568 = arith.ori %or3A_561, %and3A_567 : vector<16xi32>
      %swap3A_569 = arith.constant 0 : i32
      %swap3A_570 = arith.index_cast %swap3A_569 : i32 to index
      %swap3A_571 = arith.index_cast %add3A_347 : i32 to index
      %swap3A_572 = arith.constant 112 : index
      %swap3A_573 = tpu.vector_load %arg7[%swap3A_570, %swap3A_571, %swap3A_572] {strides = array<i32>} : memref<2x25x128xi32, #tpu.memory_space<vmem>>, vector<16xi32>,
      tpu.vector_store %arg7[%swap3A_570, %swap3A_571, %swap3A_572], %or3A_568 {strides = array<i32>} : memref<2x25x128xi32, #tpu.memory_space<vmem>>, vector<16xi32>,
    }
    %scan3A_11 = arith.constant 25 : i32
    %dma_start3A = arith.constant 0 : i32
    %dma_start3A_12 = arith.constant 0 : i32
    %dma_start3A_13 = arith.constant 0 : i32
    %dma_start3A_14 = arith.constant 0 : i32
    %dma_start3A_15 = arith.constant 0 : i32
    %dma_start3A_16 = tpu.memref_slice %arg8[%dma_start3A_13, %dma_start3A_14, %dma_start3A_15] : memref<2x3200x16xf32, #tpu.memory_space<vmem>> -> memref<1x128x16xf32, #tpu.memory_space<vmem>>
    %dma_start3A_17 = tpu.memref_squeeze %dma_start3A_16 : memref<1x128x16xf32, #tpu.memory_space<vmem>> -> memref<128x16xf32, #tpu.memory_space<vmem>>
    %dma_start3A_18 = arith.constant 0 : i32
    %dma_start3A_19 = tpu.memref_slice %arg7[%dma_start3A, %dma_start3A_12, %dma_start3A_18] : memref<2x25x128xi32, #tpu.memory_space<vmem>> -> memref<1x1x128xi32, #tpu.memory_space<vmem>>
    %dma_start3A_20 = tpu.memref_squeeze %dma_start3A_19 : memref<1x1x128xi32, #tpu.memory_space<vmem>> -> memref<128xi32, #tpu.memory_space<vmem>>
    %dma_start3A_21 = arith.constant 0 : i32
    %dma_start3A_22 = arith.constant 0 : i32
    %dma_start3A_23 = tpu.memref_slice %arg3[%dma_start3A_21, %dma_start3A_22] : memref<1015808x16xf32, #tpu.memory_space<hbm>> -> memref<1015808x16xf32, #tpu.memory_space<hbm>>
    tpu.enqueue_indirect_dma source(%dma_start3A_23 : memref<1015808x16xf32, #tpu.memory_space<hbm>>) target(%dma_start3A_17 : memref<128x16xf32, #tpu.memory_space<vmem>>) offsets(%dma_start3A_20 : memref<128xi32, #tpu.memory_space<vmem>>) semaphore(%arg11 : memref<!tpu.dma_semaphore, #tpu.memory_space<semaphore_mem>>)
    %dma_start3A_24 = arith.constant 0 : i32
    %dma_start3A_25 = arith.constant 1 : i32
    %dma_start3A_26 = arith.constant 0 : i32
    %dma_start3A_27 = arith.constant 128 : i32
    %dma_start3A_28 = arith.constant 0 : i32
    %dma_start3A_29 = tpu.memref_slice %arg8[%dma_start3A_26, %dma_start3A_27, %dma_start3A_28] : memref<2x3200x16xf32, #tpu.memory_space<vmem>> -> memref<1x128x16xf32, #tpu.memory_space<vmem>>
    %dma_start3A_30 = tpu.memref_squeeze %dma_start3A_29 : memref<1x128x16xf32, #tpu.memory_space<vmem>> -> memref<128x16xf32, #tpu.memory_space<vmem>>
    %dma_start3A_31 = arith.constant 0 : i32
    %dma_start3A_32 = tpu.memref_slice %arg7[%dma_start3A_24, %dma_start3A_25, %dma_start3A_31] : memref<2x25x128xi32, #tpu.memory_space<vmem>> -> memref<1x1x128xi32, #tpu.memory_space<vmem>>
    %dma_start3A_33 = tpu.memref_squeeze %dma_start3A_32 : memref<1x1x128xi32, #tpu.memory_space<vmem>> -> memref<128xi32, #tpu.memory_space<vmem>>
    %dma_start3A_34 = arith.constant 0 : i32
    %dma_start3A_35 = arith.constant 0 : i32
    %dma_start3A_36 = tpu.memref_slice %arg3[%dma_start3A_34, %dma_start3A_35] : memref<1015808x16xf32, #tpu.memory_space<hbm>> -> memref<1015808x16xf32, #tpu.memory_space<hbm>>
    tpu.enqueue_indirect_dma source(%dma_start3A_36 : memref<1015808x16xf32, #tpu.memory_space<hbm>>) target(%dma_start3A_30 : memref<128x16xf32, #tpu.memory_space<vmem>>) offsets(%dma_start3A_33 : memref<128xi32, #tpu.memory_space<vmem>>) semaphore(%arg11 : memref<!tpu.dma_semaphore, #tpu.memory_space<semaphore_mem>>)
    %dma_start3A_37 = arith.constant 0 : i32
    %dma_start3A_38 = arith.constant 2 : i32
    %dma_start3A_39 = arith.constant 0 : i32
    %dma_start3A_40 = arith.constant 256 : i32
    %dma_start3A_41 = arith.constant 0 : i32
    %dma_start3A_42 = tpu.memref_slice %arg8[%dma_start3A_39, %dma_start3A_40, %dma_start3A_41] : memref<2x3200x16xf32, #tpu.memory_space<vmem>> -> memref<1x128x16xf32, #tpu.memory_space<vmem>>
    %dma_start3A_43 = tpu.memref_squeeze %dma_start3A_42 : memref<1x128x16xf32, #tpu.memory_space<vmem>> -> memref<128x16xf32, #tpu.memory_space<vmem>>
    %dma_start3A_44 = arith.constant 0 : i32
    %dma_start3A_45 = tpu.memref_slice %arg7[%dma_start3A_37, %dma_start3A_38, %dma_start3A_44] : memref<2x25x128xi32, #tpu.memory_space<vmem>> -> memref<1x1x128xi32, #tpu.memory_space<vmem>>
    %dma_start3A_46 = tpu.memref_squeeze %dma_start3A_45 : memref<1x1x128xi32, #tpu.memory_space<vmem>> -> memref<128xi32, #tpu.memory_space<vmem>>
    %dma_start3A_47 = arith.constant 0 : i32
    %dma_start3A_48 = arith.constant 0 : i32
    %dma_start3A_49 = tpu.memref_slice %arg3[%dma_start3A_47, %dma_start3A_48] : memref<1015808x16xf32, #tpu.memory_space<hbm>> -> memref<1015808x16xf32, #tpu.memory_space<hbm>>
    tpu.enqueue_indirect_dma source(%dma_start3A_49 : memref<1015808x16xf32, #tpu.memory_space<hbm>>) target(%dma_start3A_43 : memref<128x16xf32, #tpu.memory_space<vmem>>) offsets(%dma_start3A_46 : memref<128xi32, #tpu.memory_space<vmem>>) semaphore(%arg11 : memref<!tpu.dma_semaphore, #tpu.memory_space<semaphore_mem>>)
    %dma_start3A_50 = arith.constant 0 : i32
    %dma_start3A_51 = arith.constant 3 : i32
    %dma_start3A_52 = arith.constant 0 : i32
    %dma_start3A_53 = arith.constant 384 : i32
    %dma_start3A_54 = arith.constant 0 : i32
    %dma_start3A_55 = tpu.memref_slice %arg8[%dma_start3A_52, %dma_start3A_53, %dma_start3A_54] : memref<2x3200x16xf32, #tpu.memory_space<vmem>> -> memref<1x128x16xf32, #tpu.memory_space<vmem>>
    %dma_start3A_56 = tpu.memref_squeeze %dma_start3A_55 : memref<1x128x16xf32, #tpu.memory_space<vmem>> -> memref<128x16xf32, #tpu.memory_space<vmem>>
    %dma_start3A_57 = arith.constant 0 : i32
    %dma_start3A_58 = tpu.memref_slice %arg7[%dma_start3A_50, %dma_start3A_51, %dma_start3A_57] : memref<2x25x128xi32, #tpu.memory_space<vmem>> -> memref<1x1x128xi32, #tpu.memory_space<vmem>>
    %dma_start3A_59 = tpu.memref_squeeze %dma_start3A_58 : memref<1x1x128xi32, #tpu.memory_space<vmem>> -> memref<128xi32, #tpu.memory_space<vmem>>
    %dma_start3A_60 = arith.constant 0 : i32
    %dma_start3A_61 = arith.constant 0 : i32
    %dma_start3A_62 = tpu.memref_slice %arg3[%dma_start3A_60, %dma_start3A_61] : memref<1015808x16xf32, #tpu.memory_space<hbm>> -> memref<1015808x16xf32, #tpu.memory_space<hbm>>
    tpu.enqueue_indirect_dma source(%dma_start3A_62 : memref<1015808x16xf32, #tpu.memory_space<hbm>>) target(%dma_start3A_56 : memref<128x16xf32, #tpu.memory_space<vmem>>) offsets(%dma_start3A_59 : memref<128xi32, #tpu.memory_space<vmem>>) semaphore(%arg11 : memref<!tpu.dma_semaphore, #tpu.memory_space<semaphore_mem>>)
    %dma_start3A_63 = arith.constant 0 : i32
    %dma_start3A_64 = arith.constant 4 : i32
    %dma_start3A_65 = arith.constant 0 : i32
    %dma_start3A_66 = arith.constant 512 : i32
    %dma_start3A_67 = arith.constant 0 : i32
    %dma_start3A_68 = tpu.memref_slice %arg8[%dma_start3A_65, %dma_start3A_66, %dma_start3A_67] : memref<2x3200x16xf32, #tpu.memory_space<vmem>> -> memref<1x128x16xf32, #tpu.memory_space<vmem>>
    %dma_start3A_69 = tpu.memref_squeeze %dma_start3A_68 : memref<1x128x16xf32, #tpu.memory_space<vmem>> -> memref<128x16xf32, #tpu.memory_space<vmem>>
    %dma_start3A_70 = arith.constant 0 : i32
    %dma_start3A_71 = tpu.memref_slice %arg7[%dma_start3A_63, %dma_start3A_64, %dma_start3A_70] : memref<2x25x128xi32, #tpu.memory_space<vmem>> -> memref<1x1x128xi32, #tpu.memory_space<vmem>>
    %dma_start3A_72 = tpu.memref_squeeze %dma_start3A_71 : memref<1x1x128xi32, #tpu.memory_space<vmem>> -> memref<128xi32, #tpu.memory_space<vmem>>
    %dma_start3A_73 = arith.constant 0 : i32
    %dma_start3A_74 = arith.constant 0 : i32
    %dma_start3A_75 = tpu.memref_slice %arg3[%dma_start3A_73, %dma_start3A_74] : memref<1015808x16xf32, #tpu.memory_space<hbm>> -> memref<1015808x16xf32, #tpu.memory_space<hbm>>
    tpu.enqueue_indirect_dma source(%dma_start3A_75 : memref<1015808x16xf32, #tpu.memory_space<hbm>>) target(%dma_start3A_69 : memref<128x16xf32, #tpu.memory_space<vmem>>) offsets(%dma_start3A_72 : memref<128xi32, #tpu.memory_space<vmem>>) semaphore(%arg11 : memref<!tpu.dma_semaphore, #tpu.memory_space<semaphore_mem>>)
    %dma_start3A_76 = arith.constant 0 : i32
    %dma_start3A_77 = arith.constant 5 : i32
    %dma_start3A_78 = arith.constant 0 : i32
    %dma_start3A_79 = arith.constant 640 : i32
    %dma_start3A_80 = arith.constant 0 : i32
    %dma_start3A_81 = tpu.memref_slice %arg8[%dma_start3A_78, %dma_start3A_79, %dma_start3A_80] : memref<2x3200x16xf32, #tpu.memory_space<vmem>> -> memref<1x128x16xf32, #tpu.memory_space<vmem>>
    %dma_start3A_82 = tpu.memref_squeeze %dma_start3A_81 : memref<1x128x16xf32, #tpu.memory_space<vmem>> -> memref<128x16xf32, #tpu.memory_space<vmem>>
    %dma_start3A_83 = arith.constant 0 : i32
    %dma_start3A_84 = tpu.memref_slice %arg7[%dma_start3A_76, %dma_start3A_77, %dma_start3A_83] : memref<2x25x128xi32, #tpu.memory_space<vmem>> -> memref<1x1x128xi32, #tpu.memory_space<vmem>>
    %dma_start3A_85 = tpu.memref_squeeze %dma_start3A_84 : memref<1x1x128xi32, #tpu.memory_space<vmem>> -> memref<128xi32, #tpu.memory_space<vmem>>
    %dma_start3A_86 = arith.constant 0 : i32
    %dma_start3A_87 = arith.constant 0 : i32
    %dma_start3A_88 = tpu.memref_slice %arg3[%dma_start3A_86, %dma_start3A_87] : memref<1015808x16xf32, #tpu.memory_space<hbm>> -> memref<1015808x16xf32, #tpu.memory_space<hbm>>
    tpu.enqueue_indirect_dma source(%dma_start3A_88 : memref<1015808x16xf32, #tpu.memory_space<hbm>>) target(%dma_start3A_82 : memref<128x16xf32, #tpu.memory_space<vmem>>) offsets(%dma_start3A_85 : memref<128xi32, #tpu.memory_space<vmem>>) semaphore(%arg11 : memref<!tpu.dma_semaphore, #tpu.memory_space<semaphore_mem>>)
    %dma_start3A_89 = arith.constant 0 : i32
    %dma_start3A_90 = arith.constant 6 : i32
    %dma_start3A_91 = arith.constant 0 : i32
    %dma_start3A_92 = arith.constant 768 : i32
    %dma_start3A_93 = arith.constant 0 : i32
    %dma_start3A_94 = tpu.memref_slice %arg8[%dma_start3A_91, %dma_start3A_92, %dma_start3A_93] : memref<2x3200x16xf32, #tpu.memory_space<vmem>> -> memref<1x128x16xf32, #tpu.memory_space<vmem>>
    %dma_start3A_95 = tpu.memref_squeeze %dma_start3A_94 : memref<1x128x16xf32, #tpu.memory_space<vmem>> -> memref<128x16xf32, #tpu.memory_space<vmem>>
    %dma_start3A_96 = arith.constant 0 : i32
    %dma_start3A_97 = tpu.memref_slice %arg7[%dma_start3A_89, %dma_start3A_90, %dma_start3A_96] : memref<2x25x128xi32, #tpu.memory_space<vmem>> -> memref<1x1x128xi32, #tpu.memory_space<vmem>>
    %dma_start3A_98 = tpu.memref_squeeze %dma_start3A_97 : memref<1x1x128xi32, #tpu.memory_space<vmem>> -> memref<128xi32, #tpu.memory_space<vmem>>
    %dma_start3A_99 = arith.constant 0 : i32
    %dma_start3A_100 = arith.constant 0 : i32
    %dma_start3A_101 = tpu.memref_slice %arg3[%dma_start3A_99, %dma_start3A_100] : memref<1015808x16xf32, #tpu.memory_space<hbm>> -> memref<1015808x16xf32, #tpu.memory_space<hbm>>
    tpu.enqueue_indirect_dma source(%dma_start3A_101 : memref<1015808x16xf32, #tpu.memory_space<hbm>>) target(%dma_start3A_95 : memref<128x16xf32, #tpu.memory_space<vmem>>) offsets(%dma_start3A_98 : memref<128xi32, #tpu.memory_space<vmem>>) semaphore(%arg11 : memref<!tpu.dma_semaphore, #tpu.memory_space<semaphore_mem>>)
    %dma_start3A_102 = arith.constant 0 : i32
    %dma_start3A_103 = arith.constant 7 : i32
    %dma_start3A_104 = arith.constant 0 : i32
    %dma_start3A_105 = arith.constant 896 : i32
    %dma_start3A_106 = arith.constant 0 : i32
    %dma_start3A_107 = tpu.memref_slice %arg8[%dma_start3A_104, %dma_start3A_105, %dma_start3A_106] : memref<2x3200x16xf32, #tpu.memory_space<vmem>> -> memref<1x128x16xf32, #tpu.memory_space<vmem>>
    %dma_start3A_108 = tpu.memref_squeeze %dma_start3A_107 : memref<1x128x16xf32, #tpu.memory_space<vmem>> -> memref<128x16xf32, #tpu.memory_space<vmem>>
    %dma_start3A_109 = arith.constant 0 : i32
    %dma_start3A_110 = tpu.memref_slice %arg7[%dma_start3A_102, %dma_start3A_103, %dma_start3A_109] : memref<2x25x128xi32, #tpu.memory_space<vmem>> -> memref<1x1x128xi32, #tpu.memory_space<vmem>>
    %dma_start3A_111 = tpu.memref_squeeze %dma_start3A_110 : memref<1x1x128xi32, #tpu.memory_space<vmem>> -> memref<128xi32, #tpu.memory_space<vmem>>
    %dma_start3A_112 = arith.constant 0 : i32
    %dma_start3A_113 = arith.constant 0 : i32
    %dma_start3A_114 = tpu.memref_slice %arg3[%dma_start3A_112, %dma_start3A_113] : memref<1015808x16xf32, #tpu.memory_space<hbm>> -> memref<1015808x16xf32, #tpu.memory_space<hbm>>
    tpu.enqueue_indirect_dma source(%dma_start3A_114 : memref<1015808x16xf32, #tpu.memory_space<hbm>>) target(%dma_start3A_108 : memref<128x16xf32, #tpu.memory_space<vmem>>) offsets(%dma_start3A_111 : memref<128xi32, #tpu.memory_space<vmem>>) semaphore(%arg11 : memref<!tpu.dma_semaphore, #tpu.memory_space<semaphore_mem>>)
    %dma_start3A_115 = arith.constant 0 : i32
    %dma_start3A_116 = arith.constant 8 : i32
    %dma_start3A_117 = arith.constant 0 : i32
    %dma_start3A_118 = arith.constant 1024 : i32
    %dma_start3A_119 = arith.constant 0 : i32
    %dma_start3A_120 = tpu.memref_slice %arg8[%dma_start3A_117, %dma_start3A_118, %dma_start3A_119] : memref<2x3200x16xf32, #tpu.memory_space<vmem>> -> memref<1x128x16xf32, #tpu.memory_space<vmem>>
    %dma_start3A_121 = tpu.memref_squeeze %dma_start3A_120 : memref<1x128x16xf32, #tpu.memory_space<vmem>> -> memref<128x16xf32, #tpu.memory_space<vmem>>
    %dma_start3A_122 = arith.constant 0 : i32
    %dma_start3A_123 = tpu.memref_slice %arg7[%dma_start3A_115, %dma_start3A_116, %dma_start3A_122] : memref<2x25x128xi32, #tpu.memory_space<vmem>> -> memref<1x1x128xi32, #tpu.memory_space<vmem>>
    %dma_start3A_124 = tpu.memref_squeeze %dma_start3A_123 : memref<1x1x128xi32, #tpu.memory_space<vmem>> -> memref<128xi32, #tpu.memory_space<vmem>>
    %dma_start3A_125 = arith.constant 0 : i32
    %dma_start3A_126 = arith.constant 0 : i32
    %dma_start3A_127 = tpu.memref_slice %arg3[%dma_start3A_125, %dma_start3A_126] : memref<1015808x16xf32, #tpu.memory_space<hbm>> -> memref<1015808x16xf32, #tpu.memory_space<hbm>>
    tpu.enqueue_indirect_dma source(%dma_start3A_127 : memref<1015808x16xf32, #tpu.memory_space<hbm>>) target(%dma_start3A_121 : memref<128x16xf32, #tpu.memory_space<vmem>>) offsets(%dma_start3A_124 : memref<128xi32, #tpu.memory_space<vmem>>) semaphore(%arg11 : memref<!tpu.dma_semaphore, #tpu.memory_space<semaphore_mem>>)
    %dma_start3A_128 = arith.constant 0 : i32
    %dma_start3A_129 = arith.constant 9 : i32
    %dma_start3A_130 = arith.constant 0 : i32
    %dma_start3A_131 = arith.constant 1152 : i32
    %dma_start3A_132 = arith.constant 0 : i32
    %dma_start3A_133 = tpu.memref_slice %arg8[%dma_start3A_130, %dma_start3A_131, %dma_start3A_132] : memref<2x3200x16xf32, #tpu.memory_space<vmem>> -> memref<1x128x16xf32, #tpu.memory_space<vmem>>
    %dma_start3A_134 = tpu.memref_squeeze %dma_start3A_133 : memref<1x128x16xf32, #tpu.memory_space<vmem>> -> memref<128x16xf32, #tpu.memory_space<vmem>>
    %dma_start3A_135 = arith.constant 0 : i32
    %dma_start3A_136 = tpu.memref_slice %arg7[%dma_start3A_128, %dma_start3A_129, %dma_start3A_135] : memref<2x25x128xi32, #tpu.memory_space<vmem>> -> memref<1x1x128xi32, #tpu.memory_space<vmem>>
    %dma_start3A_137 = tpu.memref_squeeze %dma_start3A_136 : memref<1x1x128xi32, #tpu.memory_space<vmem>> -> memref<128xi32, #tpu.memory_space<vmem>>
    %dma_start3A_138 = arith.constant 0 : i32
    %dma_start3A_139 = arith.constant 0 : i32
    %dma_start3A_140 = tpu.memref_slice %arg3[%dma_start3A_138, %dma_start3A_139] : memref<1015808x16xf32, #tpu.memory_space<hbm>> -> memref<1015808x16xf32, #tpu.memory_space<hbm>>
    tpu.enqueue_indirect_dma source(%dma_start3A_140 : memref<1015808x16xf32, #tpu.memory_space<hbm>>) target(%dma_start3A_134 : memref<128x16xf32, #tpu.memory_space<vmem>>) offsets(%dma_start3A_137 : memref<128xi32, #tpu.memory_space<vmem>>) semaphore(%arg11 : memref<!tpu.dma_semaphore, #tpu.memory_space<semaphore_mem>>)
    %dma_start3A_141 = arith.constant 0 : i32
    %dma_start3A_142 = arith.constant 10 : i32
    %dma_start3A_143 = arith.constant 0 : i32
    %dma_start3A_144 = arith.constant 1280 : i32
    %dma_start3A_145 = arith.constant 0 : i32
    %dma_start3A_146 = tpu.memref_slice %arg8[%dma_start3A_143, %dma_start3A_144, %dma_start3A_145] : memref<2x3200x16xf32, #tpu.memory_space<vmem>> -> memref<1x128x16xf32, #tpu.memory_space<vmem>>
    %dma_start3A_147 = tpu.memref_squeeze %dma_start3A_146 : memref<1x128x16xf32, #tpu.memory_space<vmem>> -> memref<128x16xf32, #tpu.memory_space<vmem>>
    %dma_start3A_148 = arith.constant 0 : i32
    %dma_start3A_149 = tpu.memref_slice %arg7[%dma_start3A_141, %dma_start3A_142, %dma_start3A_148] : memref<2x25x128xi32, #tpu.memory_space<vmem>> -> memref<1x1x128xi32, #tpu.memory_space<vmem>>
    %dma_start3A_150 = tpu.memref_squeeze %dma_start3A_149 : memref<1x1x128xi32, #tpu.memory_space<vmem>> -> memref<128xi32, #tpu.memory_space<vmem>>
    %dma_start3A_151 = arith.constant 0 : i32
    %dma_start3A_152 = arith.constant 0 : i32
    %dma_start3A_153 = tpu.memref_slice %arg3[%dma_start3A_151, %dma_start3A_152] : memref<1015808x16xf32, #tpu.memory_space<hbm>> -> memref<1015808x16xf32, #tpu.memory_space<hbm>>
    tpu.enqueue_indirect_dma source(%dma_start3A_153 : memref<1015808x16xf32, #tpu.memory_space<hbm>>) target(%dma_start3A_147 : memref<128x16xf32, #tpu.memory_space<vmem>>) offsets(%dma_start3A_150 : memref<128xi32, #tpu.memory_space<vmem>>) semaphore(%arg11 : memref<!tpu.dma_semaphore, #tpu.memory_space<semaphore_mem>>)
    %dma_start3A_154 = arith.constant 0 : i32
    %dma_start3A_155 = arith.constant 11 : i32
    %dma_start3A_156 = arith.constant 0 : i32
    %dma_start3A_157 = arith.constant 1408 : i32
    %dma_start3A_158 = arith.constant 0 : i32
    %dma_start3A_159 = tpu.memref_slice %arg8[%dma_start3A_156, %dma_start3A_157, %dma_start3A_158] : memref<2x3200x16xf32, #tpu.memory_space<vmem>> -> memref<1x128x16xf32, #tpu.memory_space<vmem>>
    %dma_start3A_160 = tpu.memref_squeeze %dma_start3A_159 : memref<1x128x16xf32, #tpu.memory_space<vmem>> -> memref<128x16xf32, #tpu.memory_space<vmem>>
    %dma_start3A_161 = arith.constant 0 : i32
    %dma_start3A_162 = tpu.memref_slice %arg7[%dma_start3A_154, %dma_start3A_155, %dma_start3A_161] : memref<2x25x128xi32, #tpu.memory_space<vmem>> -> memref<1x1x128xi32, #tpu.memory_space<vmem>>
    %dma_start3A_163 = tpu.memref_squeeze %dma_start3A_162 : memref<1x1x128xi32, #tpu.memory_space<vmem>> -> memref<128xi32, #tpu.memory_space<vmem>>
    %dma_start3A_164 = arith.constant 0 : i32
    %dma_start3A_165 = arith.constant 0 : i32
    %dma_start3A_166 = tpu.memref_slice %arg3[%dma_start3A_164, %dma_start3A_165] : memref<1015808x16xf32, #tpu.memory_space<hbm>> -> memref<1015808x16xf32, #tpu.memory_space<hbm>>
    tpu.enqueue_indirect_dma source(%dma_start3A_166 : memref<1015808x16xf32, #tpu.memory_space<hbm>>) target(%dma_start3A_160 : memref<128x16xf32, #tpu.memory_space<vmem>>) offsets(%dma_start3A_163 : memref<128xi32, #tpu.memory_space<vmem>>) semaphore(%arg11 : memref<!tpu.dma_semaphore, #tpu.memory_space<semaphore_mem>>)
    %dma_start3A_167 = arith.constant 0 : i32
    %dma_start3A_168 = arith.constant 12 : i32
    %dma_start3A_169 = arith.constant 0 : i32
    %dma_start3A_170 = arith.constant 1536 : i32
    %dma_start3A_171 = arith.constant 0 : i32
    %dma_start3A_172 = tpu.memref_slice %arg8[%dma_start3A_169, %dma_start3A_170, %dma_start3A_171] : memref<2x3200x16xf32, #tpu.memory_space<vmem>> -> memref<1x128x16xf32, #tpu.memory_space<vmem>>
    %dma_start3A_173 = tpu.memref_squeeze %dma_start3A_172 : memref<1x128x16xf32, #tpu.memory_space<vmem>> -> memref<128x16xf32, #tpu.memory_space<vmem>>
    %dma_start3A_174 = arith.constant 0 : i32
    %dma_start3A_175 = tpu.memref_slice %arg7[%dma_start3A_167, %dma_start3A_168, %dma_start3A_174] : memref<2x25x128xi32, #tpu.memory_space<vmem>> -> memref<1x1x128xi32, #tpu.memory_space<vmem>>
    %dma_start3A_176 = tpu.memref_squeeze %dma_start3A_175 : memref<1x1x128xi32, #tpu.memory_space<vmem>> -> memref<128xi32, #tpu.memory_space<vmem>>
    %dma_start3A_177 = arith.constant 0 : i32
    %dma_start3A_178 = arith.constant 0 : i32
    %dma_start3A_179 = tpu.memref_slice %arg3[%dma_start3A_177, %dma_start3A_178] : memref<1015808x16xf32, #tpu.memory_space<hbm>> -> memref<1015808x16xf32, #tpu.memory_space<hbm>>
    tpu.enqueue_indirect_dma source(%dma_start3A_179 : memref<1015808x16xf32, #tpu.memory_space<hbm>>) target(%dma_start3A_173 : memref<128x16xf32, #tpu.memory_space<vmem>>) offsets(%dma_start3A_176 : memref<128xi32, #tpu.memory_space<vmem>>) semaphore(%arg11 : memref<!tpu.dma_semaphore, #tpu.memory_space<semaphore_mem>>)
    %dma_start3A_180 = arith.constant 0 : i32
    %dma_start3A_181 = arith.constant 13 : i32
    %dma_start3A_182 = arith.constant 0 : i32
    %dma_start3A_183 = arith.constant 1664 : i32
    %dma_start3A_184 = arith.constant 0 : i32
    %dma_start3A_185 = tpu.memref_slice %arg8[%dma_start3A_182, %dma_start3A_183, %dma_start3A_184] : memref<2x3200x16xf32, #tpu.memory_space<vmem>> -> memref<1x128x16xf32, #tpu.memory_space<vmem>>
    %dma_start3A_186 = tpu.memref_squeeze %dma_start3A_185 : memref<1x128x16xf32, #tpu.memory_space<vmem>> -> memref<128x16xf32, #tpu.memory_space<vmem>>
    %dma_start3A_187 = arith.constant 0 : i32
    %dma_start3A_188 = tpu.memref_slice %arg7[%dma_start3A_180, %dma_start3A_181, %dma_start3A_187] : memref<2x25x128xi32, #tpu.memory_space<vmem>> -> memref<1x1x128xi32, #tpu.memory_space<vmem>>
    %dma_start3A_189 = tpu.memref_squeeze %dma_start3A_188 : memref<1x1x128xi32, #tpu.memory_space<vmem>> -> memref<128xi32, #tpu.memory_space<vmem>>
    %dma_start3A_190 = arith.constant 0 : i32
    %dma_start3A_191 = arith.constant 0 : i32
    %dma_start3A_192 = tpu.memref_slice %arg3[%dma_start3A_190, %dma_start3A_191] : memref<1015808x16xf32, #tpu.memory_space<hbm>> -> memref<1015808x16xf32, #tpu.memory_space<hbm>>
    tpu.enqueue_indirect_dma source(%dma_start3A_192 : memref<1015808x16xf32, #tpu.memory_space<hbm>>) target(%dma_start3A_186 : memref<128x16xf32, #tpu.memory_space<vmem>>) offsets(%dma_start3A_189 : memref<128xi32, #tpu.memory_space<vmem>>) semaphore(%arg11 : memref<!tpu.dma_semaphore, #tpu.memory_space<semaphore_mem>>)
    %dma_start3A_193 = arith.constant 0 : i32
    %dma_start3A_194 = arith.constant 14 : i32
    %dma_start3A_195 = arith.constant 0 : i32
    %dma_start3A_196 = arith.constant 1792 : i32
    %dma_start3A_197 = arith.constant 0 : i32
    %dma_start3A_198 = tpu.memref_slice %arg8[%dma_start3A_195, %dma_start3A_196, %dma_start3A_197] : memref<2x3200x16xf32, #tpu.memory_space<vmem>> -> memref<1x128x16xf32, #tpu.memory_space<vmem>>
    %dma_start3A_199 = tpu.memref_squeeze %dma_start3A_198 : memref<1x128x16xf32, #tpu.memory_space<vmem>> -> memref<128x16xf32, #tpu.memory_space<vmem>>
    %dma_start3A_200 = arith.constant 0 : i32
    %dma_start3A_201 = tpu.memref_slice %arg7[%dma_start3A_193, %dma_start3A_194, %dma_start3A_200] : memref<2x25x128xi32, #tpu.memory_space<vmem>> -> memref<1x1x128xi32, #tpu.memory_space<vmem>>
    %dma_start3A_202 = tpu.memref_squeeze %dma_start3A_201 : memref<1x1x128xi32, #tpu.memory_space<vmem>> -> memref<128xi32, #tpu.memory_space<vmem>>
    %dma_start3A_203 = arith.constant 0 : i32
    %dma_start3A_204 = arith.constant 0 : i32
    %dma_start3A_205 = tpu.memref_slice %arg3[%dma_start3A_203, %dma_start3A_204] : memref<1015808x16xf32, #tpu.memory_space<hbm>> -> memref<1015808x16xf32, #tpu.memory_space<hbm>>
    tpu.enqueue_indirect_dma source(%dma_start3A_205 : memref<1015808x16xf32, #tpu.memory_space<hbm>>) target(%dma_start3A_199 : memref<128x16xf32, #tpu.memory_space<vmem>>) offsets(%dma_start3A_202 : memref<128xi32, #tpu.memory_space<vmem>>) semaphore(%arg11 : memref<!tpu.dma_semaphore, #tpu.memory_space<semaphore_mem>>)
    %dma_start3A_206 = arith.constant 0 : i32
    %dma_start3A_207 = arith.constant 15 : i32
    %dma_start3A_208 = arith.constant 0 : i32
    %dma_start3A_209 = arith.constant 1920 : i32
    %dma_start3A_210 = arith.constant 0 : i32
    %dma_start3A_211 = tpu.memref_slice %arg8[%dma_start3A_208, %dma_start3A_209, %dma_start3A_210] : memref<2x3200x16xf32, #tpu.memory_space<vmem>> -> memref<1x128x16xf32, #tpu.memory_space<vmem>>
    %dma_start3A_212 = tpu.memref_squeeze %dma_start3A_211 : memref<1x128x16xf32, #tpu.memory_space<vmem>> -> memref<128x16xf32, #tpu.memory_space<vmem>>
    %dma_start3A_213 = arith.constant 0 : i32
    %dma_start3A_214 = tpu.memref_slice %arg7[%dma_start3A_206, %dma_start3A_207, %dma_start3A_213] : memref<2x25x128xi32, #tpu.memory_space<vmem>> -> memref<1x1x128xi32, #tpu.memory_space<vmem>>
    %dma_start3A_215 = tpu.memref_squeeze %dma_start3A_214 : memref<1x1x128xi32, #tpu.memory_space<vmem>> -> memref<128xi32, #tpu.memory_space<vmem>>
    %dma_start3A_216 = arith.constant 0 : i32
    %dma_start3A_217 = arith.constant 0 : i32
    %dma_start3A_218 = tpu.memref_slice %arg3[%dma_start3A_216, %dma_start3A_217] : memref<1015808x16xf32, #tpu.memory_space<hbm>> -> memref<1015808x16xf32, #tpu.memory_space<hbm>>
    tpu.enqueue_indirect_dma source(%dma_start3A_218 : memref<1015808x16xf32, #tpu.memory_space<hbm>>) target(%dma_start3A_212 : memref<128x16xf32, #tpu.memory_space<vmem>>) offsets(%dma_start3A_215 : memref<128xi32, #tpu.memory_space<vmem>>) semaphore(%arg11 : memref<!tpu.dma_semaphore, #tpu.memory_space<semaphore_mem>>)
    %dma_start3A_219 = arith.constant 0 : i32
    %dma_start3A_220 = arith.constant 16 : i32
    %dma_start3A_221 = arith.constant 0 : i32
    %dma_start3A_222 = arith.constant 2048 : i32
    %dma_start3A_223 = arith.constant 0 : i32
    %dma_start3A_224 = tpu.memref_slice %arg8[%dma_start3A_221, %dma_start3A_222, %dma_start3A_223] : memref<2x3200x16xf32, #tpu.memory_space<vmem>> -> memref<1x128x16xf32, #tpu.memory_space<vmem>>
    %dma_start3A_225 = tpu.memref_squeeze %dma_start3A_224 : memref<1x128x16xf32, #tpu.memory_space<vmem>> -> memref<128x16xf32, #tpu.memory_space<vmem>>
    %dma_start3A_226 = arith.constant 0 : i32
    %dma_start3A_227 = tpu.memref_slice %arg7[%dma_start3A_219, %dma_start3A_220, %dma_start3A_226] : memref<2x25x128xi32, #tpu.memory_space<vmem>> -> memref<1x1x128xi32, #tpu.memory_space<vmem>>
    %dma_start3A_228 = tpu.memref_squeeze %dma_start3A_227 : memref<1x1x128xi32, #tpu.memory_space<vmem>> -> memref<128xi32, #tpu.memory_space<vmem>>
    %dma_start3A_229 = arith.constant 0 : i32
    %dma_start3A_230 = arith.constant 0 : i32
    %dma_start3A_231 = tpu.memref_slice %arg3[%dma_start3A_229, %dma_start3A_230] : memref<1015808x16xf32, #tpu.memory_space<hbm>> -> memref<1015808x16xf32, #tpu.memory_space<hbm>>
    tpu.enqueue_indirect_dma source(%dma_start3A_231 : memref<1015808x16xf32, #tpu.memory_space<hbm>>) target(%dma_start3A_225 : memref<128x16xf32, #tpu.memory_space<vmem>>) offsets(%dma_start3A_228 : memref<128xi32, #tpu.memory_space<vmem>>) semaphore(%arg11 : memref<!tpu.dma_semaphore, #tpu.memory_space<semaphore_mem>>)
    %dma_start3A_232 = arith.constant 0 : i32
    %dma_start3A_233 = arith.constant 17 : i32
    %dma_start3A_234 = arith.constant 0 : i32
    %dma_start3A_235 = arith.constant 2176 : i32
    %dma_start3A_236 = arith.constant 0 : i32
    %dma_start3A_237 = tpu.memref_slice %arg8[%dma_start3A_234, %dma_start3A_235, %dma_start3A_236] : memref<2x3200x16xf32, #tpu.memory_space<vmem>> -> memref<1x128x16xf32, #tpu.memory_space<vmem>>
    %dma_start3A_238 = tpu.memref_squeeze %dma_start3A_237 : memref<1x128x16xf32, #tpu.memory_space<vmem>> -> memref<128x16xf32, #tpu.memory_space<vmem>>
    %dma_start3A_239 = arith.constant 0 : i32
    %dma_start3A_240 = tpu.memref_slice %arg7[%dma_start3A_232, %dma_start3A_233, %dma_start3A_239] : memref<2x25x128xi32, #tpu.memory_space<vmem>> -> memref<1x1x128xi32, #tpu.memory_space<vmem>>
    %dma_start3A_241 = tpu.memref_squeeze %dma_start3A_240 : memref<1x1x128xi32, #tpu.memory_space<vmem>> -> memref<128xi32, #tpu.memory_space<vmem>>
    %dma_start3A_242 = arith.constant 0 : i32
    %dma_start3A_243 = arith.constant 0 : i32
    %dma_start3A_244 = tpu.memref_slice %arg3[%dma_start3A_242, %dma_start3A_243] : memref<1015808x16xf32, #tpu.memory_space<hbm>> -> memref<1015808x16xf32, #tpu.memory_space<hbm>>
    tpu.enqueue_indirect_dma source(%dma_start3A_244 : memref<1015808x16xf32, #tpu.memory_space<hbm>>) target(%dma_start3A_238 : memref<128x16xf32, #tpu.memory_space<vmem>>) offsets(%dma_start3A_241 : memref<128xi32, #tpu.memory_space<vmem>>) semaphore(%arg11 : memref<!tpu.dma_semaphore, #tpu.memory_space<semaphore_mem>>)
    %dma_start3A_245 = arith.constant 0 : i32
    %dma_start3A_246 = arith.constant 18 : i32
    %dma_start3A_247 = arith.constant 0 : i32
    %dma_start3A_248 = arith.constant 2304 : i32
    %dma_start3A_249 = arith.constant 0 : i32
    %dma_start3A_250 = tpu.memref_slice %arg8[%dma_start3A_247, %dma_start3A_248, %dma_start3A_249] : memref<2x3200x16xf32, #tpu.memory_space<vmem>> -> memref<1x128x16xf32, #tpu.memory_space<vmem>>
    %dma_start3A_251 = tpu.memref_squeeze %dma_start3A_250 : memref<1x128x16xf32, #tpu.memory_space<vmem>> -> memref<128x16xf32, #tpu.memory_space<vmem>>
    %dma_start3A_252 = arith.constant 0 : i32
    %dma_start3A_253 = tpu.memref_slice %arg7[%dma_start3A_245, %dma_start3A_246, %dma_start3A_252] : memref<2x25x128xi32, #tpu.memory_space<vmem>> -> memref<1x1x128xi32, #tpu.memory_space<vmem>>
    %dma_start3A_254 = tpu.memref_squeeze %dma_start3A_253 : memref<1x1x128xi32, #tpu.memory_space<vmem>> -> memref<128xi32, #tpu.memory_space<vmem>>
    %dma_start3A_255 = arith.constant 0 : i32
    %dma_start3A_256 = arith.constant 0 : i32
    %dma_start3A_257 = tpu.memref_slice %arg3[%dma_start3A_255, %dma_start3A_256] : memref<1015808x16xf32, #tpu.memory_space<hbm>> -> memref<1015808x16xf32, #tpu.memory_space<hbm>>
    tpu.enqueue_indirect_dma source(%dma_start3A_257 : memref<1015808x16xf32, #tpu.memory_space<hbm>>) target(%dma_start3A_251 : memref<128x16xf32, #tpu.memory_space<vmem>>) offsets(%dma_start3A_254 : memref<128xi32, #tpu.memory_space<vmem>>) semaphore(%arg11 : memref<!tpu.dma_semaphore, #tpu.memory_space<semaphore_mem>>)
    %dma_start3A_258 = arith.constant 0 : i32
    %dma_start3A_259 = arith.constant 19 : i32
    %dma_start3A_260 = arith.constant 0 : i32
    %dma_start3A_261 = arith.constant 2432 : i32
    %dma_start3A_262 = arith.constant 0 : i32
    %dma_start3A_263 = tpu.memref_slice %arg8[%dma_start3A_260, %dma_start3A_261, %dma_start3A_262] : memref<2x3200x16xf32, #tpu.memory_space<vmem>> -> memref<1x128x16xf32, #tpu.memory_space<vmem>>
    %dma_start3A_264 = tpu.memref_squeeze %dma_start3A_263 : memref<1x128x16xf32, #tpu.memory_space<vmem>> -> memref<128x16xf32, #tpu.memory_space<vmem>>
    %dma_start3A_265 = arith.constant 0 : i32
    %dma_start3A_266 = tpu.memref_slice %arg7[%dma_start3A_258, %dma_start3A_259, %dma_start3A_265] : memref<2x25x128xi32, #tpu.memory_space<vmem>> -> memref<1x1x128xi32, #tpu.memory_space<vmem>>
    %dma_start3A_267 = tpu.memref_squeeze %dma_start3A_266 : memref<1x1x128xi32, #tpu.memory_space<vmem>> -> memref<128xi32, #tpu.memory_space<vmem>>
    %dma_start3A_268 = arith.constant 0 : i32
    %dma_start3A_269 = arith.constant 0 : i32
    %dma_start3A_270 = tpu.memref_slice %arg3[%dma_start3A_268, %dma_start3A_269] : memref<1015808x16xf32, #tpu.memory_space<hbm>> -> memref<1015808x16xf32, #tpu.memory_space<hbm>>
    tpu.enqueue_indirect_dma source(%dma_start3A_270 : memref<1015808x16xf32, #tpu.memory_space<hbm>>) target(%dma_start3A_264 : memref<128x16xf32, #tpu.memory_space<vmem>>) offsets(%dma_start3A_267 : memref<128xi32, #tpu.memory_space<vmem>>) semaphore(%arg11 : memref<!tpu.dma_semaphore, #tpu.memory_space<semaphore_mem>>)
    %dma_start3A_271 = arith.constant 0 : i32
    %dma_start3A_272 = arith.constant 20 : i32
    %dma_start3A_273 = arith.constant 0 : i32
    %dma_start3A_274 = arith.constant 2560 : i32
    %dma_start3A_275 = arith.constant 0 : i32
    %dma_start3A_276 = tpu.memref_slice %arg8[%dma_start3A_273, %dma_start3A_274, %dma_start3A_275] : memref<2x3200x16xf32, #tpu.memory_space<vmem>> -> memref<1x128x16xf32, #tpu.memory_space<vmem>>
    %dma_start3A_277 = tpu.memref_squeeze %dma_start3A_276 : memref<1x128x16xf32, #tpu.memory_space<vmem>> -> memref<128x16xf32, #tpu.memory_space<vmem>>
    %dma_start3A_278 = arith.constant 0 : i32
    %dma_start3A_279 = tpu.memref_slice %arg7[%dma_start3A_271, %dma_start3A_272, %dma_start3A_278] : memref<2x25x128xi32, #tpu.memory_space<vmem>> -> memref<1x1x128xi32, #tpu.memory_space<vmem>>
    %dma_start3A_280 = tpu.memref_squeeze %dma_start3A_279 : memref<1x1x128xi32, #tpu.memory_space<vmem>> -> memref<128xi32, #tpu.memory_space<vmem>>
    %dma_start3A_281 = arith.constant 0 : i32
    %dma_start3A_282 = arith.constant 0 : i32
    %dma_start3A_283 = tpu.memref_slice %arg3[%dma_start3A_281, %dma_start3A_282] : memref<1015808x16xf32, #tpu.memory_space<hbm>> -> memref<1015808x16xf32, #tpu.memory_space<hbm>>
    tpu.enqueue_indirect_dma source(%dma_start3A_283 : memref<1015808x16xf32, #tpu.memory_space<hbm>>) target(%dma_start3A_277 : memref<128x16xf32, #tpu.memory_space<vmem>>) offsets(%dma_start3A_280 : memref<128xi32, #tpu.memory_space<vmem>>) semaphore(%arg11 : memref<!tpu.dma_semaphore, #tpu.memory_space<semaphore_mem>>)
    %dma_start3A_284 = arith.constant 0 : i32
    %dma_start3A_285 = arith.constant 21 : i32
    %dma_start3A_286 = arith.constant 0 : i32
    %dma_start3A_287 = arith.constant 2688 : i32
    %dma_start3A_288 = arith.constant 0 : i32
    %dma_start3A_289 = tpu.memref_slice %arg8[%dma_start3A_286, %dma_start3A_287, %dma_start3A_288] : memref<2x3200x16xf32, #tpu.memory_space<vmem>> -> memref<1x128x16xf32, #tpu.memory_space<vmem>>
    %dma_start3A_290 = tpu.memref_squeeze %dma_start3A_289 : memref<1x128x16xf32, #tpu.memory_space<vmem>> -> memref<128x16xf32, #tpu.memory_space<vmem>>
    %dma_start3A_291 = arith.constant 0 : i32
    %dma_start3A_292 = tpu.memref_slice %arg7[%dma_start3A_284, %dma_start3A_285, %dma_start3A_291] : memref<2x25x128xi32, #tpu.memory_space<vmem>> -> memref<1x1x128xi32, #tpu.memory_space<vmem>>
    %dma_start3A_293 = tpu.memref_squeeze %dma_start3A_292 : memref<1x1x128xi32, #tpu.memory_space<vmem>> -> memref<128xi32, #tpu.memory_space<vmem>>
    %dma_start3A_294 = arith.constant 0 : i32
    %dma_start3A_295 = arith.constant 0 : i32
    %dma_start3A_296 = tpu.memref_slice %arg3[%dma_start3A_294, %dma_start3A_295] : memref<1015808x16xf32, #tpu.memory_space<hbm>> -> memref<1015808x16xf32, #tpu.memory_space<hbm>>
    tpu.enqueue_indirect_dma source(%dma_start3A_296 : memref<1015808x16xf32, #tpu.memory_space<hbm>>) target(%dma_start3A_290 : memref<128x16xf32, #tpu.memory_space<vmem>>) offsets(%dma_start3A_293 : memref<128xi32, #tpu.memory_space<vmem>>) semaphore(%arg11 : memref<!tpu.dma_semaphore, #tpu.memory_space<semaphore_mem>>)
    %dma_start3A_297 = arith.constant 0 : i32
    %dma_start3A_298 = arith.constant 22 : i32
    %dma_start3A_299 = arith.constant 0 : i32
    %dma_start3A_300 = arith.constant 2816 : i32
    %dma_start3A_301 = arith.constant 0 : i32
    %dma_start3A_302 = tpu.memref_slice %arg8[%dma_start3A_299, %dma_start3A_300, %dma_start3A_301] : memref<2x3200x16xf32, #tpu.memory_space<vmem>> -> memref<1x128x16xf32, #tpu.memory_space<vmem>>
    %dma_start3A_303 = tpu.memref_squeeze %dma_start3A_302 : memref<1x128x16xf32, #tpu.memory_space<vmem>> -> memref<128x16xf32, #tpu.memory_space<vmem>>
    %dma_start3A_304 = arith.constant 0 : i32
    %dma_start3A_305 = tpu.memref_slice %arg7[%dma_start3A_297, %dma_start3A_298, %dma_start3A_304] : memref<2x25x128xi32, #tpu.memory_space<vmem>> -> memref<1x1x128xi32, #tpu.memory_space<vmem>>
    %dma_start3A_306 = tpu.memref_squeeze %dma_start3A_305 : memref<1x1x128xi32, #tpu.memory_space<vmem>> -> memref<128xi32, #tpu.memory_space<vmem>>
    %dma_start3A_307 = arith.constant 0 : i32
    %dma_start3A_308 = arith.constant 0 : i32
    %dma_start3A_309 = tpu.memref_slice %arg3[%dma_start3A_307, %dma_start3A_308] : memref<1015808x16xf32, #tpu.memory_space<hbm>> -> memref<1015808x16xf32, #tpu.memory_space<hbm>>
    tpu.enqueue_indirect_dma source(%dma_start3A_309 : memref<1015808x16xf32, #tpu.memory_space<hbm>>) target(%dma_start3A_303 : memref<128x16xf32, #tpu.memory_space<vmem>>) offsets(%dma_start3A_306 : memref<128xi32, #tpu.memory_space<vmem>>) semaphore(%arg11 : memref<!tpu.dma_semaphore, #tpu.memory_space<semaphore_mem>>)
    %dma_start3A_310 = arith.constant 0 : i32
    %dma_start3A_311 = arith.constant 23 : i32
    %dma_start3A_312 = arith.constant 0 : i32
    %dma_start3A_313 = arith.constant 2944 : i32
    %dma_start3A_314 = arith.constant 0 : i32
    %dma_start3A_315 = tpu.memref_slice %arg8[%dma_start3A_312, %dma_start3A_313, %dma_start3A_314] : memref<2x3200x16xf32, #tpu.memory_space<vmem>> -> memref<1x128x16xf32, #tpu.memory_space<vmem>>
    %dma_start3A_316 = tpu.memref_squeeze %dma_start3A_315 : memref<1x128x16xf32, #tpu.memory_space<vmem>> -> memref<128x16xf32, #tpu.memory_space<vmem>>
    %dma_start3A_317 = arith.constant 0 : i32
    %dma_start3A_318 = tpu.memref_slice %arg7[%dma_start3A_310, %dma_start3A_311, %dma_start3A_317] : memref<2x25x128xi32, #tpu.memory_space<vmem>> -> memref<1x1x128xi32, #tpu.memory_space<vmem>>
    %dma_start3A_319 = tpu.memref_squeeze %dma_start3A_318 : memref<1x1x128xi32, #tpu.memory_space<vmem>> -> memref<128xi32, #tpu.memory_space<vmem>>
    %dma_start3A_320 = arith.constant 0 : i32
    %dma_start3A_321 = arith.constant 0 : i32
    %dma_start3A_322 = tpu.memref_slice %arg3[%dma_start3A_320, %dma_start3A_321] : memref<1015808x16xf32, #tpu.memory_space<hbm>> -> memref<1015808x16xf32, #tpu.memory_space<hbm>>
    tpu.enqueue_indirect_dma source(%dma_start3A_322 : memref<1015808x16xf32, #tpu.memory_space<hbm>>) target(%dma_start3A_316 : memref<128x16xf32, #tpu.memory_space<vmem>>) offsets(%dma_start3A_319 : memref<128xi32, #tpu.memory_space<vmem>>) semaphore(%arg11 : memref<!tpu.dma_semaphore, #tpu.memory_space<semaphore_mem>>)
    %dma_start3A_323 = arith.constant 0 : i32
    %dma_start3A_324 = arith.constant 24 : i32
    %dma_start3A_325 = arith.constant 0 : i32
    %dma_start3A_326 = arith.constant 3072 : i32
    %dma_start3A_327 = arith.constant 0 : i32
    %dma_start3A_328 = tpu.memref_slice %arg8[%dma_start3A_325, %dma_start3A_326, %dma_start3A_327] : memref<2x3200x16xf32, #tpu.memory_space<vmem>> -> memref<1x128x16xf32, #tpu.memory_space<vmem>>
    %dma_start3A_329 = tpu.memref_squeeze %dma_start3A_328 : memref<1x128x16xf32, #tpu.memory_space<vmem>> -> memref<128x16xf32, #tpu.memory_space<vmem>>
    %dma_start3A_330 = arith.constant 0 : i32
    %dma_start3A_331 = tpu.memref_slice %arg7[%dma_start3A_323, %dma_start3A_324, %dma_start3A_330] : memref<2x25x128xi32, #tpu.memory_space<vmem>> -> memref<1x1x128xi32, #tpu.memory_space<vmem>>
    %dma_start3A_332 = tpu.memref_squeeze %dma_start3A_331 : memref<1x1x128xi32, #tpu.memory_space<vmem>> -> memref<128xi32, #tpu.memory_space<vmem>>
    %dma_start3A_333 = arith.constant 0 : i32
    %dma_start3A_334 = arith.constant 0 : i32
    %dma_start3A_335 = tpu.memref_slice %arg3[%dma_start3A_333, %dma_start3A_334] : memref<1015808x16xf32, #tpu.memory_space<hbm>> -> memref<1015808x16xf32, #tpu.memory_space<hbm>>
    tpu.enqueue_indirect_dma source(%dma_start3A_335 : memref<1015808x16xf32, #tpu.memory_space<hbm>>) target(%dma_start3A_329 : memref<128x16xf32, #tpu.memory_space<vmem>>) offsets(%dma_start3A_332 : memref<128xi32, #tpu.memory_space<vmem>>) semaphore(%arg11 : memref<!tpu.dma_semaphore, #tpu.memory_space<semaphore_mem>>)
    %scan3A_336 = arith.constant 0 : i32
    %scan3A_337 = arith.constant 16 : i32
    %scan3A_338 = arith.addi %scan3A_336, %scan3A_337 : i32
    %scan3A_339 = arith.constant 1 : i32
    scf.for %scan3A_343 = %scan3A_336 to %scan3A_338 step %scan3A_339  : i32 {
      %mul3A_344 = arith.constant 2 : i32
      %mul3A_345 = arith.muli %scan3A_343, %mul3A_344 : i32
      %add3A_346 = arith.constant 0 : i32
      %add3A_347 = arith.addi %add3A_346, %mul3A_345 : i32
      %add3A_348 = arith.constant 0 : i32
      %add3A_349 = arith.addi %add3A_347, %add3A_348 : i32
      %add3A_350 = arith.constant 1 : i32
      %add3A_351 = arith.addi %add3A_349, %add3A_350 : i32
      %lt3A = arith.constant 32 : i32
      %lt3A_352 = arith.cmpi slt, %add3A_351, %lt3A : i32
      %convert_element_type3A = arith.extui %lt3A_352 : i1 to i32
      %cond3A = arith.constant 0 : i32
      %cond3A_353 = arith.cmpi ne, %convert_element_type3A, %cond3A : i32
      scf.if %cond3A_353 {
        %mul3A_431 = arith.constant 16 : i32
        %mul3A_432 = arith.muli %add3A_351, %mul3A_431 : i32
        %add3A_433 = arith.addi %mul3A_2, %mul3A_432 : i32
        "tpu.region"() ({
          %run_scoped3A = tpu.sem_alloc : memref<!tpu.dma_semaphore, #tpu.memory_space<semaphore_mem>>
          %dma_start3A_764 = arith.constant 0 : i32
          %dma_start3A_765 = tpu.memref_slice %arg2[%dma_start3A_764, %add3A_433] : memref<200x16384xi32, #tpu.memory_space<hbm>> -> memref<200x16xi32, #tpu.memory_space<hbm>>
          %dma_start3A_766 = arith.constant 0 : i32
          %dma_start3A_767 = tpu.memref_slice %arg2[%dma_start3A_766, %add3A_433] : memref<200x16384xi32, #tpu.memory_space<hbm>> -> memref<200x16xi32, #tpu.memory_space<hbm>>
          tpu.enqueue_dma source(%dma_start3A_767 : memref<200x16xi32, #tpu.memory_space<hbm>>) target(%arg6 : memref<200x16xi32, #tpu.memory_space<vmem>>) target_semaphore(%run_scoped3A : memref<!tpu.dma_semaphore, #tpu.memory_space<semaphore_mem>>)
          %dma_wait3A_768 = arith.constant 0 : i32
          %dma_wait3A_769 = tpu.memref_slice %arg2[%dma_wait3A_768, %add3A_433] : memref<200x16384xi32, #tpu.memory_space<hbm>> -> memref<200x16xi32, #tpu.memory_space<hbm>>
          %dma_wait3A_770 = arith.constant 0 : i32
          %dma_wait3A_771 = tpu.memref_slice %arg2[%dma_wait3A_770, %add3A_433] : memref<200x16384xi32, #tpu.memory_space<hbm>> -> memref<200x16xi32, #tpu.memory_space<hbm>>
          tpu.wait_dma2 semaphore(%run_scoped3A : memref<!tpu.dma_semaphore, #tpu.memory_space<semaphore_mem>>) src(%dma_wait3A_771 : memref<200x16xi32, #tpu.memory_space<hbm>>) dst(%arg6 : memref<200x16xi32, #tpu.memory_space<vmem>>)
          tpu.yield
        }) : () -> ()
        %scan3A_434 = arith.constant 0 : i32
        %scan3A_435 = arith.constant 25 : i32
        %scan3A_436 = arith.addi %scan3A_434, %scan3A_435 : i32
        %scan3A_437 = arith.constant 1 : i32
        scf.for %scan3A_764 = %scan3A_434 to %scan3A_436 step %scan3A_437  : i32 {
          %mul3A_765 = arith.constant 1 : i32
          %mul3A_766 = arith.muli %scan3A_764, %mul3A_765 : i32
          %add3A_767 = arith.constant 0 : i32
          %add3A_768 = arith.addi %add3A_767, %mul3A_766 : i32
          %mul3A_769 = arith.constant 8 : i32
          %mul3A_770 = arith.muli %add3A_768, %mul3A_769 : i32
          %add3A_771 = arith.constant 0 : i32
          %add3A_772 = arith.addi %mul3A_770, %add3A_771 : i32
          %get3A_773 = arith.index_cast %add3A_772 : i32 to index
          %get3A_774 = arith.constant 0 : index
          %get3A_775 = tpu.vector_load %arg6[%get3A_773, %get3A_774] {strides = array<i32>} : memref<200x16xi32, #tpu.memory_space<vmem>>, vector<16xi32>,
          %and3A = arith.constant -32768 : i32
          %and3A_776 = vector.broadcast %and3A : i32 to vector<16xi32>
          %and3A_777 = arith.andi %get3A_775, %and3A_776 : vector<16xi32>
          %and3A_778 = arith.constant 4095 : i32
          %and3A_779 = vector.broadcast %and3A_778 : i32 to vector<16xi32>
          %and3A_780 = arith.andi %get3A_775, %and3A_779 : vector<16xi32>
          %shift_left3A = arith.constant 3 : i32
          %shift_left3A_781 = vector.broadcast %shift_left3A : i32 to vector<16xi32>
          %shift_left3A_782 = arith.shli %and3A_780, %shift_left3A_781 : vector<16xi32>
          %or3A = arith.ori %and3A_777, %shift_left3A_782 : vector<16xi32>
          %shift_right_arithmetic3A = arith.constant 12 : i32
          %shift_right_arithmetic3A_783 = vector.broadcast %shift_right_arithmetic3A : i32 to vector<16xi32>
          %shift_right_arithmetic3A_784 = arith.shrsi %get3A_775, %shift_right_arithmetic3A_783 : vector<16xi32>
          %and3A_785 = arith.constant 7 : i32
          %and3A_786 = vector.broadcast %and3A_785 : i32 to vector<16xi32>
          %and3A_787 = arith.andi %shift_right_arithmetic3A_784, %and3A_786 : vector<16xi32>
          %or3A_788 = arith.ori %or3A, %and3A_787 : vector<16xi32>
          %swap3A = arith.constant 1 : i32
          %swap3A_789 = arith.index_cast %swap3A : i32 to index
          %swap3A_790 = arith.index_cast %add3A_768 : i32 to index
          %swap3A_791 = arith.constant 0 : index
          %swap3A_792 = tpu.vector_load %arg7[%swap3A_789, %swap3A_790, %swap3A_791] {strides = array<i32>} : memref<2x25x128xi32, #tpu.memory_space<vmem>>, vector<16xi32>,
          tpu.vector_store %arg7[%swap3A_789, %swap3A_790, %swap3A_791], %or3A_788 {strides = array<i32>} : memref<2x25x128xi32, #tpu.memory_space<vmem>>, vector<16xi32>,
          %mul3A_793 = arith.constant 8 : i32
          %mul3A_794 = arith.muli %add3A_768, %mul3A_793 : i32
          %add3A_795 = arith.constant 1 : i32
          %add3A_796 = arith.addi %mul3A_794, %add3A_795 : i32
          %get3A_797 = arith.index_cast %add3A_796 : i32 to index
          %get3A_798 = arith.constant 0 : index
          %get3A_799 = tpu.vector_load %arg6[%get3A_797, %get3A_798] {strides = array<i32>} : memref<200x16xi32, #tpu.memory_space<vmem>>, vector<16xi32>,
          %and3A_800 = arith.constant -32768 : i32
          %and3A_801 = vector.broadcast %and3A_800 : i32 to vector<16xi32>
          %and3A_802 = arith.andi %get3A_799, %and3A_801 : vector<16xi32>
          %and3A_803 = arith.constant 4095 : i32
          %and3A_804 = vector.broadcast %and3A_803 : i32 to vector<16xi32>
          %and3A_805 = arith.andi %get3A_799, %and3A_804 : vector<16xi32>
          %shift_left3A_806 = arith.constant 3 : i32
          %shift_left3A_807 = vector.broadcast %shift_left3A_806 : i32 to vector<16xi32>
          %shift_left3A_808 = arith.shli %and3A_805, %shift_left3A_807 : vector<16xi32>
          %or3A_809 = arith.ori %and3A_802, %shift_left3A_808 : vector<16xi32>
          %shift_right_arithmetic3A_810 = arith.constant 12 : i32
          %shift_right_arithmetic3A_811 = vector.broadcast %shift_right_arithmetic3A_810 : i32 to vector<16xi32>
          %shift_right_arithmetic3A_812 = arith.shrsi %get3A_799, %shift_right_arithmetic3A_811 : vector<16xi32>
          %and3A_813 = arith.constant 7 : i32
          %and3A_814 = vector.broadcast %and3A_813 : i32 to vector<16xi32>
          %and3A_815 = arith.andi %shift_right_arithmetic3A_812, %and3A_814 : vector<16xi32>
          %or3A_816 = arith.ori %or3A_809, %and3A_815 : vector<16xi32>
          %swap3A_817 = arith.constant 1 : i32
          %swap3A_818 = arith.index_cast %swap3A_817 : i32 to index
          %swap3A_819 = arith.index_cast %add3A_768 : i32 to index
          %swap3A_820 = arith.constant 16 : index
          %swap3A_821 = tpu.vector_load %arg7[%swap3A_818, %swap3A_819, %swap3A_820] {strides = array<i32>} : memref<2x25x128xi32, #tpu.memory_space<vmem>>, vector<16xi32>,
          tpu.vector_store %arg7[%swap3A_818, %swap3A_819, %swap3A_820], %or3A_816 {strides = array<i32>} : memref<2x25x128xi32, #tpu.memory_space<vmem>>, vector<16xi32>,
          %mul3A_822 = arith.constant 8 : i32
          %mul3A_823 = arith.muli %add3A_768, %mul3A_822 : i32
          %add3A_824 = arith.constant 2 : i32
          %add3A_825 = arith.addi %mul3A_823, %add3A_824 : i32
          %get3A_826 = arith.index_cast %add3A_825 : i32 to index
          %get3A_827 = arith.constant 0 : index
          %get3A_828 = tpu.vector_load %arg6[%get3A_826, %get3A_827] {strides = array<i32>} : memref<200x16xi32, #tpu.memory_space<vmem>>, vector<16xi32>,
          %and3A_829 = arith.constant -32768 : i32
          %and3A_830 = vector.broadcast %and3A_829 : i32 to vector<16xi32>
          %and3A_831 = arith.andi %get3A_828, %and3A_830 : vector<16xi32>
          %and3A_832 = arith.constant 4095 : i32
          %and3A_833 = vector.broadcast %and3A_832 : i32 to vector<16xi32>
          %and3A_834 = arith.andi %get3A_828, %and3A_833 : vector<16xi32>
          %shift_left3A_835 = arith.constant 3 : i32
          %shift_left3A_836 = vector.broadcast %shift_left3A_835 : i32 to vector<16xi32>
          %shift_left3A_837 = arith.shli %and3A_834, %shift_left3A_836 : vector<16xi32>
          %or3A_838 = arith.ori %and3A_831, %shift_left3A_837 : vector<16xi32>
          %shift_right_arithmetic3A_839 = arith.constant 12 : i32
          %shift_right_arithmetic3A_840 = vector.broadcast %shift_right_arithmetic3A_839 : i32 to vector<16xi32>
          %shift_right_arithmetic3A_841 = arith.shrsi %get3A_828, %shift_right_arithmetic3A_840 : vector<16xi32>
          %and3A_842 = arith.constant 7 : i32
          %and3A_843 = vector.broadcast %and3A_842 : i32 to vector<16xi32>
          %and3A_844 = arith.andi %shift_right_arithmetic3A_841, %and3A_843 : vector<16xi32>
          %or3A_845 = arith.ori %or3A_838, %and3A_844 : vector<16xi32>
          %swap3A_846 = arith.constant 1 : i32
          %swap3A_847 = arith.index_cast %swap3A_846 : i32 to index
          %swap3A_848 = arith.index_cast %add3A_768 : i32 to index
          %swap3A_849 = arith.constant 32 : index
          %swap3A_850 = tpu.vector_load %arg7[%swap3A_847, %swap3A_848, %swap3A_849] {strides = array<i32>} : memref<2x25x128xi32, #tpu.memory_space<vmem>>, vector<16xi32>,
          tpu.vector_store %arg7[%swap3A_847, %swap3A_848, %swap3A_849], %or3A_845 {strides = array<i32>} : memref<2x25x128xi32, #tpu.memory_space<vmem>>, vector<16xi32>,
          %mul3A_851 = arith.constant 8 : i32
          %mul3A_852 = arith.muli %add3A_768, %mul3A_851 : i32
          %add3A_853 = arith.constant 3 : i32
          %add3A_854 = arith.addi %mul3A_852, %add3A_853 : i32
          %get3A_855 = arith.index_cast %add3A_854 : i32 to index
          %get3A_856 = arith.constant 0 : index
          %get3A_857 = tpu.vector_load %arg6[%get3A_855, %get3A_856] {strides = array<i32>} : memref<200x16xi32, #tpu.memory_space<vmem>>, vector<16xi32>,
          %and3A_858 = arith.constant -32768 : i32
          %and3A_859 = vector.broadcast %and3A_858 : i32 to vector<16xi32>
          %and3A_860 = arith.andi %get3A_857, %and3A_859 : vector<16xi32>
          %and3A_861 = arith.constant 4095 : i32
          %and3A_862 = vector.broadcast %and3A_861 : i32 to vector<16xi32>
          %and3A_863 = arith.andi %get3A_857, %and3A_862 : vector<16xi32>
          %shift_left3A_864 = arith.constant 3 : i32
          %shift_left3A_865 = vector.broadcast %shift_left3A_864 : i32 to vector<16xi32>
          %shift_left3A_866 = arith.shli %and3A_863, %shift_left3A_865 : vector<16xi32>
          %or3A_867 = arith.ori %and3A_860, %shift_left3A_866 : vector<16xi32>
          %shift_right_arithmetic3A_868 = arith.constant 12 : i32
          %shift_right_arithmetic3A_869 = vector.broadcast %shift_right_arithmetic3A_868 : i32 to vector<16xi32>
          %shift_right_arithmetic3A_870 = arith.shrsi %get3A_857, %shift_right_arithmetic3A_869 : vector<16xi32>
          %and3A_871 = arith.constant 7 : i32
          %and3A_872 = vector.broadcast %and3A_871 : i32 to vector<16xi32>
          %and3A_873 = arith.andi %shift_right_arithmetic3A_870, %and3A_872 : vector<16xi32>
          %or3A_874 = arith.ori %or3A_867, %and3A_873 : vector<16xi32>
          %swap3A_875 = arith.constant 1 : i32
          %swap3A_876 = arith.index_cast %swap3A_875 : i32 to index
          %swap3A_877 = arith.index_cast %add3A_768 : i32 to index
          %swap3A_878 = arith.constant 48 : index
          %swap3A_879 = tpu.vector_load %arg7[%swap3A_876, %swap3A_877, %swap3A_878] {strides = array<i32>} : memref<2x25x128xi32, #tpu.memory_space<vmem>>, vector<16xi32>,
          tpu.vector_store %arg7[%swap3A_876, %swap3A_877, %swap3A_878], %or3A_874 {strides = array<i32>} : memref<2x25x128xi32, #tpu.memory_space<vmem>>, vector<16xi32>,
          %mul3A_880 = arith.constant 8 : i32
          %mul3A_881 = arith.muli %add3A_768, %mul3A_880 : i32
          %add3A_882 = arith.constant 4 : i32
          %add3A_883 = arith.addi %mul3A_881, %add3A_882 : i32
          %get3A_884 = arith.index_cast %add3A_883 : i32 to index
          %get3A_885 = arith.constant 0 : index
          %get3A_886 = tpu.vector_load %arg6[%get3A_884, %get3A_885] {strides = array<i32>} : memref<200x16xi32, #tpu.memory_space<vmem>>, vector<16xi32>,
          %and3A_887 = arith.constant -32768 : i32
          %and3A_888 = vector.broadcast %and3A_887 : i32 to vector<16xi32>
          %and3A_889 = arith.andi %get3A_886, %and3A_888 : vector<16xi32>
          %and3A_890 = arith.constant 4095 : i32
          %and3A_891 = vector.broadcast %and3A_890 : i32 to vector<16xi32>
          %and3A_892 = arith.andi %get3A_886, %and3A_891 : vector<16xi32>
          %shift_left3A_893 = arith.constant 3 : i32
          %shift_left3A_894 = vector.broadcast %shift_left3A_893 : i32 to vector<16xi32>
          %shift_left3A_895 = arith.shli %and3A_892, %shift_left3A_894 : vector<16xi32>
          %or3A_896 = arith.ori %and3A_889, %shift_left3A_895 : vector<16xi32>
          %shift_right_arithmetic3A_897 = arith.constant 12 : i32
          %shift_right_arithmetic3A_898 = vector.broadcast %shift_right_arithmetic3A_897 : i32 to vector<16xi32>
          %shift_right_arithmetic3A_899 = arith.shrsi %get3A_886, %shift_right_arithmetic3A_898 : vector<16xi32>
          %and3A_900 = arith.constant 7 : i32
          %and3A_901 = vector.broadcast %and3A_900 : i32 to vector<16xi32>
          %and3A_902 = arith.andi %shift_right_arithmetic3A_899, %and3A_901 : vector<16xi32>
          %or3A_903 = arith.ori %or3A_896, %and3A_902 : vector<16xi32>
          %swap3A_904 = arith.constant 1 : i32
          %swap3A_905 = arith.index_cast %swap3A_904 : i32 to index
          %swap3A_906 = arith.index_cast %add3A_768 : i32 to index
          %swap3A_907 = arith.constant 64 : index
          %swap3A_908 = tpu.vector_load %arg7[%swap3A_905, %swap3A_906, %swap3A_907] {strides = array<i32>} : memref<2x25x128xi32, #tpu.memory_space<vmem>>, vector<16xi32>,
          tpu.vector_store %arg7[%swap3A_905, %swap3A_906, %swap3A_907], %or3A_903 {strides = array<i32>} : memref<2x25x128xi32, #tpu.memory_space<vmem>>, vector<16xi32>,
          %mul3A_909 = arith.constant 8 : i32
          %mul3A_910 = arith.muli %add3A_768, %mul3A_909 : i32
          %add3A_911 = arith.constant 5 : i32
          %add3A_912 = arith.addi %mul3A_910, %add3A_911 : i32
          %get3A_913 = arith.index_cast %add3A_912 : i32 to index
          %get3A_914 = arith.constant 0 : index
          %get3A_915 = tpu.vector_load %arg6[%get3A_913, %get3A_914] {strides = array<i32>} : memref<200x16xi32, #tpu.memory_space<vmem>>, vector<16xi32>,
          %and3A_916 = arith.constant -32768 : i32
          %and3A_917 = vector.broadcast %and3A_916 : i32 to vector<16xi32>
          %and3A_918 = arith.andi %get3A_915, %and3A_917 : vector<16xi32>
          %and3A_919 = arith.constant 4095 : i32
          %and3A_920 = vector.broadcast %and3A_919 : i32 to vector<16xi32>
          %and3A_921 = arith.andi %get3A_915, %and3A_920 : vector<16xi32>
          %shift_left3A_922 = arith.constant 3 : i32
          %shift_left3A_923 = vector.broadcast %shift_left3A_922 : i32 to vector<16xi32>
          %shift_left3A_924 = arith.shli %and3A_921, %shift_left3A_923 : vector<16xi32>
          %or3A_925 = arith.ori %and3A_918, %shift_left3A_924 : vector<16xi32>
          %shift_right_arithmetic3A_926 = arith.constant 12 : i32
          %shift_right_arithmetic3A_927 = vector.broadcast %shift_right_arithmetic3A_926 : i32 to vector<16xi32>
          %shift_right_arithmetic3A_928 = arith.shrsi %get3A_915, %shift_right_arithmetic3A_927 : vector<16xi32>
          %and3A_929 = arith.constant 7 : i32
          %and3A_930 = vector.broadcast %and3A_929 : i32 to vector<16xi32>
          %and3A_931 = arith.andi %shift_right_arithmetic3A_928, %and3A_930 : vector<16xi32>
          %or3A_932 = arith.ori %or3A_925, %and3A_931 : vector<16xi32>
          %swap3A_933 = arith.constant 1 : i32
          %swap3A_934 = arith.index_cast %swap3A_933 : i32 to index
          %swap3A_935 = arith.index_cast %add3A_768 : i32 to index
          %swap3A_936 = arith.constant 80 : index
          %swap3A_937 = tpu.vector_load %arg7[%swap3A_934, %swap3A_935, %swap3A_936] {strides = array<i32>} : memref<2x25x128xi32, #tpu.memory_space<vmem>>, vector<16xi32>,
          tpu.vector_store %arg7[%swap3A_934, %swap3A_935, %swap3A_936], %or3A_932 {strides = array<i32>} : memref<2x25x128xi32, #tpu.memory_space<vmem>>, vector<16xi32>,
          %mul3A_938 = arith.constant 8 : i32
          %mul3A_939 = arith.muli %add3A_768, %mul3A_938 : i32
          %add3A_940 = arith.constant 6 : i32
          %add3A_941 = arith.addi %mul3A_939, %add3A_940 : i32
          %get3A_942 = arith.index_cast %add3A_941 : i32 to index
          %get3A_943 = arith.constant 0 : index
          %get3A_944 = tpu.vector_load %arg6[%get3A_942, %get3A_943] {strides = array<i32>} : memref<200x16xi32, #tpu.memory_space<vmem>>, vector<16xi32>,
          %and3A_945 = arith.constant -32768 : i32
          %and3A_946 = vector.broadcast %and3A_945 : i32 to vector<16xi32>
          %and3A_947 = arith.andi %get3A_944, %and3A_946 : vector<16xi32>
          %and3A_948 = arith.constant 4095 : i32
          %and3A_949 = vector.broadcast %and3A_948 : i32 to vector<16xi32>
          %and3A_950 = arith.andi %get3A_944, %and3A_949 : vector<16xi32>
          %shift_left3A_951 = arith.constant 3 : i32
          %shift_left3A_952 = vector.broadcast %shift_left3A_951 : i32 to vector<16xi32>
          %shift_left3A_953 = arith.shli %and3A_950, %shift_left3A_952 : vector<16xi32>
          %or3A_954 = arith.ori %and3A_947, %shift_left3A_953 : vector<16xi32>
          %shift_right_arithmetic3A_955 = arith.constant 12 : i32
          %shift_right_arithmetic3A_956 = vector.broadcast %shift_right_arithmetic3A_955 : i32 to vector<16xi32>
          %shift_right_arithmetic3A_957 = arith.shrsi %get3A_944, %shift_right_arithmetic3A_956 : vector<16xi32>
          %and3A_958 = arith.constant 7 : i32
          %and3A_959 = vector.broadcast %and3A_958 : i32 to vector<16xi32>
          %and3A_960 = arith.andi %shift_right_arithmetic3A_957, %and3A_959 : vector<16xi32>
          %or3A_961 = arith.ori %or3A_954, %and3A_960 : vector<16xi32>
          %swap3A_962 = arith.constant 1 : i32
          %swap3A_963 = arith.index_cast %swap3A_962 : i32 to index
          %swap3A_964 = arith.index_cast %add3A_768 : i32 to index
          %swap3A_965 = arith.constant 96 : index
          %swap3A_966 = tpu.vector_load %arg7[%swap3A_963, %swap3A_964, %swap3A_965] {strides = array<i32>} : memref<2x25x128xi32, #tpu.memory_space<vmem>>, vector<16xi32>,
          tpu.vector_store %arg7[%swap3A_963, %swap3A_964, %swap3A_965], %or3A_961 {strides = array<i32>} : memref<2x25x128xi32, #tpu.memory_space<vmem>>, vector<16xi32>,
          %mul3A_967 = arith.constant 8 : i32
          %mul3A_968 = arith.muli %add3A_768, %mul3A_967 : i32
          %add3A_969 = arith.constant 7 : i32
          %add3A_970 = arith.addi %mul3A_968, %add3A_969 : i32
          %get3A_971 = arith.index_cast %add3A_970 : i32 to index
          %get3A_972 = arith.constant 0 : index
          %get3A_973 = tpu.vector_load %arg6[%get3A_971, %get3A_972] {strides = array<i32>} : memref<200x16xi32, #tpu.memory_space<vmem>>, vector<16xi32>,
          %and3A_974 = arith.constant -32768 : i32
          %and3A_975 = vector.broadcast %and3A_974 : i32 to vector<16xi32>
          %and3A_976 = arith.andi %get3A_973, %and3A_975 : vector<16xi32>
          %and3A_977 = arith.constant 4095 : i32
          %and3A_978 = vector.broadcast %and3A_977 : i32 to vector<16xi32>
          %and3A_979 = arith.andi %get3A_973, %and3A_978 : vector<16xi32>
          %shift_left3A_980 = arith.constant 3 : i32
          %shift_left3A_981 = vector.broadcast %shift_left3A_980 : i32 to vector<16xi32>
          %shift_left3A_982 = arith.shli %and3A_979, %shift_left3A_981 : vector<16xi32>
          %or3A_983 = arith.ori %and3A_976, %shift_left3A_982 : vector<16xi32>
          %shift_right_arithmetic3A_984 = arith.constant 12 : i32
          %shift_right_arithmetic3A_985 = vector.broadcast %shift_right_arithmetic3A_984 : i32 to vector<16xi32>
          %shift_right_arithmetic3A_986 = arith.shrsi %get3A_973, %shift_right_arithmetic3A_985 : vector<16xi32>
          %and3A_987 = arith.constant 7 : i32
          %and3A_988 = vector.broadcast %and3A_987 : i32 to vector<16xi32>
          %and3A_989 = arith.andi %shift_right_arithmetic3A_986, %and3A_988 : vector<16xi32>
          %or3A_990 = arith.ori %or3A_983, %and3A_989 : vector<16xi32>
          %swap3A_991 = arith.constant 1 : i32
          %swap3A_992 = arith.index_cast %swap3A_991 : i32 to index
          %swap3A_993 = arith.index_cast %add3A_768 : i32 to index
          %swap3A_994 = arith.constant 112 : index
          %swap3A_995 = tpu.vector_load %arg7[%swap3A_992, %swap3A_993, %swap3A_994] {strides = array<i32>} : memref<2x25x128xi32, #tpu.memory_space<vmem>>, vector<16xi32>,
          tpu.vector_store %arg7[%swap3A_992, %swap3A_993, %swap3A_994], %or3A_990 {strides = array<i32>} : memref<2x25x128xi32, #tpu.memory_space<vmem>>, vector<16xi32>,
        }
        %scan3A_438 = arith.constant 25 : i32
        %dma_start3A_439 = arith.constant 1 : i32
        %dma_start3A_440 = arith.constant 0 : i32
        %dma_start3A_441 = arith.constant 1 : i32
        %dma_start3A_442 = arith.constant 0 : i32
        %dma_start3A_443 = arith.constant 0 : i32
        %dma_start3A_444 = tpu.memref_slice %arg8[%dma_start3A_441, %dma_start3A_442, %dma_start3A_443] : memref<2x3200x16xf32, #tpu.memory_space<vmem>> -> memref<1x128x16xf32, #tpu.memory_space<vmem>>
        %dma_start3A_445 = tpu.memref_squeeze %dma_start3A_444 : memref<1x128x16xf32, #tpu.memory_space<vmem>> -> memref<128x16xf32, #tpu.memory_space<vmem>>
        %dma_start3A_446 = arith.constant 0 : i32
        %dma_start3A_447 = tpu.memref_slice %arg7[%dma_start3A_439, %dma_start3A_440, %dma_start3A_446] : memref<2x25x128xi32, #tpu.memory_space<vmem>> -> memref<1x1x128xi32, #tpu.memory_space<vmem>>
        %dma_start3A_448 = tpu.memref_squeeze %dma_start3A_447 : memref<1x1x128xi32, #tpu.memory_space<vmem>> -> memref<128xi32, #tpu.memory_space<vmem>>
        %dma_start3A_449 = arith.constant 0 : i32
        %dma_start3A_450 = arith.constant 0 : i32
        %dma_start3A_451 = tpu.memref_slice %arg3[%dma_start3A_449, %dma_start3A_450] : memref<1015808x16xf32, #tpu.memory_space<hbm>> -> memref<1015808x16xf32, #tpu.memory_space<hbm>>
        tpu.enqueue_indirect_dma source(%dma_start3A_451 : memref<1015808x16xf32, #tpu.memory_space<hbm>>) target(%dma_start3A_445 : memref<128x16xf32, #tpu.memory_space<vmem>>) offsets(%dma_start3A_448 : memref<128xi32, #tpu.memory_space<vmem>>) semaphore(%arg12 : memref<!tpu.dma_semaphore, #tpu.memory_space<semaphore_mem>>)
        %dma_start3A_452 = arith.constant 1 : i32
        %dma_start3A_453 = arith.constant 1 : i32
        %dma_start3A_454 = arith.constant 1 : i32
        %dma_start3A_455 = arith.constant 128 : i32
        %dma_start3A_456 = arith.constant 0 : i32
        %dma_start3A_457 = tpu.memref_slice %arg8[%dma_start3A_454, %dma_start3A_455, %dma_start3A_456] : memref<2x3200x16xf32, #tpu.memory_space<vmem>> -> memref<1x128x16xf32, #tpu.memory_space<vmem>>
        %dma_start3A_458 = tpu.memref_squeeze %dma_start3A_457 : memref<1x128x16xf32, #tpu.memory_space<vmem>> -> memref<128x16xf32, #tpu.memory_space<vmem>>
        %dma_start3A_459 = arith.constant 0 : i32
        %dma_start3A_460 = tpu.memref_slice %arg7[%dma_start3A_452, %dma_start3A_453, %dma_start3A_459] : memref<2x25x128xi32, #tpu.memory_space<vmem>> -> memref<1x1x128xi32, #tpu.memory_space<vmem>>
        %dma_start3A_461 = tpu.memref_squeeze %dma_start3A_460 : memref<1x1x128xi32, #tpu.memory_space<vmem>> -> memref<128xi32, #tpu.memory_space<vmem>>
        %dma_start3A_462 = arith.constant 0 : i32
        %dma_start3A_463 = arith.constant 0 : i32
        %dma_start3A_464 = tpu.memref_slice %arg3[%dma_start3A_462, %dma_start3A_463] : memref<1015808x16xf32, #tpu.memory_space<hbm>> -> memref<1015808x16xf32, #tpu.memory_space<hbm>>
        tpu.enqueue_indirect_dma source(%dma_start3A_464 : memref<1015808x16xf32, #tpu.memory_space<hbm>>) target(%dma_start3A_458 : memref<128x16xf32, #tpu.memory_space<vmem>>) offsets(%dma_start3A_461 : memref<128xi32, #tpu.memory_space<vmem>>) semaphore(%arg12 : memref<!tpu.dma_semaphore, #tpu.memory_space<semaphore_mem>>)
        %dma_start3A_465 = arith.constant 1 : i32
        %dma_start3A_466 = arith.constant 2 : i32
        %dma_start3A_467 = arith.constant 1 : i32
        %dma_start3A_468 = arith.constant 256 : i32
        %dma_start3A_469 = arith.constant 0 : i32
        %dma_start3A_470 = tpu.memref_slice %arg8[%dma_start3A_467, %dma_start3A_468, %dma_start3A_469] : memref<2x3200x16xf32, #tpu.memory_space<vmem>> -> memref<1x128x16xf32, #tpu.memory_space<vmem>>
        %dma_start3A_471 = tpu.memref_squeeze %dma_start3A_470 : memref<1x128x16xf32, #tpu.memory_space<vmem>> -> memref<128x16xf32, #tpu.memory_space<vmem>>
        %dma_start3A_472 = arith.constant 0 : i32
        %dma_start3A_473 = tpu.memref_slice %arg7[%dma_start3A_465, %dma_start3A_466, %dma_start3A_472] : memref<2x25x128xi32, #tpu.memory_space<vmem>> -> memref<1x1x128xi32, #tpu.memory_space<vmem>>
        %dma_start3A_474 = tpu.memref_squeeze %dma_start3A_473 : memref<1x1x128xi32, #tpu.memory_space<vmem>> -> memref<128xi32, #tpu.memory_space<vmem>>
        %dma_start3A_475 = arith.constant 0 : i32
        %dma_start3A_476 = arith.constant 0 : i32
        %dma_start3A_477 = tpu.memref_slice %arg3[%dma_start3A_475, %dma_start3A_476] : memref<1015808x16xf32, #tpu.memory_space<hbm>> -> memref<1015808x16xf32, #tpu.memory_space<hbm>>
        tpu.enqueue_indirect_dma source(%dma_start3A_477 : memref<1015808x16xf32, #tpu.memory_space<hbm>>) target(%dma_start3A_471 : memref<128x16xf32, #tpu.memory_space<vmem>>) offsets(%dma_start3A_474 : memref<128xi32, #tpu.memory_space<vmem>>) semaphore(%arg12 : memref<!tpu.dma_semaphore, #tpu.memory_space<semaphore_mem>>)
        %dma_start3A_478 = arith.constant 1 : i32
        %dma_start3A_479 = arith.constant 3 : i32
        %dma_start3A_480 = arith.constant 1 : i32
        %dma_start3A_481 = arith.constant 384 : i32
        %dma_start3A_482 = arith.constant 0 : i32
        %dma_start3A_483 = tpu.memref_slice %arg8[%dma_start3A_480, %dma_start3A_481, %dma_start3A_482] : memref<2x3200x16xf32, #tpu.memory_space<vmem>> -> memref<1x128x16xf32, #tpu.memory_space<vmem>>
        %dma_start3A_484 = tpu.memref_squeeze %dma_start3A_483 : memref<1x128x16xf32, #tpu.memory_space<vmem>> -> memref<128x16xf32, #tpu.memory_space<vmem>>
        %dma_start3A_485 = arith.constant 0 : i32
        %dma_start3A_486 = tpu.memref_slice %arg7[%dma_start3A_478, %dma_start3A_479, %dma_start3A_485] : memref<2x25x128xi32, #tpu.memory_space<vmem>> -> memref<1x1x128xi32, #tpu.memory_space<vmem>>
        %dma_start3A_487 = tpu.memref_squeeze %dma_start3A_486 : memref<1x1x128xi32, #tpu.memory_space<vmem>> -> memref<128xi32, #tpu.memory_space<vmem>>
        %dma_start3A_488 = arith.constant 0 : i32
        %dma_start3A_489 = arith.constant 0 : i32
        %dma_start3A_490 = tpu.memref_slice %arg3[%dma_start3A_488, %dma_start3A_489] : memref<1015808x16xf32, #tpu.memory_space<hbm>> -> memref<1015808x16xf32, #tpu.memory_space<hbm>>
        tpu.enqueue_indirect_dma source(%dma_start3A_490 : memref<1015808x16xf32, #tpu.memory_space<hbm>>) target(%dma_start3A_484 : memref<128x16xf32, #tpu.memory_space<vmem>>) offsets(%dma_start3A_487 : memref<128xi32, #tpu.memory_space<vmem>>) semaphore(%arg12 : memref<!tpu.dma_semaphore, #tpu.memory_space<semaphore_mem>>)
        %dma_start3A_491 = arith.constant 1 : i32
        %dma_start3A_492 = arith.constant 4 : i32
        %dma_start3A_493 = arith.constant 1 : i32
        %dma_start3A_494 = arith.constant 512 : i32
        %dma_start3A_495 = arith.constant 0 : i32
        %dma_start3A_496 = tpu.memref_slice %arg8[%dma_start3A_493, %dma_start3A_494, %dma_start3A_495] : memref<2x3200x16xf32, #tpu.memory_space<vmem>> -> memref<1x128x16xf32, #tpu.memory_space<vmem>>
        %dma_start3A_497 = tpu.memref_squeeze %dma_start3A_496 : memref<1x128x16xf32, #tpu.memory_space<vmem>> -> memref<128x16xf32, #tpu.memory_space<vmem>>
        %dma_start3A_498 = arith.constant 0 : i32
        %dma_start3A_499 = tpu.memref_slice %arg7[%dma_start3A_491, %dma_start3A_492, %dma_start3A_498] : memref<2x25x128xi32, #tpu.memory_space<vmem>> -> memref<1x1x128xi32, #tpu.memory_space<vmem>>
        %dma_start3A_500 = tpu.memref_squeeze %dma_start3A_499 : memref<1x1x128xi32, #tpu.memory_space<vmem>> -> memref<128xi32, #tpu.memory_space<vmem>>
        %dma_start3A_501 = arith.constant 0 : i32
        %dma_start3A_502 = arith.constant 0 : i32
        %dma_start3A_503 = tpu.memref_slice %arg3[%dma_start3A_501, %dma_start3A_502] : memref<1015808x16xf32, #tpu.memory_space<hbm>> -> memref<1015808x16xf32, #tpu.memory_space<hbm>>
        tpu.enqueue_indirect_dma source(%dma_start3A_503 : memref<1015808x16xf32, #tpu.memory_space<hbm>>) target(%dma_start3A_497 : memref<128x16xf32, #tpu.memory_space<vmem>>) offsets(%dma_start3A_500 : memref<128xi32, #tpu.memory_space<vmem>>) semaphore(%arg12 : memref<!tpu.dma_semaphore, #tpu.memory_space<semaphore_mem>>)
        %dma_start3A_504 = arith.constant 1 : i32
        %dma_start3A_505 = arith.constant 5 : i32
        %dma_start3A_506 = arith.constant 1 : i32
        %dma_start3A_507 = arith.constant 640 : i32
        %dma_start3A_508 = arith.constant 0 : i32
        %dma_start3A_509 = tpu.memref_slice %arg8[%dma_start3A_506, %dma_start3A_507, %dma_start3A_508] : memref<2x3200x16xf32, #tpu.memory_space<vmem>> -> memref<1x128x16xf32, #tpu.memory_space<vmem>>
        %dma_start3A_510 = tpu.memref_squeeze %dma_start3A_509 : memref<1x128x16xf32, #tpu.memory_space<vmem>> -> memref<128x16xf32, #tpu.memory_space<vmem>>
        %dma_start3A_511 = arith.constant 0 : i32
        %dma_start3A_512 = tpu.memref_slice %arg7[%dma_start3A_504, %dma_start3A_505, %dma_start3A_511] : memref<2x25x128xi32, #tpu.memory_space<vmem>> -> memref<1x1x128xi32, #tpu.memory_space<vmem>>
        %dma_start3A_513 = tpu.memref_squeeze %dma_start3A_512 : memref<1x1x128xi32, #tpu.memory_space<vmem>> -> memref<128xi32, #tpu.memory_space<vmem>>
        %dma_start3A_514 = arith.constant 0 : i32
        %dma_start3A_515 = arith.constant 0 : i32
        %dma_start3A_516 = tpu.memref_slice %arg3[%dma_start3A_514, %dma_start3A_515] : memref<1015808x16xf32, #tpu.memory_space<hbm>> -> memref<1015808x16xf32, #tpu.memory_space<hbm>>
        tpu.enqueue_indirect_dma source(%dma_start3A_516 : memref<1015808x16xf32, #tpu.memory_space<hbm>>) target(%dma_start3A_510 : memref<128x16xf32, #tpu.memory_space<vmem>>) offsets(%dma_start3A_513 : memref<128xi32, #tpu.memory_space<vmem>>) semaphore(%arg12 : memref<!tpu.dma_semaphore, #tpu.memory_space<semaphore_mem>>)
        %dma_start3A_517 = arith.constant 1 : i32
        %dma_start3A_518 = arith.constant 6 : i32
        %dma_start3A_519 = arith.constant 1 : i32
        %dma_start3A_520 = arith.constant 768 : i32
        %dma_start3A_521 = arith.constant 0 : i32
        %dma_start3A_522 = tpu.memref_slice %arg8[%dma_start3A_519, %dma_start3A_520, %dma_start3A_521] : memref<2x3200x16xf32, #tpu.memory_space<vmem>> -> memref<1x128x16xf32, #tpu.memory_space<vmem>>
        %dma_start3A_523 = tpu.memref_squeeze %dma_start3A_522 : memref<1x128x16xf32, #tpu.memory_space<vmem>> -> memref<128x16xf32, #tpu.memory_space<vmem>>
        %dma_start3A_524 = arith.constant 0 : i32
        %dma_start3A_525 = tpu.memref_slice %arg7[%dma_start3A_517, %dma_start3A_518, %dma_start3A_524] : memref<2x25x128xi32, #tpu.memory_space<vmem>> -> memref<1x1x128xi32, #tpu.memory_space<vmem>>
        %dma_start3A_526 = tpu.memref_squeeze %dma_start3A_525 : memref<1x1x128xi32, #tpu.memory_space<vmem>> -> memref<128xi32, #tpu.memory_space<vmem>>
        %dma_start3A_527 = arith.constant 0 : i32
        %dma_start3A_528 = arith.constant 0 : i32
        %dma_start3A_529 = tpu.memref_slice %arg3[%dma_start3A_527, %dma_start3A_528] : memref<1015808x16xf32, #tpu.memory_space<hbm>> -> memref<1015808x16xf32, #tpu.memory_space<hbm>>
        tpu.enqueue_indirect_dma source(%dma_start3A_529 : memref<1015808x16xf32, #tpu.memory_space<hbm>>) target(%dma_start3A_523 : memref<128x16xf32, #tpu.memory_space<vmem>>) offsets(%dma_start3A_526 : memref<128xi32, #tpu.memory_space<vmem>>) semaphore(%arg12 : memref<!tpu.dma_semaphore, #tpu.memory_space<semaphore_mem>>)
        %dma_start3A_530 = arith.constant 1 : i32
        %dma_start3A_531 = arith.constant 7 : i32
        %dma_start3A_532 = arith.constant 1 : i32
        %dma_start3A_533 = arith.constant 896 : i32
        %dma_start3A_534 = arith.constant 0 : i32
        %dma_start3A_535 = tpu.memref_slice %arg8[%dma_start3A_532, %dma_start3A_533, %dma_start3A_534] : memref<2x3200x16xf32, #tpu.memory_space<vmem>> -> memref<1x128x16xf32, #tpu.memory_space<vmem>>
        %dma_start3A_536 = tpu.memref_squeeze %dma_start3A_535 : memref<1x128x16xf32, #tpu.memory_space<vmem>> -> memref<128x16xf32, #tpu.memory_space<vmem>>
        %dma_start3A_537 = arith.constant 0 : i32
        %dma_start3A_538 = tpu.memref_slice %arg7[%dma_start3A_530, %dma_start3A_531, %dma_start3A_537] : memref<2x25x128xi32, #tpu.memory_space<vmem>> -> memref<1x1x128xi32, #tpu.memory_space<vmem>>
        %dma_start3A_539 = tpu.memref_squeeze %dma_start3A_538 : memref<1x1x128xi32, #tpu.memory_space<vmem>> -> memref<128xi32, #tpu.memory_space<vmem>>
        %dma_start3A_540 = arith.constant 0 : i32
        %dma_start3A_541 = arith.constant 0 : i32
        %dma_start3A_542 = tpu.memref_slice %arg3[%dma_start3A_540, %dma_start3A_541] : memref<1015808x16xf32, #tpu.memory_space<hbm>> -> memref<1015808x16xf32, #tpu.memory_space<hbm>>
        tpu.enqueue_indirect_dma source(%dma_start3A_542 : memref<1015808x16xf32, #tpu.memory_space<hbm>>) target(%dma_start3A_536 : memref<128x16xf32, #tpu.memory_space<vmem>>) offsets(%dma_start3A_539 : memref<128xi32, #tpu.memory_space<vmem>>) semaphore(%arg12 : memref<!tpu.dma_semaphore, #tpu.memory_space<semaphore_mem>>)
        %dma_start3A_543 = arith.constant 1 : i32
        %dma_start3A_544 = arith.constant 8 : i32
        %dma_start3A_545 = arith.constant 1 : i32
        %dma_start3A_546 = arith.constant 1024 : i32
        %dma_start3A_547 = arith.constant 0 : i32
        %dma_start3A_548 = tpu.memref_slice %arg8[%dma_start3A_545, %dma_start3A_546, %dma_start3A_547] : memref<2x3200x16xf32, #tpu.memory_space<vmem>> -> memref<1x128x16xf32, #tpu.memory_space<vmem>>
        %dma_start3A_549 = tpu.memref_squeeze %dma_start3A_548 : memref<1x128x16xf32, #tpu.memory_space<vmem>> -> memref<128x16xf32, #tpu.memory_space<vmem>>
        %dma_start3A_550 = arith.constant 0 : i32
        %dma_start3A_551 = tpu.memref_slice %arg7[%dma_start3A_543, %dma_start3A_544, %dma_start3A_550] : memref<2x25x128xi32, #tpu.memory_space<vmem>> -> memref<1x1x128xi32, #tpu.memory_space<vmem>>
        %dma_start3A_552 = tpu.memref_squeeze %dma_start3A_551 : memref<1x1x128xi32, #tpu.memory_space<vmem>> -> memref<128xi32, #tpu.memory_space<vmem>>
        %dma_start3A_553 = arith.constant 0 : i32
        %dma_start3A_554 = arith.constant 0 : i32
        %dma_start3A_555 = tpu.memref_slice %arg3[%dma_start3A_553, %dma_start3A_554] : memref<1015808x16xf32, #tpu.memory_space<hbm>> -> memref<1015808x16xf32, #tpu.memory_space<hbm>>
        tpu.enqueue_indirect_dma source(%dma_start3A_555 : memref<1015808x16xf32, #tpu.memory_space<hbm>>) target(%dma_start3A_549 : memref<128x16xf32, #tpu.memory_space<vmem>>) offsets(%dma_start3A_552 : memref<128xi32, #tpu.memory_space<vmem>>) semaphore(%arg12 : memref<!tpu.dma_semaphore, #tpu.memory_space<semaphore_mem>>)
        %dma_start3A_556 = arith.constant 1 : i32
        %dma_start3A_557 = arith.constant 9 : i32
        %dma_start3A_558 = arith.constant 1 : i32
        %dma_start3A_559 = arith.constant 1152 : i32
        %dma_start3A_560 = arith.constant 0 : i32
        %dma_start3A_561 = tpu.memref_slice %arg8[%dma_start3A_558, %dma_start3A_559, %dma_start3A_560] : memref<2x3200x16xf32, #tpu.memory_space<vmem>> -> memref<1x128x16xf32, #tpu.memory_space<vmem>>
        %dma_start3A_562 = tpu.memref_squeeze %dma_start3A_561 : memref<1x128x16xf32, #tpu.memory_space<vmem>> -> memref<128x16xf32, #tpu.memory_space<vmem>>
        %dma_start3A_563 = arith.constant 0 : i32
        %dma_start3A_564 = tpu.memref_slice %arg7[%dma_start3A_556, %dma_start3A_557, %dma_start3A_563] : memref<2x25x128xi32, #tpu.memory_space<vmem>> -> memref<1x1x128xi32, #tpu.memory_space<vmem>>
        %dma_start3A_565 = tpu.memref_squeeze %dma_start3A_564 : memref<1x1x128xi32, #tpu.memory_space<vmem>> -> memref<128xi32, #tpu.memory_space<vmem>>
        %dma_start3A_566 = arith.constant 0 : i32
        %dma_start3A_567 = arith.constant 0 : i32
        %dma_start3A_568 = tpu.memref_slice %arg3[%dma_start3A_566, %dma_start3A_567] : memref<1015808x16xf32, #tpu.memory_space<hbm>> -> memref<1015808x16xf32, #tpu.memory_space<hbm>>
        tpu.enqueue_indirect_dma source(%dma_start3A_568 : memref<1015808x16xf32, #tpu.memory_space<hbm>>) target(%dma_start3A_562 : memref<128x16xf32, #tpu.memory_space<vmem>>) offsets(%dma_start3A_565 : memref<128xi32, #tpu.memory_space<vmem>>) semaphore(%arg12 : memref<!tpu.dma_semaphore, #tpu.memory_space<semaphore_mem>>)
        %dma_start3A_569 = arith.constant 1 : i32
        %dma_start3A_570 = arith.constant 10 : i32
        %dma_start3A_571 = arith.constant 1 : i32
        %dma_start3A_572 = arith.constant 1280 : i32
        %dma_start3A_573 = arith.constant 0 : i32
        %dma_start3A_574 = tpu.memref_slice %arg8[%dma_start3A_571, %dma_start3A_572, %dma_start3A_573] : memref<2x3200x16xf32, #tpu.memory_space<vmem>> -> memref<1x128x16xf32, #tpu.memory_space<vmem>>
        %dma_start3A_575 = tpu.memref_squeeze %dma_start3A_574 : memref<1x128x16xf32, #tpu.memory_space<vmem>> -> memref<128x16xf32, #tpu.memory_space<vmem>>
        %dma_start3A_576 = arith.constant 0 : i32
        %dma_start3A_577 = tpu.memref_slice %arg7[%dma_start3A_569, %dma_start3A_570, %dma_start3A_576] : memref<2x25x128xi32, #tpu.memory_space<vmem>> -> memref<1x1x128xi32, #tpu.memory_space<vmem>>
        %dma_start3A_578 = tpu.memref_squeeze %dma_start3A_577 : memref<1x1x128xi32, #tpu.memory_space<vmem>> -> memref<128xi32, #tpu.memory_space<vmem>>
        %dma_start3A_579 = arith.constant 0 : i32
        %dma_start3A_580 = arith.constant 0 : i32
        %dma_start3A_581 = tpu.memref_slice %arg3[%dma_start3A_579, %dma_start3A_580] : memref<1015808x16xf32, #tpu.memory_space<hbm>> -> memref<1015808x16xf32, #tpu.memory_space<hbm>>
        tpu.enqueue_indirect_dma source(%dma_start3A_581 : memref<1015808x16xf32, #tpu.memory_space<hbm>>) target(%dma_start3A_575 : memref<128x16xf32, #tpu.memory_space<vmem>>) offsets(%dma_start3A_578 : memref<128xi32, #tpu.memory_space<vmem>>) semaphore(%arg12 : memref<!tpu.dma_semaphore, #tpu.memory_space<semaphore_mem>>)
        %dma_start3A_582 = arith.constant 1 : i32
        %dma_start3A_583 = arith.constant 11 : i32
        %dma_start3A_584 = arith.constant 1 : i32
        %dma_start3A_585 = arith.constant 1408 : i32
        %dma_start3A_586 = arith.constant 0 : i32
        %dma_start3A_587 = tpu.memref_slice %arg8[%dma_start3A_584, %dma_start3A_585, %dma_start3A_586] : memref<2x3200x16xf32, #tpu.memory_space<vmem>> -> memref<1x128x16xf32, #tpu.memory_space<vmem>>
        %dma_start3A_588 = tpu.memref_squeeze %dma_start3A_587 : memref<1x128x16xf32, #tpu.memory_space<vmem>> -> memref<128x16xf32, #tpu.memory_space<vmem>>
        %dma_start3A_589 = arith.constant 0 : i32
        %dma_start3A_590 = tpu.memref_slice %arg7[%dma_start3A_582, %dma_start3A_583, %dma_start3A_589] : memref<2x25x128xi32, #tpu.memory_space<vmem>> -> memref<1x1x128xi32, #tpu.memory_space<vmem>>
        %dma_start3A_591 = tpu.memref_squeeze %dma_start3A_590 : memref<1x1x128xi32, #tpu.memory_space<vmem>> -> memref<128xi32, #tpu.memory_space<vmem>>
        %dma_start3A_592 = arith.constant 0 : i32
        %dma_start3A_593 = arith.constant 0 : i32
        %dma_start3A_594 = tpu.memref_slice %arg3[%dma_start3A_592, %dma_start3A_593] : memref<1015808x16xf32, #tpu.memory_space<hbm>> -> memref<1015808x16xf32, #tpu.memory_space<hbm>>
        tpu.enqueue_indirect_dma source(%dma_start3A_594 : memref<1015808x16xf32, #tpu.memory_space<hbm>>) target(%dma_start3A_588 : memref<128x16xf32, #tpu.memory_space<vmem>>) offsets(%dma_start3A_591 : memref<128xi32, #tpu.memory_space<vmem>>) semaphore(%arg12 : memref<!tpu.dma_semaphore, #tpu.memory_space<semaphore_mem>>)
        %dma_start3A_595 = arith.constant 1 : i32
        %dma_start3A_596 = arith.constant 12 : i32
        %dma_start3A_597 = arith.constant 1 : i32
        %dma_start3A_598 = arith.constant 1536 : i32
        %dma_start3A_599 = arith.constant 0 : i32
        %dma_start3A_600 = tpu.memref_slice %arg8[%dma_start3A_597, %dma_start3A_598, %dma_start3A_599] : memref<2x3200x16xf32, #tpu.memory_space<vmem>> -> memref<1x128x16xf32, #tpu.memory_space<vmem>>
        %dma_start3A_601 = tpu.memref_squeeze %dma_start3A_600 : memref<1x128x16xf32, #tpu.memory_space<vmem>> -> memref<128x16xf32, #tpu.memory_space<vmem>>
        %dma_start3A_602 = arith.constant 0 : i32
        %dma_start3A_603 = tpu.memref_slice %arg7[%dma_start3A_595, %dma_start3A_596, %dma_start3A_602] : memref<2x25x128xi32, #tpu.memory_space<vmem>> -> memref<1x1x128xi32, #tpu.memory_space<vmem>>
        %dma_start3A_604 = tpu.memref_squeeze %dma_start3A_603 : memref<1x1x128xi32, #tpu.memory_space<vmem>> -> memref<128xi32, #tpu.memory_space<vmem>>
        %dma_start3A_605 = arith.constant 0 : i32
        %dma_start3A_606 = arith.constant 0 : i32
        %dma_start3A_607 = tpu.memref_slice %arg3[%dma_start3A_605, %dma_start3A_606] : memref<1015808x16xf32, #tpu.memory_space<hbm>> -> memref<1015808x16xf32, #tpu.memory_space<hbm>>
        tpu.enqueue_indirect_dma source(%dma_start3A_607 : memref<1015808x16xf32, #tpu.memory_space<hbm>>) target(%dma_start3A_601 : memref<128x16xf32, #tpu.memory_space<vmem>>) offsets(%dma_start3A_604 : memref<128xi32, #tpu.memory_space<vmem>>) semaphore(%arg12 : memref<!tpu.dma_semaphore, #tpu.memory_space<semaphore_mem>>)
        %dma_start3A_608 = arith.constant 1 : i32
        %dma_start3A_609 = arith.constant 13 : i32
        %dma_start3A_610 = arith.constant 1 : i32
        %dma_start3A_611 = arith.constant 1664 : i32
        %dma_start3A_612 = arith.constant 0 : i32
        %dma_start3A_613 = tpu.memref_slice %arg8[%dma_start3A_610, %dma_start3A_611, %dma_start3A_612] : memref<2x3200x16xf32, #tpu.memory_space<vmem>> -> memref<1x128x16xf32, #tpu.memory_space<vmem>>
        %dma_start3A_614 = tpu.memref_squeeze %dma_start3A_613 : memref<1x128x16xf32, #tpu.memory_space<vmem>> -> memref<128x16xf32, #tpu.memory_space<vmem>>
        %dma_start3A_615 = arith.constant 0 : i32
        %dma_start3A_616 = tpu.memref_slice %arg7[%dma_start3A_608, %dma_start3A_609, %dma_start3A_615] : memref<2x25x128xi32, #tpu.memory_space<vmem>> -> memref<1x1x128xi32, #tpu.memory_space<vmem>>
        %dma_start3A_617 = tpu.memref_squeeze %dma_start3A_616 : memref<1x1x128xi32, #tpu.memory_space<vmem>> -> memref<128xi32, #tpu.memory_space<vmem>>
        %dma_start3A_618 = arith.constant 0 : i32
        %dma_start3A_619 = arith.constant 0 : i32
        %dma_start3A_620 = tpu.memref_slice %arg3[%dma_start3A_618, %dma_start3A_619] : memref<1015808x16xf32, #tpu.memory_space<hbm>> -> memref<1015808x16xf32, #tpu.memory_space<hbm>>
        tpu.enqueue_indirect_dma source(%dma_start3A_620 : memref<1015808x16xf32, #tpu.memory_space<hbm>>) target(%dma_start3A_614 : memref<128x16xf32, #tpu.memory_space<vmem>>) offsets(%dma_start3A_617 : memref<128xi32, #tpu.memory_space<vmem>>) semaphore(%arg12 : memref<!tpu.dma_semaphore, #tpu.memory_space<semaphore_mem>>)
        %dma_start3A_621 = arith.constant 1 : i32
        %dma_start3A_622 = arith.constant 14 : i32
        %dma_start3A_623 = arith.constant 1 : i32
        %dma_start3A_624 = arith.constant 1792 : i32
        %dma_start3A_625 = arith.constant 0 : i32
        %dma_start3A_626 = tpu.memref_slice %arg8[%dma_start3A_623, %dma_start3A_624, %dma_start3A_625] : memref<2x3200x16xf32, #tpu.memory_space<vmem>> -> memref<1x128x16xf32, #tpu.memory_space<vmem>>
        %dma_start3A_627 = tpu.memref_squeeze %dma_start3A_626 : memref<1x128x16xf32, #tpu.memory_space<vmem>> -> memref<128x16xf32, #tpu.memory_space<vmem>>
        %dma_start3A_628 = arith.constant 0 : i32
        %dma_start3A_629 = tpu.memref_slice %arg7[%dma_start3A_621, %dma_start3A_622, %dma_start3A_628] : memref<2x25x128xi32, #tpu.memory_space<vmem>> -> memref<1x1x128xi32, #tpu.memory_space<vmem>>
        %dma_start3A_630 = tpu.memref_squeeze %dma_start3A_629 : memref<1x1x128xi32, #tpu.memory_space<vmem>> -> memref<128xi32, #tpu.memory_space<vmem>>
        %dma_start3A_631 = arith.constant 0 : i32
        %dma_start3A_632 = arith.constant 0 : i32
        %dma_start3A_633 = tpu.memref_slice %arg3[%dma_start3A_631, %dma_start3A_632] : memref<1015808x16xf32, #tpu.memory_space<hbm>> -> memref<1015808x16xf32, #tpu.memory_space<hbm>>
        tpu.enqueue_indirect_dma source(%dma_start3A_633 : memref<1015808x16xf32, #tpu.memory_space<hbm>>) target(%dma_start3A_627 : memref<128x16xf32, #tpu.memory_space<vmem>>) offsets(%dma_start3A_630 : memref<128xi32, #tpu.memory_space<vmem>>) semaphore(%arg12 : memref<!tpu.dma_semaphore, #tpu.memory_space<semaphore_mem>>)
        %dma_start3A_634 = arith.constant 1 : i32
        %dma_start3A_635 = arith.constant 15 : i32
        %dma_start3A_636 = arith.constant 1 : i32
        %dma_start3A_637 = arith.constant 1920 : i32
        %dma_start3A_638 = arith.constant 0 : i32
        %dma_start3A_639 = tpu.memref_slice %arg8[%dma_start3A_636, %dma_start3A_637, %dma_start3A_638] : memref<2x3200x16xf32, #tpu.memory_space<vmem>> -> memref<1x128x16xf32, #tpu.memory_space<vmem>>
        %dma_start3A_640 = tpu.memref_squeeze %dma_start3A_639 : memref<1x128x16xf32, #tpu.memory_space<vmem>> -> memref<128x16xf32, #tpu.memory_space<vmem>>
        %dma_start3A_641 = arith.constant 0 : i32
        %dma_start3A_642 = tpu.memref_slice %arg7[%dma_start3A_634, %dma_start3A_635, %dma_start3A_641] : memref<2x25x128xi32, #tpu.memory_space<vmem>> -> memref<1x1x128xi32, #tpu.memory_space<vmem>>
        %dma_start3A_643 = tpu.memref_squeeze %dma_start3A_642 : memref<1x1x128xi32, #tpu.memory_space<vmem>> -> memref<128xi32, #tpu.memory_space<vmem>>
        %dma_start3A_644 = arith.constant 0 : i32
        %dma_start3A_645 = arith.constant 0 : i32
        %dma_start3A_646 = tpu.memref_slice %arg3[%dma_start3A_644, %dma_start3A_645] : memref<1015808x16xf32, #tpu.memory_space<hbm>> -> memref<1015808x16xf32, #tpu.memory_space<hbm>>
        tpu.enqueue_indirect_dma source(%dma_start3A_646 : memref<1015808x16xf32, #tpu.memory_space<hbm>>) target(%dma_start3A_640 : memref<128x16xf32, #tpu.memory_space<vmem>>) offsets(%dma_start3A_643 : memref<128xi32, #tpu.memory_space<vmem>>) semaphore(%arg12 : memref<!tpu.dma_semaphore, #tpu.memory_space<semaphore_mem>>)
        %dma_start3A_647 = arith.constant 1 : i32
        %dma_start3A_648 = arith.constant 16 : i32
        %dma_start3A_649 = arith.constant 1 : i32
        %dma_start3A_650 = arith.constant 2048 : i32
        %dma_start3A_651 = arith.constant 0 : i32
        %dma_start3A_652 = tpu.memref_slice %arg8[%dma_start3A_649, %dma_start3A_650, %dma_start3A_651] : memref<2x3200x16xf32, #tpu.memory_space<vmem>> -> memref<1x128x16xf32, #tpu.memory_space<vmem>>
        %dma_start3A_653 = tpu.memref_squeeze %dma_start3A_652 : memref<1x128x16xf32, #tpu.memory_space<vmem>> -> memref<128x16xf32, #tpu.memory_space<vmem>>
        %dma_start3A_654 = arith.constant 0 : i32
        %dma_start3A_655 = tpu.memref_slice %arg7[%dma_start3A_647, %dma_start3A_648, %dma_start3A_654] : memref<2x25x128xi32, #tpu.memory_space<vmem>> -> memref<1x1x128xi32, #tpu.memory_space<vmem>>
        %dma_start3A_656 = tpu.memref_squeeze %dma_start3A_655 : memref<1x1x128xi32, #tpu.memory_space<vmem>> -> memref<128xi32, #tpu.memory_space<vmem>>
        %dma_start3A_657 = arith.constant 0 : i32
        %dma_start3A_658 = arith.constant 0 : i32
        %dma_start3A_659 = tpu.memref_slice %arg3[%dma_start3A_657, %dma_start3A_658] : memref<1015808x16xf32, #tpu.memory_space<hbm>> -> memref<1015808x16xf32, #tpu.memory_space<hbm>>
        tpu.enqueue_indirect_dma source(%dma_start3A_659 : memref<1015808x16xf32, #tpu.memory_space<hbm>>) target(%dma_start3A_653 : memref<128x16xf32, #tpu.memory_space<vmem>>) offsets(%dma_start3A_656 : memref<128xi32, #tpu.memory_space<vmem>>) semaphore(%arg12 : memref<!tpu.dma_semaphore, #tpu.memory_space<semaphore_mem>>)
        %dma_start3A_660 = arith.constant 1 : i32
        %dma_start3A_661 = arith.constant 17 : i32
        %dma_start3A_662 = arith.constant 1 : i32
        %dma_start3A_663 = arith.constant 2176 : i32
        %dma_start3A_664 = arith.constant 0 : i32
        %dma_start3A_665 = tpu.memref_slice %arg8[%dma_start3A_662, %dma_start3A_663, %dma_start3A_664] : memref<2x3200x16xf32, #tpu.memory_space<vmem>> -> memref<1x128x16xf32, #tpu.memory_space<vmem>>
        %dma_start3A_666 = tpu.memref_squeeze %dma_start3A_665 : memref<1x128x16xf32, #tpu.memory_space<vmem>> -> memref<128x16xf32, #tpu.memory_space<vmem>>
        %dma_start3A_667 = arith.constant 0 : i32
        %dma_start3A_668 = tpu.memref_slice %arg7[%dma_start3A_660, %dma_start3A_661, %dma_start3A_667] : memref<2x25x128xi32, #tpu.memory_space<vmem>> -> memref<1x1x128xi32, #tpu.memory_space<vmem>>
        %dma_start3A_669 = tpu.memref_squeeze %dma_start3A_668 : memref<1x1x128xi32, #tpu.memory_space<vmem>> -> memref<128xi32, #tpu.memory_space<vmem>>
        %dma_start3A_670 = arith.constant 0 : i32
        %dma_start3A_671 = arith.constant 0 : i32
        %dma_start3A_672 = tpu.memref_slice %arg3[%dma_start3A_670, %dma_start3A_671] : memref<1015808x16xf32, #tpu.memory_space<hbm>> -> memref<1015808x16xf32, #tpu.memory_space<hbm>>
        tpu.enqueue_indirect_dma source(%dma_start3A_672 : memref<1015808x16xf32, #tpu.memory_space<hbm>>) target(%dma_start3A_666 : memref<128x16xf32, #tpu.memory_space<vmem>>) offsets(%dma_start3A_669 : memref<128xi32, #tpu.memory_space<vmem>>) semaphore(%arg12 : memref<!tpu.dma_semaphore, #tpu.memory_space<semaphore_mem>>)
        %dma_start3A_673 = arith.constant 1 : i32
        %dma_start3A_674 = arith.constant 18 : i32
        %dma_start3A_675 = arith.constant 1 : i32
        %dma_start3A_676 = arith.constant 2304 : i32
        %dma_start3A_677 = arith.constant 0 : i32
        %dma_start3A_678 = tpu.memref_slice %arg8[%dma_start3A_675, %dma_start3A_676, %dma_start3A_677] : memref<2x3200x16xf32, #tpu.memory_space<vmem>> -> memref<1x128x16xf32, #tpu.memory_space<vmem>>
        %dma_start3A_679 = tpu.memref_squeeze %dma_start3A_678 : memref<1x128x16xf32, #tpu.memory_space<vmem>> -> memref<128x16xf32, #tpu.memory_space<vmem>>
        %dma_start3A_680 = arith.constant 0 : i32
        %dma_start3A_681 = tpu.memref_slice %arg7[%dma_start3A_673, %dma_start3A_674, %dma_start3A_680] : memref<2x25x128xi32, #tpu.memory_space<vmem>> -> memref<1x1x128xi32, #tpu.memory_space<vmem>>
        %dma_start3A_682 = tpu.memref_squeeze %dma_start3A_681 : memref<1x1x128xi32, #tpu.memory_space<vmem>> -> memref<128xi32, #tpu.memory_space<vmem>>
        %dma_start3A_683 = arith.constant 0 : i32
        %dma_start3A_684 = arith.constant 0 : i32
        %dma_start3A_685 = tpu.memref_slice %arg3[%dma_start3A_683, %dma_start3A_684] : memref<1015808x16xf32, #tpu.memory_space<hbm>> -> memref<1015808x16xf32, #tpu.memory_space<hbm>>
        tpu.enqueue_indirect_dma source(%dma_start3A_685 : memref<1015808x16xf32, #tpu.memory_space<hbm>>) target(%dma_start3A_679 : memref<128x16xf32, #tpu.memory_space<vmem>>) offsets(%dma_start3A_682 : memref<128xi32, #tpu.memory_space<vmem>>) semaphore(%arg12 : memref<!tpu.dma_semaphore, #tpu.memory_space<semaphore_mem>>)
        %dma_start3A_686 = arith.constant 1 : i32
        %dma_start3A_687 = arith.constant 19 : i32
        %dma_start3A_688 = arith.constant 1 : i32
        %dma_start3A_689 = arith.constant 2432 : i32
        %dma_start3A_690 = arith.constant 0 : i32
        %dma_start3A_691 = tpu.memref_slice %arg8[%dma_start3A_688, %dma_start3A_689, %dma_start3A_690] : memref<2x3200x16xf32, #tpu.memory_space<vmem>> -> memref<1x128x16xf32, #tpu.memory_space<vmem>>
        %dma_start3A_692 = tpu.memref_squeeze %dma_start3A_691 : memref<1x128x16xf32, #tpu.memory_space<vmem>> -> memref<128x16xf32, #tpu.memory_space<vmem>>
        %dma_start3A_693 = arith.constant 0 : i32
        %dma_start3A_694 = tpu.memref_slice %arg7[%dma_start3A_686, %dma_start3A_687, %dma_start3A_693] : memref<2x25x128xi32, #tpu.memory_space<vmem>> -> memref<1x1x128xi32, #tpu.memory_space<vmem>>
        %dma_start3A_695 = tpu.memref_squeeze %dma_start3A_694 : memref<1x1x128xi32, #tpu.memory_space<vmem>> -> memref<128xi32, #tpu.memory_space<vmem>>
        %dma_start3A_696 = arith.constant 0 : i32
        %dma_start3A_697 = arith.constant 0 : i32
        %dma_start3A_698 = tpu.memref_slice %arg3[%dma_start3A_696, %dma_start3A_697] : memref<1015808x16xf32, #tpu.memory_space<hbm>> -> memref<1015808x16xf32, #tpu.memory_space<hbm>>
        tpu.enqueue_indirect_dma source(%dma_start3A_698 : memref<1015808x16xf32, #tpu.memory_space<hbm>>) target(%dma_start3A_692 : memref<128x16xf32, #tpu.memory_space<vmem>>) offsets(%dma_start3A_695 : memref<128xi32, #tpu.memory_space<vmem>>) semaphore(%arg12 : memref<!tpu.dma_semaphore, #tpu.memory_space<semaphore_mem>>)
        %dma_start3A_699 = arith.constant 1 : i32
        %dma_start3A_700 = arith.constant 20 : i32
        %dma_start3A_701 = arith.constant 1 : i32
        %dma_start3A_702 = arith.constant 2560 : i32
        %dma_start3A_703 = arith.constant 0 : i32
        %dma_start3A_704 = tpu.memref_slice %arg8[%dma_start3A_701, %dma_start3A_702, %dma_start3A_703] : memref<2x3200x16xf32, #tpu.memory_space<vmem>> -> memref<1x128x16xf32, #tpu.memory_space<vmem>>
        %dma_start3A_705 = tpu.memref_squeeze %dma_start3A_704 : memref<1x128x16xf32, #tpu.memory_space<vmem>> -> memref<128x16xf32, #tpu.memory_space<vmem>>
        %dma_start3A_706 = arith.constant 0 : i32
        %dma_start3A_707 = tpu.memref_slice %arg7[%dma_start3A_699, %dma_start3A_700, %dma_start3A_706] : memref<2x25x128xi32, #tpu.memory_space<vmem>> -> memref<1x1x128xi32, #tpu.memory_space<vmem>>
        %dma_start3A_708 = tpu.memref_squeeze %dma_start3A_707 : memref<1x1x128xi32, #tpu.memory_space<vmem>> -> memref<128xi32, #tpu.memory_space<vmem>>
        %dma_start3A_709 = arith.constant 0 : i32
        %dma_start3A_710 = arith.constant 0 : i32
        %dma_start3A_711 = tpu.memref_slice %arg3[%dma_start3A_709, %dma_start3A_710] : memref<1015808x16xf32, #tpu.memory_space<hbm>> -> memref<1015808x16xf32, #tpu.memory_space<hbm>>
        tpu.enqueue_indirect_dma source(%dma_start3A_711 : memref<1015808x16xf32, #tpu.memory_space<hbm>>) target(%dma_start3A_705 : memref<128x16xf32, #tpu.memory_space<vmem>>) offsets(%dma_start3A_708 : memref<128xi32, #tpu.memory_space<vmem>>) semaphore(%arg12 : memref<!tpu.dma_semaphore, #tpu.memory_space<semaphore_mem>>)
        %dma_start3A_712 = arith.constant 1 : i32
        %dma_start3A_713 = arith.constant 21 : i32
        %dma_start3A_714 = arith.constant 1 : i32
        %dma_start3A_715 = arith.constant 2688 : i32
        %dma_start3A_716 = arith.constant 0 : i32
        %dma_start3A_717 = tpu.memref_slice %arg8[%dma_start3A_714, %dma_start3A_715, %dma_start3A_716] : memref<2x3200x16xf32, #tpu.memory_space<vmem>> -> memref<1x128x16xf32, #tpu.memory_space<vmem>>
        %dma_start3A_718 = tpu.memref_squeeze %dma_start3A_717 : memref<1x128x16xf32, #tpu.memory_space<vmem>> -> memref<128x16xf32, #tpu.memory_space<vmem>>
        %dma_start3A_719 = arith.constant 0 : i32
        %dma_start3A_720 = tpu.memref_slice %arg7[%dma_start3A_712, %dma_start3A_713, %dma_start3A_719] : memref<2x25x128xi32, #tpu.memory_space<vmem>> -> memref<1x1x128xi32, #tpu.memory_space<vmem>>
        %dma_start3A_721 = tpu.memref_squeeze %dma_start3A_720 : memref<1x1x128xi32, #tpu.memory_space<vmem>> -> memref<128xi32, #tpu.memory_space<vmem>>
        %dma_start3A_722 = arith.constant 0 : i32
        %dma_start3A_723 = arith.constant 0 : i32
        %dma_start3A_724 = tpu.memref_slice %arg3[%dma_start3A_722, %dma_start3A_723] : memref<1015808x16xf32, #tpu.memory_space<hbm>> -> memref<1015808x16xf32, #tpu.memory_space<hbm>>
        tpu.enqueue_indirect_dma source(%dma_start3A_724 : memref<1015808x16xf32, #tpu.memory_space<hbm>>) target(%dma_start3A_718 : memref<128x16xf32, #tpu.memory_space<vmem>>) offsets(%dma_start3A_721 : memref<128xi32, #tpu.memory_space<vmem>>) semaphore(%arg12 : memref<!tpu.dma_semaphore, #tpu.memory_space<semaphore_mem>>)
        %dma_start3A_725 = arith.constant 1 : i32
        %dma_start3A_726 = arith.constant 22 : i32
        %dma_start3A_727 = arith.constant 1 : i32
        %dma_start3A_728 = arith.constant 2816 : i32
        %dma_start3A_729 = arith.constant 0 : i32
        %dma_start3A_730 = tpu.memref_slice %arg8[%dma_start3A_727, %dma_start3A_728, %dma_start3A_729] : memref<2x3200x16xf32, #tpu.memory_space<vmem>> -> memref<1x128x16xf32, #tpu.memory_space<vmem>>
        %dma_start3A_731 = tpu.memref_squeeze %dma_start3A_730 : memref<1x128x16xf32, #tpu.memory_space<vmem>> -> memref<128x16xf32, #tpu.memory_space<vmem>>
        %dma_start3A_732 = arith.constant 0 : i32
        %dma_start3A_733 = tpu.memref_slice %arg7[%dma_start3A_725, %dma_start3A_726, %dma_start3A_732] : memref<2x25x128xi32, #tpu.memory_space<vmem>> -> memref<1x1x128xi32, #tpu.memory_space<vmem>>
        %dma_start3A_734 = tpu.memref_squeeze %dma_start3A_733 : memref<1x1x128xi32, #tpu.memory_space<vmem>> -> memref<128xi32, #tpu.memory_space<vmem>>
        %dma_start3A_735 = arith.constant 0 : i32
        %dma_start3A_736 = arith.constant 0 : i32
        %dma_start3A_737 = tpu.memref_slice %arg3[%dma_start3A_735, %dma_start3A_736] : memref<1015808x16xf32, #tpu.memory_space<hbm>> -> memref<1015808x16xf32, #tpu.memory_space<hbm>>
        tpu.enqueue_indirect_dma source(%dma_start3A_737 : memref<1015808x16xf32, #tpu.memory_space<hbm>>) target(%dma_start3A_731 : memref<128x16xf32, #tpu.memory_space<vmem>>) offsets(%dma_start3A_734 : memref<128xi32, #tpu.memory_space<vmem>>) semaphore(%arg12 : memref<!tpu.dma_semaphore, #tpu.memory_space<semaphore_mem>>)
        %dma_start3A_738 = arith.constant 1 : i32
        %dma_start3A_739 = arith.constant 23 : i32
        %dma_start3A_740 = arith.constant 1 : i32
        %dma_start3A_741 = arith.constant 2944 : i32
        %dma_start3A_742 = arith.constant 0 : i32
        %dma_start3A_743 = tpu.memref_slice %arg8[%dma_start3A_740, %dma_start3A_741, %dma_start3A_742] : memref<2x3200x16xf32, #tpu.memory_space<vmem>> -> memref<1x128x16xf32, #tpu.memory_space<vmem>>
        %dma_start3A_744 = tpu.memref_squeeze %dma_start3A_743 : memref<1x128x16xf32, #tpu.memory_space<vmem>> -> memref<128x16xf32, #tpu.memory_space<vmem>>
        %dma_start3A_745 = arith.constant 0 : i32
        %dma_start3A_746 = tpu.memref_slice %arg7[%dma_start3A_738, %dma_start3A_739, %dma_start3A_745] : memref<2x25x128xi32, #tpu.memory_space<vmem>> -> memref<1x1x128xi32, #tpu.memory_space<vmem>>
        %dma_start3A_747 = tpu.memref_squeeze %dma_start3A_746 : memref<1x1x128xi32, #tpu.memory_space<vmem>> -> memref<128xi32, #tpu.memory_space<vmem>>
        %dma_start3A_748 = arith.constant 0 : i32
        %dma_start3A_749 = arith.constant 0 : i32
        %dma_start3A_750 = tpu.memref_slice %arg3[%dma_start3A_748, %dma_start3A_749] : memref<1015808x16xf32, #tpu.memory_space<hbm>> -> memref<1015808x16xf32, #tpu.memory_space<hbm>>
        tpu.enqueue_indirect_dma source(%dma_start3A_750 : memref<1015808x16xf32, #tpu.memory_space<hbm>>) target(%dma_start3A_744 : memref<128x16xf32, #tpu.memory_space<vmem>>) offsets(%dma_start3A_747 : memref<128xi32, #tpu.memory_space<vmem>>) semaphore(%arg12 : memref<!tpu.dma_semaphore, #tpu.memory_space<semaphore_mem>>)
        %dma_start3A_751 = arith.constant 1 : i32
        %dma_start3A_752 = arith.constant 24 : i32
        %dma_start3A_753 = arith.constant 1 : i32
        %dma_start3A_754 = arith.constant 3072 : i32
        %dma_start3A_755 = arith.constant 0 : i32
        %dma_start3A_756 = tpu.memref_slice %arg8[%dma_start3A_753, %dma_start3A_754, %dma_start3A_755] : memref<2x3200x16xf32, #tpu.memory_space<vmem>> -> memref<1x128x16xf32, #tpu.memory_space<vmem>>
        %dma_start3A_757 = tpu.memref_squeeze %dma_start3A_756 : memref<1x128x16xf32, #tpu.memory_space<vmem>> -> memref<128x16xf32, #tpu.memory_space<vmem>>
        %dma_start3A_758 = arith.constant 0 : i32
        %dma_start3A_759 = tpu.memref_slice %arg7[%dma_start3A_751, %dma_start3A_752, %dma_start3A_758] : memref<2x25x128xi32, #tpu.memory_space<vmem>> -> memref<1x1x128xi32, #tpu.memory_space<vmem>>
        %dma_start3A_760 = tpu.memref_squeeze %dma_start3A_759 : memref<1x1x128xi32, #tpu.memory_space<vmem>> -> memref<128xi32, #tpu.memory_space<vmem>>
        %dma_start3A_761 = arith.constant 0 : i32
        %dma_start3A_762 = arith.constant 0 : i32
        %dma_start3A_763 = tpu.memref_slice %arg3[%dma_start3A_761, %dma_start3A_762] : memref<1015808x16xf32, #tpu.memory_space<hbm>> -> memref<1015808x16xf32, #tpu.memory_space<hbm>>
        tpu.enqueue_indirect_dma source(%dma_start3A_763 : memref<1015808x16xf32, #tpu.memory_space<hbm>>) target(%dma_start3A_757 : memref<128x16xf32, #tpu.memory_space<vmem>>) offsets(%dma_start3A_760 : memref<128xi32, #tpu.memory_space<vmem>>) semaphore(%arg12 : memref<!tpu.dma_semaphore, #tpu.memory_space<semaphore_mem>>)
      } else {
      }
      %dma_wait3A = arith.constant 0 : i32
      %dma_wait3A_354 = arith.constant 0 : i32
      %dma_wait3A_355 = arith.constant 0 : i32
      %dma_wait3A_356 = tpu.memref_slice %arg8[%dma_wait3A, %dma_wait3A_354, %dma_wait3A_355] : memref<2x3200x16xf32, #tpu.memory_space<vmem>> -> memref<1x3200x16xf32, #tpu.memory_space<vmem>>
      %dma_wait3A_357 = tpu.memref_squeeze %dma_wait3A_356 : memref<1x3200x16xf32, #tpu.memory_space<vmem>> -> memref<3200x16xf32, #tpu.memory_space<vmem>>
      %dma_wait3A_358 = arith.constant 0 : i32
      %dma_wait3A_359 = arith.constant 0 : i32
      %dma_wait3A_360 = tpu.memref_slice %arg3[%dma_wait3A_358, %dma_wait3A_359] : memref<1015808x16xf32, #tpu.memory_space<hbm>> -> memref<3200x16xf32, #tpu.memory_space<hbm>>
      %dma_wait3A_361 = arith.constant 0 : i32
      %dma_wait3A_362 = arith.constant 0 : i32
      %dma_wait3A_363 = tpu.memref_slice %arg8[%dma_wait3A, %dma_wait3A_361, %dma_wait3A_362] : memref<2x3200x16xf32, #tpu.memory_space<vmem>> -> memref<1x3200x16xf32, #tpu.memory_space<vmem>>
      %dma_wait3A_364 = tpu.memref_squeeze %dma_wait3A_363 : memref<1x3200x16xf32, #tpu.memory_space<vmem>> -> memref<3200x16xf32, #tpu.memory_space<vmem>>
      %dma_wait3A_365 = arith.constant 0 : i32
      %dma_wait3A_366 = arith.constant 0 : i32
      %dma_wait3A_367 = tpu.memref_slice %arg3[%dma_wait3A_365, %dma_wait3A_366] : memref<1015808x16xf32, #tpu.memory_space<hbm>> -> memref<3200x16xf32, #tpu.memory_space<hbm>>
      tpu.wait_dma2 semaphore(%arg11 : memref<!tpu.dma_semaphore, #tpu.memory_space<semaphore_mem>>) src(%dma_wait3A_367 : memref<3200x16xf32, #tpu.memory_space<hbm>>) dst(%dma_wait3A_364 : memref<3200x16xf32, #tpu.memory_space<vmem>>)
      %add3A_368 = arith.constant 0 : i32
      %add3A_369 = arith.addi %add3A_347, %add3A_368 : i32
      %get3A = arith.constant 0 : i32
      %get3A_370 = arith.index_cast %get3A : i32 to index
      %get3A_371 = arith.constant 0 : index
      %get3A_372 = tpu.vector_load %arg10[%get3A_370, %get3A_371] {strides = array<i32>} : memref<2x16xf32, #tpu.memory_space<vmem>>, vector<16xf32>,
      %get3A_373 = arith.constant 1 : i32
      %get3A_374 = arith.index_cast %get3A_373 : i32 to index
      %get3A_375 = arith.constant 0 : index
      %get3A_376 = tpu.vector_load %arg10[%get3A_374, %get3A_375] {strides = array<i32>} : memref<2x16xf32, #tpu.memory_space<vmem>>, vector<16xf32>,
      %scan3A_377 = arith.constant 0 : i32
      %scan3A_378 = arith.constant 25 : i32
      %scan3A_379 = arith.addi %scan3A_377, %scan3A_378 : i32
      %scan3A_380 = arith.constant 1 : i32
      %scan3A_381:2 = scf.for %scan3A_431 = %scan3A_377 to %scan3A_379 step %scan3A_380 iter_args(%scan3A_432 = %get3A_372, %scan3A_433 = %get3A_376) -> (vector<16xf32>, vector<16xf32>)  : i32 {
        %mul3A_434 = arith.constant 8 : i32
        %mul3A_435 = arith.muli %scan3A_431, %mul3A_434 : i32
        %add3A_436 = arith.constant 0 : i32
        %add3A_437 = arith.addi %mul3A_435, %add3A_436 : i32
        %mul3A_438 = arith.constant 16 : i32
        %mul3A_439 = arith.muli %add3A_437, %mul3A_438 : i32
        %add3A_440 = vector.broadcast %mul3A_439 : i32 to vector<16xi32>
        %add3A_441 = arith.addi %add3A_440, %iota3A : vector<16xi32>
        %gather3A = arith.constant 0 : i32
        %gather3A_442 = arith.constant 0 : i32
        %gather3A_443 = arith.constant 0 : i32
        %gather3A_444 = tpu.memref_slice %arg8[%gather3A, %gather3A_442, %gather3A_443] : memref<2x3200x16xf32, #tpu.memory_space<vmem>> -> memref<1x3200x16xf32, #tpu.memory_space<vmem>>
        %gather3A_445 = tpu.memref_squeeze %gather3A_444 : memref<1x3200x16xf32, #tpu.memory_space<vmem>> -> memref<3200x16xf32, #tpu.memory_space<vmem>>
        %gather3A_446 = tpu.vector_load_idx %gather3A_445[%add3A_441, %broadcast_in_dim3A_3] : memref<3200x16xf32, #tpu.memory_space<vmem>>[vector<16xi32>, vector<16xi32>], vector<16xf32>,
        %add3A_447 = arith.addf %scan3A_432, %gather3A_446 : vector<16xf32>
        %gather3A_448 = arith.constant 0 : i32
        %gather3A_449 = arith.constant 0 : i32
        %gather3A_450 = arith.constant 0 : i32
        %gather3A_451 = tpu.memref_slice %arg8[%gather3A_448, %gather3A_449, %gather3A_450] : memref<2x3200x16xf32, #tpu.memory_space<vmem>> -> memref<1x3200x16xf32, #tpu.memory_space<vmem>>
        %gather3A_452 = tpu.memref_squeeze %gather3A_451 : memref<1x3200x16xf32, #tpu.memory_space<vmem>> -> memref<3200x16xf32, #tpu.memory_space<vmem>>
        %gather3A_453 = tpu.vector_load_idx %gather3A_452[%add3A_441, %broadcast_in_dim3A_5] : memref<3200x16xf32, #tpu.memory_space<vmem>>[vector<16xi32>, vector<16xi32>], vector<16xf32>,
        %add3A_454 = arith.addf %scan3A_433, %gather3A_453 : vector<16xf32>
        %mul3A_455 = arith.constant 8 : i32
        %mul3A_456 = arith.muli %scan3A_431, %mul3A_455 : i32
        %add3A_457 = arith.constant 1 : i32
        %add3A_458 = arith.addi %mul3A_456, %add3A_457 : i32
        %mul3A_459 = arith.constant 16 : i32
        %mul3A_460 = arith.muli %add3A_458, %mul3A_459 : i32
        %add3A_461 = vector.broadcast %mul3A_460 : i32 to vector<16xi32>
        %add3A_462 = arith.addi %add3A_461, %iota3A : vector<16xi32>
        %gather3A_463 = arith.constant 0 : i32
        %gather3A_464 = arith.constant 0 : i32
        %gather3A_465 = arith.constant 0 : i32
        %gather3A_466 = tpu.memref_slice %arg8[%gather3A_463, %gather3A_464, %gather3A_465] : memref<2x3200x16xf32, #tpu.memory_space<vmem>> -> memref<1x3200x16xf32, #tpu.memory_space<vmem>>
        %gather3A_467 = tpu.memref_squeeze %gather3A_466 : memref<1x3200x16xf32, #tpu.memory_space<vmem>> -> memref<3200x16xf32, #tpu.memory_space<vmem>>
        %gather3A_468 = tpu.vector_load_idx %gather3A_467[%add3A_462, %broadcast_in_dim3A_3] : memref<3200x16xf32, #tpu.memory_space<vmem>>[vector<16xi32>, vector<16xi32>], vector<16xf32>,
        %add3A_469 = arith.addf %add3A_447, %gather3A_468 : vector<16xf32>
        %gather3A_470 = arith.constant 0 : i32
        %gather3A_471 = arith.constant 0 : i32
        %gather3A_472 = arith.constant 0 : i32
        %gather3A_473 = tpu.memref_slice %arg8[%gather3A_470, %gather3A_471, %gather3A_472] : memref<2x3200x16xf32, #tpu.memory_space<vmem>> -> memref<1x3200x16xf32, #tpu.memory_space<vmem>>
        %gather3A_474 = tpu.memref_squeeze %gather3A_473 : memref<1x3200x16xf32, #tpu.memory_space<vmem>> -> memref<3200x16xf32, #tpu.memory_space<vmem>>
        %gather3A_475 = tpu.vector_load_idx %gather3A_474[%add3A_462, %broadcast_in_dim3A_5] : memref<3200x16xf32, #tpu.memory_space<vmem>>[vector<16xi32>, vector<16xi32>], vector<16xf32>,
        %add3A_476 = arith.addf %add3A_454, %gather3A_475 : vector<16xf32>
        %mul3A_477 = arith.constant 8 : i32
        %mul3A_478 = arith.muli %scan3A_431, %mul3A_477 : i32
        %add3A_479 = arith.constant 2 : i32
        %add3A_480 = arith.addi %mul3A_478, %add3A_479 : i32
        %mul3A_481 = arith.constant 16 : i32
        %mul3A_482 = arith.muli %add3A_480, %mul3A_481 : i32
        %add3A_483 = vector.broadcast %mul3A_482 : i32 to vector<16xi32>
        %add3A_484 = arith.addi %add3A_483, %iota3A : vector<16xi32>
        %gather3A_485 = arith.constant 0 : i32
        %gather3A_486 = arith.constant 0 : i32
        %gather3A_487 = arith.constant 0 : i32
        %gather3A_488 = tpu.memref_slice %arg8[%gather3A_485, %gather3A_486, %gather3A_487] : memref<2x3200x16xf32, #tpu.memory_space<vmem>> -> memref<1x3200x16xf32, #tpu.memory_space<vmem>>
        %gather3A_489 = tpu.memref_squeeze %gather3A_488 : memref<1x3200x16xf32, #tpu.memory_space<vmem>> -> memref<3200x16xf32, #tpu.memory_space<vmem>>
        %gather3A_490 = tpu.vector_load_idx %gather3A_489[%add3A_484, %broadcast_in_dim3A_3] : memref<3200x16xf32, #tpu.memory_space<vmem>>[vector<16xi32>, vector<16xi32>], vector<16xf32>,
        %add3A_491 = arith.addf %add3A_469, %gather3A_490 : vector<16xf32>
        %gather3A_492 = arith.constant 0 : i32
        %gather3A_493 = arith.constant 0 : i32
        %gather3A_494 = arith.constant 0 : i32
        %gather3A_495 = tpu.memref_slice %arg8[%gather3A_492, %gather3A_493, %gather3A_494] : memref<2x3200x16xf32, #tpu.memory_space<vmem>> -> memref<1x3200x16xf32, #tpu.memory_space<vmem>>
        %gather3A_496 = tpu.memref_squeeze %gather3A_495 : memref<1x3200x16xf32, #tpu.memory_space<vmem>> -> memref<3200x16xf32, #tpu.memory_space<vmem>>
        %gather3A_497 = tpu.vector_load_idx %gather3A_496[%add3A_484, %broadcast_in_dim3A_5] : memref<3200x16xf32, #tpu.memory_space<vmem>>[vector<16xi32>, vector<16xi32>], vector<16xf32>,
        %add3A_498 = arith.addf %add3A_476, %gather3A_497 : vector<16xf32>
        %mul3A_499 = arith.constant 8 : i32
        %mul3A_500 = arith.muli %scan3A_431, %mul3A_499 : i32
        %add3A_501 = arith.constant 3 : i32
        %add3A_502 = arith.addi %mul3A_500, %add3A_501 : i32
        %mul3A_503 = arith.constant 16 : i32
        %mul3A_504 = arith.muli %add3A_502, %mul3A_503 : i32
        %add3A_505 = vector.broadcast %mul3A_504 : i32 to vector<16xi32>
        %add3A_506 = arith.addi %add3A_505, %iota3A : vector<16xi32>
        %gather3A_507 = arith.constant 0 : i32
        %gather3A_508 = arith.constant 0 : i32
        %gather3A_509 = arith.constant 0 : i32
        %gather3A_510 = tpu.memref_slice %arg8[%gather3A_507, %gather3A_508, %gather3A_509] : memref<2x3200x16xf32, #tpu.memory_space<vmem>> -> memref<1x3200x16xf32, #tpu.memory_space<vmem>>
        %gather3A_511 = tpu.memref_squeeze %gather3A_510 : memref<1x3200x16xf32, #tpu.memory_space<vmem>> -> memref<3200x16xf32, #tpu.memory_space<vmem>>
        %gather3A_512 = tpu.vector_load_idx %gather3A_511[%add3A_506, %broadcast_in_dim3A_3] : memref<3200x16xf32, #tpu.memory_space<vmem>>[vector<16xi32>, vector<16xi32>], vector<16xf32>,
        %add3A_513 = arith.addf %add3A_491, %gather3A_512 : vector<16xf32>
        %gather3A_514 = arith.constant 0 : i32
        %gather3A_515 = arith.constant 0 : i32
        %gather3A_516 = arith.constant 0 : i32
        %gather3A_517 = tpu.memref_slice %arg8[%gather3A_514, %gather3A_515, %gather3A_516] : memref<2x3200x16xf32, #tpu.memory_space<vmem>> -> memref<1x3200x16xf32, #tpu.memory_space<vmem>>
        %gather3A_518 = tpu.memref_squeeze %gather3A_517 : memref<1x3200x16xf32, #tpu.memory_space<vmem>> -> memref<3200x16xf32, #tpu.memory_space<vmem>>
        %gather3A_519 = tpu.vector_load_idx %gather3A_518[%add3A_506, %broadcast_in_dim3A_5] : memref<3200x16xf32, #tpu.memory_space<vmem>>[vector<16xi32>, vector<16xi32>], vector<16xf32>,
        %add3A_520 = arith.addf %add3A_498, %gather3A_519 : vector<16xf32>
        %mul3A_521 = arith.constant 8 : i32
        %mul3A_522 = arith.muli %scan3A_431, %mul3A_521 : i32
        %add3A_523 = arith.constant 4 : i32
        %add3A_524 = arith.addi %mul3A_522, %add3A_523 : i32
        %mul3A_525 = arith.constant 16 : i32
        %mul3A_526 = arith.muli %add3A_524, %mul3A_525 : i32
        %add3A_527 = vector.broadcast %mul3A_526 : i32 to vector<16xi32>
        %add3A_528 = arith.addi %add3A_527, %iota3A : vector<16xi32>
        %gather3A_529 = arith.constant 0 : i32
        %gather3A_530 = arith.constant 0 : i32
        %gather3A_531 = arith.constant 0 : i32
        %gather3A_532 = tpu.memref_slice %arg8[%gather3A_529, %gather3A_530, %gather3A_531] : memref<2x3200x16xf32, #tpu.memory_space<vmem>> -> memref<1x3200x16xf32, #tpu.memory_space<vmem>>
        %gather3A_533 = tpu.memref_squeeze %gather3A_532 : memref<1x3200x16xf32, #tpu.memory_space<vmem>> -> memref<3200x16xf32, #tpu.memory_space<vmem>>
        %gather3A_534 = tpu.vector_load_idx %gather3A_533[%add3A_528, %broadcast_in_dim3A_3] : memref<3200x16xf32, #tpu.memory_space<vmem>>[vector<16xi32>, vector<16xi32>], vector<16xf32>,
        %add3A_535 = arith.addf %add3A_513, %gather3A_534 : vector<16xf32>
        %gather3A_536 = arith.constant 0 : i32
        %gather3A_537 = arith.constant 0 : i32
        %gather3A_538 = arith.constant 0 : i32
        %gather3A_539 = tpu.memref_slice %arg8[%gather3A_536, %gather3A_537, %gather3A_538] : memref<2x3200x16xf32, #tpu.memory_space<vmem>> -> memref<1x3200x16xf32, #tpu.memory_space<vmem>>
        %gather3A_540 = tpu.memref_squeeze %gather3A_539 : memref<1x3200x16xf32, #tpu.memory_space<vmem>> -> memref<3200x16xf32, #tpu.memory_space<vmem>>
        %gather3A_541 = tpu.vector_load_idx %gather3A_540[%add3A_528, %broadcast_in_dim3A_5] : memref<3200x16xf32, #tpu.memory_space<vmem>>[vector<16xi32>, vector<16xi32>], vector<16xf32>,
        %add3A_542 = arith.addf %add3A_520, %gather3A_541 : vector<16xf32>
        %mul3A_543 = arith.constant 8 : i32
        %mul3A_544 = arith.muli %scan3A_431, %mul3A_543 : i32
        %add3A_545 = arith.constant 5 : i32
        %add3A_546 = arith.addi %mul3A_544, %add3A_545 : i32
        %mul3A_547 = arith.constant 16 : i32
        %mul3A_548 = arith.muli %add3A_546, %mul3A_547 : i32
        %add3A_549 = vector.broadcast %mul3A_548 : i32 to vector<16xi32>
        %add3A_550 = arith.addi %add3A_549, %iota3A : vector<16xi32>
        %gather3A_551 = arith.constant 0 : i32
        %gather3A_552 = arith.constant 0 : i32
        %gather3A_553 = arith.constant 0 : i32
        %gather3A_554 = tpu.memref_slice %arg8[%gather3A_551, %gather3A_552, %gather3A_553] : memref<2x3200x16xf32, #tpu.memory_space<vmem>> -> memref<1x3200x16xf32, #tpu.memory_space<vmem>>
        %gather3A_555 = tpu.memref_squeeze %gather3A_554 : memref<1x3200x16xf32, #tpu.memory_space<vmem>> -> memref<3200x16xf32, #tpu.memory_space<vmem>>
        %gather3A_556 = tpu.vector_load_idx %gather3A_555[%add3A_550, %broadcast_in_dim3A_3] : memref<3200x16xf32, #tpu.memory_space<vmem>>[vector<16xi32>, vector<16xi32>], vector<16xf32>,
        %add3A_557 = arith.addf %add3A_535, %gather3A_556 : vector<16xf32>
        %gather3A_558 = arith.constant 0 : i32
        %gather3A_559 = arith.constant 0 : i32
        %gather3A_560 = arith.constant 0 : i32
        %gather3A_561 = tpu.memref_slice %arg8[%gather3A_558, %gather3A_559, %gather3A_560] : memref<2x3200x16xf32, #tpu.memory_space<vmem>> -> memref<1x3200x16xf32, #tpu.memory_space<vmem>>
        %gather3A_562 = tpu.memref_squeeze %gather3A_561 : memref<1x3200x16xf32, #tpu.memory_space<vmem>> -> memref<3200x16xf32, #tpu.memory_space<vmem>>
        %gather3A_563 = tpu.vector_load_idx %gather3A_562[%add3A_550, %broadcast_in_dim3A_5] : memref<3200x16xf32, #tpu.memory_space<vmem>>[vector<16xi32>, vector<16xi32>], vector<16xf32>,
        %add3A_564 = arith.addf %add3A_542, %gather3A_563 : vector<16xf32>
        %mul3A_565 = arith.constant 8 : i32
        %mul3A_566 = arith.muli %scan3A_431, %mul3A_565 : i32
        %add3A_567 = arith.constant 6 : i32
        %add3A_568 = arith.addi %mul3A_566, %add3A_567 : i32
        %mul3A_569 = arith.constant 16 : i32
        %mul3A_570 = arith.muli %add3A_568, %mul3A_569 : i32
        %add3A_571 = vector.broadcast %mul3A_570 : i32 to vector<16xi32>
        %add3A_572 = arith.addi %add3A_571, %iota3A : vector<16xi32>
        %gather3A_573 = arith.constant 0 : i32
        %gather3A_574 = arith.constant 0 : i32
        %gather3A_575 = arith.constant 0 : i32
        %gather3A_576 = tpu.memref_slice %arg8[%gather3A_573, %gather3A_574, %gather3A_575] : memref<2x3200x16xf32, #tpu.memory_space<vmem>> -> memref<1x3200x16xf32, #tpu.memory_space<vmem>>
        %gather3A_577 = tpu.memref_squeeze %gather3A_576 : memref<1x3200x16xf32, #tpu.memory_space<vmem>> -> memref<3200x16xf32, #tpu.memory_space<vmem>>
        %gather3A_578 = tpu.vector_load_idx %gather3A_577[%add3A_572, %broadcast_in_dim3A_3] : memref<3200x16xf32, #tpu.memory_space<vmem>>[vector<16xi32>, vector<16xi32>], vector<16xf32>,
        %add3A_579 = arith.addf %add3A_557, %gather3A_578 : vector<16xf32>
        %gather3A_580 = arith.constant 0 : i32
        %gather3A_581 = arith.constant 0 : i32
        %gather3A_582 = arith.constant 0 : i32
        %gather3A_583 = tpu.memref_slice %arg8[%gather3A_580, %gather3A_581, %gather3A_582] : memref<2x3200x16xf32, #tpu.memory_space<vmem>> -> memref<1x3200x16xf32, #tpu.memory_space<vmem>>
        %gather3A_584 = tpu.memref_squeeze %gather3A_583 : memref<1x3200x16xf32, #tpu.memory_space<vmem>> -> memref<3200x16xf32, #tpu.memory_space<vmem>>
        %gather3A_585 = tpu.vector_load_idx %gather3A_584[%add3A_572, %broadcast_in_dim3A_5] : memref<3200x16xf32, #tpu.memory_space<vmem>>[vector<16xi32>, vector<16xi32>], vector<16xf32>,
        %add3A_586 = arith.addf %add3A_564, %gather3A_585 : vector<16xf32>
        %mul3A_587 = arith.constant 8 : i32
        %mul3A_588 = arith.muli %scan3A_431, %mul3A_587 : i32
        %add3A_589 = arith.constant 7 : i32
        %add3A_590 = arith.addi %mul3A_588, %add3A_589 : i32
        %mul3A_591 = arith.constant 16 : i32
        %mul3A_592 = arith.muli %add3A_590, %mul3A_591 : i32
        %add3A_593 = vector.broadcast %mul3A_592 : i32 to vector<16xi32>
        %add3A_594 = arith.addi %add3A_593, %iota3A : vector<16xi32>
        %gather3A_595 = arith.constant 0 : i32
        %gather3A_596 = arith.constant 0 : i32
        %gather3A_597 = arith.constant 0 : i32
        %gather3A_598 = tpu.memref_slice %arg8[%gather3A_595, %gather3A_596, %gather3A_597] : memref<2x3200x16xf32, #tpu.memory_space<vmem>> -> memref<1x3200x16xf32, #tpu.memory_space<vmem>>
        %gather3A_599 = tpu.memref_squeeze %gather3A_598 : memref<1x3200x16xf32, #tpu.memory_space<vmem>> -> memref<3200x16xf32, #tpu.memory_space<vmem>>
        %gather3A_600 = tpu.vector_load_idx %gather3A_599[%add3A_594, %broadcast_in_dim3A_3] : memref<3200x16xf32, #tpu.memory_space<vmem>>[vector<16xi32>, vector<16xi32>], vector<16xf32>,
        %add3A_601 = arith.addf %add3A_579, %gather3A_600 : vector<16xf32>
        %gather3A_602 = arith.constant 0 : i32
        %gather3A_603 = arith.constant 0 : i32
        %gather3A_604 = arith.constant 0 : i32
        %gather3A_605 = tpu.memref_slice %arg8[%gather3A_602, %gather3A_603, %gather3A_604] : memref<2x3200x16xf32, #tpu.memory_space<vmem>> -> memref<1x3200x16xf32, #tpu.memory_space<vmem>>
        %gather3A_606 = tpu.memref_squeeze %gather3A_605 : memref<1x3200x16xf32, #tpu.memory_space<vmem>> -> memref<3200x16xf32, #tpu.memory_space<vmem>>
        %gather3A_607 = tpu.vector_load_idx %gather3A_606[%add3A_594, %broadcast_in_dim3A_5] : memref<3200x16xf32, #tpu.memory_space<vmem>>[vector<16xi32>, vector<16xi32>], vector<16xf32>,
        %add3A_608 = arith.addf %add3A_586, %gather3A_607 : vector<16xf32>
        scf.yield %add3A_601, %add3A_608 : vector<16xf32>, vector<16xf32>
      }
      %scan3A_382 = arith.constant 25 : i32
      %mul3A_383 = arith.constant 16 : i32
      %mul3A_384 = arith.muli %add3A_369, %mul3A_383 : i32
      %add3A_385 = vector.broadcast %mul3A_384 : i32 to vector<16xi32>
      %add3A_386 = arith.addi %add3A_385, %iota3A : vector<16xi32>
      tpu.vector_store_idx %arg9[%add3A_386, %broadcast_in_dim3A_3], %scan3A_381#0 : memref<512x2xf32, #tpu.memory_space<vmem>>[vector<16xi32>, vector<16xi32>], vector<16xf32>,
      tpu.vector_store_idx %arg9[%add3A_386, %broadcast_in_dim3A_5], %scan3A_381#1 : memref<512x2xf32, #tpu.memory_space<vmem>>[vector<16xi32>, vector<16xi32>], vector<16xf32>,
      %add3A_387 = arith.constant 1 : i32
      %add3A_388 = arith.addi %add3A_347, %add3A_387 : i32
      %add3A_389 = arith.constant 1 : i32
      %add3A_390 = arith.addi %add3A_388, %add3A_389 : i32
      %lt3A_391 = arith.constant 32 : i32
      %lt3A_392 = arith.cmpi slt, %add3A_390, %lt3A_391 : i32
      %convert_element_type3A_393 = arith.extui %lt3A_392 : i1 to i32
      %cond3A_394 = arith.constant 0 : i32
      %cond3A_395 = arith.cmpi ne, %convert_element_type3A_393, %cond3A_394 : i32
      scf.if %cond3A_395 {
        %mul3A_431 = arith.constant 16 : i32
        %mul3A_432 = arith.muli %add3A_390, %mul3A_431 : i32
        %add3A_433 = arith.addi %mul3A_2, %mul3A_432 : i32
        "tpu.region"() ({
          %run_scoped3A = tpu.sem_alloc : memref<!tpu.dma_semaphore, #tpu.memory_space<semaphore_mem>>
          %dma_start3A_764 = arith.constant 0 : i32
          %dma_start3A_765 = tpu.memref_slice %arg2[%dma_start3A_764, %add3A_433] : memref<200x16384xi32, #tpu.memory_space<hbm>> -> memref<200x16xi32, #tpu.memory_space<hbm>>
          %dma_start3A_766 = arith.constant 0 : i32
          %dma_start3A_767 = tpu.memref_slice %arg2[%dma_start3A_766, %add3A_433] : memref<200x16384xi32, #tpu.memory_space<hbm>> -> memref<200x16xi32, #tpu.memory_space<hbm>>
          tpu.enqueue_dma source(%dma_start3A_767 : memref<200x16xi32, #tpu.memory_space<hbm>>) target(%arg6 : memref<200x16xi32, #tpu.memory_space<vmem>>) target_semaphore(%run_scoped3A : memref<!tpu.dma_semaphore, #tpu.memory_space<semaphore_mem>>)
          %dma_wait3A_768 = arith.constant 0 : i32
          %dma_wait3A_769 = tpu.memref_slice %arg2[%dma_wait3A_768, %add3A_433] : memref<200x16384xi32, #tpu.memory_space<hbm>> -> memref<200x16xi32, #tpu.memory_space<hbm>>
          %dma_wait3A_770 = arith.constant 0 : i32
          %dma_wait3A_771 = tpu.memref_slice %arg2[%dma_wait3A_770, %add3A_433] : memref<200x16384xi32, #tpu.memory_space<hbm>> -> memref<200x16xi32, #tpu.memory_space<hbm>>
          tpu.wait_dma2 semaphore(%run_scoped3A : memref<!tpu.dma_semaphore, #tpu.memory_space<semaphore_mem>>) src(%dma_wait3A_771 : memref<200x16xi32, #tpu.memory_space<hbm>>) dst(%arg6 : memref<200x16xi32, #tpu.memory_space<vmem>>)
          tpu.yield
        }) : () -> ()
        %scan3A_434 = arith.constant 0 : i32
        %scan3A_435 = arith.constant 25 : i32
        %scan3A_436 = arith.addi %scan3A_434, %scan3A_435 : i32
        %scan3A_437 = arith.constant 1 : i32
        scf.for %scan3A_764 = %scan3A_434 to %scan3A_436 step %scan3A_437  : i32 {
          %mul3A_765 = arith.constant 1 : i32
          %mul3A_766 = arith.muli %scan3A_764, %mul3A_765 : i32
          %add3A_767 = arith.constant 0 : i32
          %add3A_768 = arith.addi %add3A_767, %mul3A_766 : i32
          %mul3A_769 = arith.constant 8 : i32
          %mul3A_770 = arith.muli %add3A_768, %mul3A_769 : i32
          %add3A_771 = arith.constant 0 : i32
          %add3A_772 = arith.addi %mul3A_770, %add3A_771 : i32
          %get3A_773 = arith.index_cast %add3A_772 : i32 to index
          %get3A_774 = arith.constant 0 : index
          %get3A_775 = tpu.vector_load %arg6[%get3A_773, %get3A_774] {strides = array<i32>} : memref<200x16xi32, #tpu.memory_space<vmem>>, vector<16xi32>,
          %and3A = arith.constant -32768 : i32
          %and3A_776 = vector.broadcast %and3A : i32 to vector<16xi32>
          %and3A_777 = arith.andi %get3A_775, %and3A_776 : vector<16xi32>
          %and3A_778 = arith.constant 4095 : i32
          %and3A_779 = vector.broadcast %and3A_778 : i32 to vector<16xi32>
          %and3A_780 = arith.andi %get3A_775, %and3A_779 : vector<16xi32>
          %shift_left3A = arith.constant 3 : i32
          %shift_left3A_781 = vector.broadcast %shift_left3A : i32 to vector<16xi32>
          %shift_left3A_782 = arith.shli %and3A_780, %shift_left3A_781 : vector<16xi32>
          %or3A = arith.ori %and3A_777, %shift_left3A_782 : vector<16xi32>
          %shift_right_arithmetic3A = arith.constant 12 : i32
          %shift_right_arithmetic3A_783 = vector.broadcast %shift_right_arithmetic3A : i32 to vector<16xi32>
          %shift_right_arithmetic3A_784 = arith.shrsi %get3A_775, %shift_right_arithmetic3A_783 : vector<16xi32>
          %and3A_785 = arith.constant 7 : i32
          %and3A_786 = vector.broadcast %and3A_785 : i32 to vector<16xi32>
          %and3A_787 = arith.andi %shift_right_arithmetic3A_784, %and3A_786 : vector<16xi32>
          %or3A_788 = arith.ori %or3A, %and3A_787 : vector<16xi32>
          %swap3A = arith.constant 0 : i32
          %swap3A_789 = arith.index_cast %swap3A : i32 to index
          %swap3A_790 = arith.index_cast %add3A_768 : i32 to index
          %swap3A_791 = arith.constant 0 : index
          %swap3A_792 = tpu.vector_load %arg7[%swap3A_789, %swap3A_790, %swap3A_791] {strides = array<i32>} : memref<2x25x128xi32, #tpu.memory_space<vmem>>, vector<16xi32>,
          tpu.vector_store %arg7[%swap3A_789, %swap3A_790, %swap3A_791], %or3A_788 {strides = array<i32>} : memref<2x25x128xi32, #tpu.memory_space<vmem>>, vector<16xi32>,
          %mul3A_793 = arith.constant 8 : i32
          %mul3A_794 = arith.muli %add3A_768, %mul3A_793 : i32
          %add3A_795 = arith.constant 1 : i32
          %add3A_796 = arith.addi %mul3A_794, %add3A_795 : i32
          %get3A_797 = arith.index_cast %add3A_796 : i32 to index
          %get3A_798 = arith.constant 0 : index
          %get3A_799 = tpu.vector_load %arg6[%get3A_797, %get3A_798] {strides = array<i32>} : memref<200x16xi32, #tpu.memory_space<vmem>>, vector<16xi32>,
          %and3A_800 = arith.constant -32768 : i32
          %and3A_801 = vector.broadcast %and3A_800 : i32 to vector<16xi32>
          %and3A_802 = arith.andi %get3A_799, %and3A_801 : vector<16xi32>
          %and3A_803 = arith.constant 4095 : i32
          %and3A_804 = vector.broadcast %and3A_803 : i32 to vector<16xi32>
          %and3A_805 = arith.andi %get3A_799, %and3A_804 : vector<16xi32>
          %shift_left3A_806 = arith.constant 3 : i32
          %shift_left3A_807 = vector.broadcast %shift_left3A_806 : i32 to vector<16xi32>
          %shift_left3A_808 = arith.shli %and3A_805, %shift_left3A_807 : vector<16xi32>
          %or3A_809 = arith.ori %and3A_802, %shift_left3A_808 : vector<16xi32>
          %shift_right_arithmetic3A_810 = arith.constant 12 : i32
          %shift_right_arithmetic3A_811 = vector.broadcast %shift_right_arithmetic3A_810 : i32 to vector<16xi32>
          %shift_right_arithmetic3A_812 = arith.shrsi %get3A_799, %shift_right_arithmetic3A_811 : vector<16xi32>
          %and3A_813 = arith.constant 7 : i32
          %and3A_814 = vector.broadcast %and3A_813 : i32 to vector<16xi32>
          %and3A_815 = arith.andi %shift_right_arithmetic3A_812, %and3A_814 : vector<16xi32>
          %or3A_816 = arith.ori %or3A_809, %and3A_815 : vector<16xi32>
          %swap3A_817 = arith.constant 0 : i32
          %swap3A_818 = arith.index_cast %swap3A_817 : i32 to index
          %swap3A_819 = arith.index_cast %add3A_768 : i32 to index
          %swap3A_820 = arith.constant 16 : index
          %swap3A_821 = tpu.vector_load %arg7[%swap3A_818, %swap3A_819, %swap3A_820] {strides = array<i32>} : memref<2x25x128xi32, #tpu.memory_space<vmem>>, vector<16xi32>,
          tpu.vector_store %arg7[%swap3A_818, %swap3A_819, %swap3A_820], %or3A_816 {strides = array<i32>} : memref<2x25x128xi32, #tpu.memory_space<vmem>>, vector<16xi32>,
          %mul3A_822 = arith.constant 8 : i32
          %mul3A_823 = arith.muli %add3A_768, %mul3A_822 : i32
          %add3A_824 = arith.constant 2 : i32
          %add3A_825 = arith.addi %mul3A_823, %add3A_824 : i32
          %get3A_826 = arith.index_cast %add3A_825 : i32 to index
          %get3A_827 = arith.constant 0 : index
          %get3A_828 = tpu.vector_load %arg6[%get3A_826, %get3A_827] {strides = array<i32>} : memref<200x16xi32, #tpu.memory_space<vmem>>, vector<16xi32>,
          %and3A_829 = arith.constant -32768 : i32
          %and3A_830 = vector.broadcast %and3A_829 : i32 to vector<16xi32>
          %and3A_831 = arith.andi %get3A_828, %and3A_830 : vector<16xi32>
          %and3A_832 = arith.constant 4095 : i32
          %and3A_833 = vector.broadcast %and3A_832 : i32 to vector<16xi32>
          %and3A_834 = arith.andi %get3A_828, %and3A_833 : vector<16xi32>
          %shift_left3A_835 = arith.constant 3 : i32
          %shift_left3A_836 = vector.broadcast %shift_left3A_835 : i32 to vector<16xi32>
          %shift_left3A_837 = arith.shli %and3A_834, %shift_left3A_836 : vector<16xi32>
          %or3A_838 = arith.ori %and3A_831, %shift_left3A_837 : vector<16xi32>
          %shift_right_arithmetic3A_839 = arith.constant 12 : i32
          %shift_right_arithmetic3A_840 = vector.broadcast %shift_right_arithmetic3A_839 : i32 to vector<16xi32>
          %shift_right_arithmetic3A_841 = arith.shrsi %get3A_828, %shift_right_arithmetic3A_840 : vector<16xi32>
          %and3A_842 = arith.constant 7 : i32
          %and3A_843 = vector.broadcast %and3A_842 : i32 to vector<16xi32>
          %and3A_844 = arith.andi %shift_right_arithmetic3A_841, %and3A_843 : vector<16xi32>
          %or3A_845 = arith.ori %or3A_838, %and3A_844 : vector<16xi32>
          %swap3A_846 = arith.constant 0 : i32
          %swap3A_847 = arith.index_cast %swap3A_846 : i32 to index
          %swap3A_848 = arith.index_cast %add3A_768 : i32 to index
          %swap3A_849 = arith.constant 32 : index
          %swap3A_850 = tpu.vector_load %arg7[%swap3A_847, %swap3A_848, %swap3A_849] {strides = array<i32>} : memref<2x25x128xi32, #tpu.memory_space<vmem>>, vector<16xi32>,
          tpu.vector_store %arg7[%swap3A_847, %swap3A_848, %swap3A_849], %or3A_845 {strides = array<i32>} : memref<2x25x128xi32, #tpu.memory_space<vmem>>, vector<16xi32>,
          %mul3A_851 = arith.constant 8 : i32
          %mul3A_852 = arith.muli %add3A_768, %mul3A_851 : i32
          %add3A_853 = arith.constant 3 : i32
          %add3A_854 = arith.addi %mul3A_852, %add3A_853 : i32
          %get3A_855 = arith.index_cast %add3A_854 : i32 to index
          %get3A_856 = arith.constant 0 : index
          %get3A_857 = tpu.vector_load %arg6[%get3A_855, %get3A_856] {strides = array<i32>} : memref<200x16xi32, #tpu.memory_space<vmem>>, vector<16xi32>,
          %and3A_858 = arith.constant -32768 : i32
          %and3A_859 = vector.broadcast %and3A_858 : i32 to vector<16xi32>
          %and3A_860 = arith.andi %get3A_857, %and3A_859 : vector<16xi32>
          %and3A_861 = arith.constant 4095 : i32
          %and3A_862 = vector.broadcast %and3A_861 : i32 to vector<16xi32>
          %and3A_863 = arith.andi %get3A_857, %and3A_862 : vector<16xi32>
          %shift_left3A_864 = arith.constant 3 : i32
          %shift_left3A_865 = vector.broadcast %shift_left3A_864 : i32 to vector<16xi32>
          %shift_left3A_866 = arith.shli %and3A_863, %shift_left3A_865 : vector<16xi32>
          %or3A_867 = arith.ori %and3A_860, %shift_left3A_866 : vector<16xi32>
          %shift_right_arithmetic3A_868 = arith.constant 12 : i32
          %shift_right_arithmetic3A_869 = vector.broadcast %shift_right_arithmetic3A_868 : i32 to vector<16xi32>
          %shift_right_arithmetic3A_870 = arith.shrsi %get3A_857, %shift_right_arithmetic3A_869 : vector<16xi32>
          %and3A_871 = arith.constant 7 : i32
          %and3A_872 = vector.broadcast %and3A_871 : i32 to vector<16xi32>
          %and3A_873 = arith.andi %shift_right_arithmetic3A_870, %and3A_872 : vector<16xi32>
          %or3A_874 = arith.ori %or3A_867, %and3A_873 : vector<16xi32>
          %swap3A_875 = arith.constant 0 : i32
          %swap3A_876 = arith.index_cast %swap3A_875 : i32 to index
          %swap3A_877 = arith.index_cast %add3A_768 : i32 to index
          %swap3A_878 = arith.constant 48 : index
          %swap3A_879 = tpu.vector_load %arg7[%swap3A_876, %swap3A_877, %swap3A_878] {strides = array<i32>} : memref<2x25x128xi32, #tpu.memory_space<vmem>>, vector<16xi32>,
          tpu.vector_store %arg7[%swap3A_876, %swap3A_877, %swap3A_878], %or3A_874 {strides = array<i32>} : memref<2x25x128xi32, #tpu.memory_space<vmem>>, vector<16xi32>,
          %mul3A_880 = arith.constant 8 : i32
          %mul3A_881 = arith.muli %add3A_768, %mul3A_880 : i32
          %add3A_882 = arith.constant 4 : i32
          %add3A_883 = arith.addi %mul3A_881, %add3A_882 : i32
          %get3A_884 = arith.index_cast %add3A_883 : i32 to index
          %get3A_885 = arith.constant 0 : index
          %get3A_886 = tpu.vector_load %arg6[%get3A_884, %get3A_885] {strides = array<i32>} : memref<200x16xi32, #tpu.memory_space<vmem>>, vector<16xi32>,
          %and3A_887 = arith.constant -32768 : i32
          %and3A_888 = vector.broadcast %and3A_887 : i32 to vector<16xi32>
          %and3A_889 = arith.andi %get3A_886, %and3A_888 : vector<16xi32>
          %and3A_890 = arith.constant 4095 : i32
          %and3A_891 = vector.broadcast %and3A_890 : i32 to vector<16xi32>
          %and3A_892 = arith.andi %get3A_886, %and3A_891 : vector<16xi32>
          %shift_left3A_893 = arith.constant 3 : i32
          %shift_left3A_894 = vector.broadcast %shift_left3A_893 : i32 to vector<16xi32>
          %shift_left3A_895 = arith.shli %and3A_892, %shift_left3A_894 : vector<16xi32>
          %or3A_896 = arith.ori %and3A_889, %shift_left3A_895 : vector<16xi32>
          %shift_right_arithmetic3A_897 = arith.constant 12 : i32
          %shift_right_arithmetic3A_898 = vector.broadcast %shift_right_arithmetic3A_897 : i32 to vector<16xi32>
          %shift_right_arithmetic3A_899 = arith.shrsi %get3A_886, %shift_right_arithmetic3A_898 : vector<16xi32>
          %and3A_900 = arith.constant 7 : i32
          %and3A_901 = vector.broadcast %and3A_900 : i32 to vector<16xi32>
          %and3A_902 = arith.andi %shift_right_arithmetic3A_899, %and3A_901 : vector<16xi32>
          %or3A_903 = arith.ori %or3A_896, %and3A_902 : vector<16xi32>
          %swap3A_904 = arith.constant 0 : i32
          %swap3A_905 = arith.index_cast %swap3A_904 : i32 to index
          %swap3A_906 = arith.index_cast %add3A_768 : i32 to index
          %swap3A_907 = arith.constant 64 : index
          %swap3A_908 = tpu.vector_load %arg7[%swap3A_905, %swap3A_906, %swap3A_907] {strides = array<i32>} : memref<2x25x128xi32, #tpu.memory_space<vmem>>, vector<16xi32>,
          tpu.vector_store %arg7[%swap3A_905, %swap3A_906, %swap3A_907], %or3A_903 {strides = array<i32>} : memref<2x25x128xi32, #tpu.memory_space<vmem>>, vector<16xi32>,
          %mul3A_909 = arith.constant 8 : i32
          %mul3A_910 = arith.muli %add3A_768, %mul3A_909 : i32
          %add3A_911 = arith.constant 5 : i32
          %add3A_912 = arith.addi %mul3A_910, %add3A_911 : i32
          %get3A_913 = arith.index_cast %add3A_912 : i32 to index
          %get3A_914 = arith.constant 0 : index
          %get3A_915 = tpu.vector_load %arg6[%get3A_913, %get3A_914] {strides = array<i32>} : memref<200x16xi32, #tpu.memory_space<vmem>>, vector<16xi32>,
          %and3A_916 = arith.constant -32768 : i32
          %and3A_917 = vector.broadcast %and3A_916 : i32 to vector<16xi32>
          %and3A_918 = arith.andi %get3A_915, %and3A_917 : vector<16xi32>
          %and3A_919 = arith.constant 4095 : i32
          %and3A_920 = vector.broadcast %and3A_919 : i32 to vector<16xi32>
          %and3A_921 = arith.andi %get3A_915, %and3A_920 : vector<16xi32>
          %shift_left3A_922 = arith.constant 3 : i32
          %shift_left3A_923 = vector.broadcast %shift_left3A_922 : i32 to vector<16xi32>
          %shift_left3A_924 = arith.shli %and3A_921, %shift_left3A_923 : vector<16xi32>
          %or3A_925 = arith.ori %and3A_918, %shift_left3A_924 : vector<16xi32>
          %shift_right_arithmetic3A_926 = arith.constant 12 : i32
          %shift_right_arithmetic3A_927 = vector.broadcast %shift_right_arithmetic3A_926 : i32 to vector<16xi32>
          %shift_right_arithmetic3A_928 = arith.shrsi %get3A_915, %shift_right_arithmetic3A_927 : vector<16xi32>
          %and3A_929 = arith.constant 7 : i32
          %and3A_930 = vector.broadcast %and3A_929 : i32 to vector<16xi32>
          %and3A_931 = arith.andi %shift_right_arithmetic3A_928, %and3A_930 : vector<16xi32>
          %or3A_932 = arith.ori %or3A_925, %and3A_931 : vector<16xi32>
          %swap3A_933 = arith.constant 0 : i32
          %swap3A_934 = arith.index_cast %swap3A_933 : i32 to index
          %swap3A_935 = arith.index_cast %add3A_768 : i32 to index
          %swap3A_936 = arith.constant 80 : index
          %swap3A_937 = tpu.vector_load %arg7[%swap3A_934, %swap3A_935, %swap3A_936] {strides = array<i32>} : memref<2x25x128xi32, #tpu.memory_space<vmem>>, vector<16xi32>,
          tpu.vector_store %arg7[%swap3A_934, %swap3A_935, %swap3A_936], %or3A_932 {strides = array<i32>} : memref<2x25x128xi32, #tpu.memory_space<vmem>>, vector<16xi32>,
          %mul3A_938 = arith.constant 8 : i32
          %mul3A_939 = arith.muli %add3A_768, %mul3A_938 : i32
          %add3A_940 = arith.constant 6 : i32
          %add3A_941 = arith.addi %mul3A_939, %add3A_940 : i32
          %get3A_942 = arith.index_cast %add3A_941 : i32 to index
          %get3A_943 = arith.constant 0 : index
          %get3A_944 = tpu.vector_load %arg6[%get3A_942, %get3A_943] {strides = array<i32>} : memref<200x16xi32, #tpu.memory_space<vmem>>, vector<16xi32>,
          %and3A_945 = arith.constant -32768 : i32
          %and3A_946 = vector.broadcast %and3A_945 : i32 to vector<16xi32>
          %and3A_947 = arith.andi %get3A_944, %and3A_946 : vector<16xi32>
          %and3A_948 = arith.constant 4095 : i32
          %and3A_949 = vector.broadcast %and3A_948 : i32 to vector<16xi32>
          %and3A_950 = arith.andi %get3A_944, %and3A_949 : vector<16xi32>
          %shift_left3A_951 = arith.constant 3 : i32
          %shift_left3A_952 = vector.broadcast %shift_left3A_951 : i32 to vector<16xi32>
          %shift_left3A_953 = arith.shli %and3A_950, %shift_left3A_952 : vector<16xi32>
          %or3A_954 = arith.ori %and3A_947, %shift_left3A_953 : vector<16xi32>
          %shift_right_arithmetic3A_955 = arith.constant 12 : i32
          %shift_right_arithmetic3A_956 = vector.broadcast %shift_right_arithmetic3A_955 : i32 to vector<16xi32>
          %shift_right_arithmetic3A_957 = arith.shrsi %get3A_944, %shift_right_arithmetic3A_956 : vector<16xi32>
          %and3A_958 = arith.constant 7 : i32
          %and3A_959 = vector.broadcast %and3A_958 : i32 to vector<16xi32>
          %and3A_960 = arith.andi %shift_right_arithmetic3A_957, %and3A_959 : vector<16xi32>
          %or3A_961 = arith.ori %or3A_954, %and3A_960 : vector<16xi32>
          %swap3A_962 = arith.constant 0 : i32
          %swap3A_963 = arith.index_cast %swap3A_962 : i32 to index
          %swap3A_964 = arith.index_cast %add3A_768 : i32 to index
          %swap3A_965 = arith.constant 96 : index
          %swap3A_966 = tpu.vector_load %arg7[%swap3A_963, %swap3A_964, %swap3A_965] {strides = array<i32>} : memref<2x25x128xi32, #tpu.memory_space<vmem>>, vector<16xi32>,
          tpu.vector_store %arg7[%swap3A_963, %swap3A_964, %swap3A_965], %or3A_961 {strides = array<i32>} : memref<2x25x128xi32, #tpu.memory_space<vmem>>, vector<16xi32>,
          %mul3A_967 = arith.constant 8 : i32
          %mul3A_968 = arith.muli %add3A_768, %mul3A_967 : i32
          %add3A_969 = arith.constant 7 : i32
          %add3A_970 = arith.addi %mul3A_968, %add3A_969 : i32
          %get3A_971 = arith.index_cast %add3A_970 : i32 to index
          %get3A_972 = arith.constant 0 : index
          %get3A_973 = tpu.vector_load %arg6[%get3A_971, %get3A_972] {strides = array<i32>} : memref<200x16xi32, #tpu.memory_space<vmem>>, vector<16xi32>,
          %and3A_974 = arith.constant -32768 : i32
          %and3A_975 = vector.broadcast %and3A_974 : i32 to vector<16xi32>
          %and3A_976 = arith.andi %get3A_973, %and3A_975 : vector<16xi32>
          %and3A_977 = arith.constant 4095 : i32
          %and3A_978 = vector.broadcast %and3A_977 : i32 to vector<16xi32>
          %and3A_979 = arith.andi %get3A_973, %and3A_978 : vector<16xi32>
          %shift_left3A_980 = arith.constant 3 : i32
          %shift_left3A_981 = vector.broadcast %shift_left3A_980 : i32 to vector<16xi32>
          %shift_left3A_982 = arith.shli %and3A_979, %shift_left3A_981 : vector<16xi32>
          %or3A_983 = arith.ori %and3A_976, %shift_left3A_982 : vector<16xi32>
          %shift_right_arithmetic3A_984 = arith.constant 12 : i32
          %shift_right_arithmetic3A_985 = vector.broadcast %shift_right_arithmetic3A_984 : i32 to vector<16xi32>
          %shift_right_arithmetic3A_986 = arith.shrsi %get3A_973, %shift_right_arithmetic3A_985 : vector<16xi32>
          %and3A_987 = arith.constant 7 : i32
          %and3A_988 = vector.broadcast %and3A_987 : i32 to vector<16xi32>
          %and3A_989 = arith.andi %shift_right_arithmetic3A_986, %and3A_988 : vector<16xi32>
          %or3A_990 = arith.ori %or3A_983, %and3A_989 : vector<16xi32>
          %swap3A_991 = arith.constant 0 : i32
          %swap3A_992 = arith.index_cast %swap3A_991 : i32 to index
          %swap3A_993 = arith.index_cast %add3A_768 : i32 to index
          %swap3A_994 = arith.constant 112 : index
          %swap3A_995 = tpu.vector_load %arg7[%swap3A_992, %swap3A_993, %swap3A_994] {strides = array<i32>} : memref<2x25x128xi32, #tpu.memory_space<vmem>>, vector<16xi32>,
          tpu.vector_store %arg7[%swap3A_992, %swap3A_993, %swap3A_994], %or3A_990 {strides = array<i32>} : memref<2x25x128xi32, #tpu.memory_space<vmem>>, vector<16xi32>,
        }
        %scan3A_438 = arith.constant 25 : i32
        %dma_start3A_439 = arith.constant 0 : i32
        %dma_start3A_440 = arith.constant 0 : i32
        %dma_start3A_441 = arith.constant 0 : i32
        %dma_start3A_442 = arith.constant 0 : i32
        %dma_start3A_443 = arith.constant 0 : i32
        %dma_start3A_444 = tpu.memref_slice %arg8[%dma_start3A_441, %dma_start3A_442, %dma_start3A_443] : memref<2x3200x16xf32, #tpu.memory_space<vmem>> -> memref<1x128x16xf32, #tpu.memory_space<vmem>>
        %dma_start3A_445 = tpu.memref_squeeze %dma_start3A_444 : memref<1x128x16xf32, #tpu.memory_space<vmem>> -> memref<128x16xf32, #tpu.memory_space<vmem>>
        %dma_start3A_446 = arith.constant 0 : i32
        %dma_start3A_447 = tpu.memref_slice %arg7[%dma_start3A_439, %dma_start3A_440, %dma_start3A_446] : memref<2x25x128xi32, #tpu.memory_space<vmem>> -> memref<1x1x128xi32, #tpu.memory_space<vmem>>
        %dma_start3A_448 = tpu.memref_squeeze %dma_start3A_447 : memref<1x1x128xi32, #tpu.memory_space<vmem>> -> memref<128xi32, #tpu.memory_space<vmem>>
        %dma_start3A_449 = arith.constant 0 : i32
        %dma_start3A_450 = arith.constant 0 : i32
        %dma_start3A_451 = tpu.memref_slice %arg3[%dma_start3A_449, %dma_start3A_450] : memref<1015808x16xf32, #tpu.memory_space<hbm>> -> memref<1015808x16xf32, #tpu.memory_space<hbm>>
        tpu.enqueue_indirect_dma source(%dma_start3A_451 : memref<1015808x16xf32, #tpu.memory_space<hbm>>) target(%dma_start3A_445 : memref<128x16xf32, #tpu.memory_space<vmem>>) offsets(%dma_start3A_448 : memref<128xi32, #tpu.memory_space<vmem>>) semaphore(%arg11 : memref<!tpu.dma_semaphore, #tpu.memory_space<semaphore_mem>>)
        %dma_start3A_452 = arith.constant 0 : i32
        %dma_start3A_453 = arith.constant 1 : i32
        %dma_start3A_454 = arith.constant 0 : i32
        %dma_start3A_455 = arith.constant 128 : i32
        %dma_start3A_456 = arith.constant 0 : i32
        %dma_start3A_457 = tpu.memref_slice %arg8[%dma_start3A_454, %dma_start3A_455, %dma_start3A_456] : memref<2x3200x16xf32, #tpu.memory_space<vmem>> -> memref<1x128x16xf32, #tpu.memory_space<vmem>>
        %dma_start3A_458 = tpu.memref_squeeze %dma_start3A_457 : memref<1x128x16xf32, #tpu.memory_space<vmem>> -> memref<128x16xf32, #tpu.memory_space<vmem>>
        %dma_start3A_459 = arith.constant 0 : i32
        %dma_start3A_460 = tpu.memref_slice %arg7[%dma_start3A_452, %dma_start3A_453, %dma_start3A_459] : memref<2x25x128xi32, #tpu.memory_space<vmem>> -> memref<1x1x128xi32, #tpu.memory_space<vmem>>
        %dma_start3A_461 = tpu.memref_squeeze %dma_start3A_460 : memref<1x1x128xi32, #tpu.memory_space<vmem>> -> memref<128xi32, #tpu.memory_space<vmem>>
        %dma_start3A_462 = arith.constant 0 : i32
        %dma_start3A_463 = arith.constant 0 : i32
        %dma_start3A_464 = tpu.memref_slice %arg3[%dma_start3A_462, %dma_start3A_463] : memref<1015808x16xf32, #tpu.memory_space<hbm>> -> memref<1015808x16xf32, #tpu.memory_space<hbm>>
        tpu.enqueue_indirect_dma source(%dma_start3A_464 : memref<1015808x16xf32, #tpu.memory_space<hbm>>) target(%dma_start3A_458 : memref<128x16xf32, #tpu.memory_space<vmem>>) offsets(%dma_start3A_461 : memref<128xi32, #tpu.memory_space<vmem>>) semaphore(%arg11 : memref<!tpu.dma_semaphore, #tpu.memory_space<semaphore_mem>>)
        %dma_start3A_465 = arith.constant 0 : i32
        %dma_start3A_466 = arith.constant 2 : i32
        %dma_start3A_467 = arith.constant 0 : i32
        %dma_start3A_468 = arith.constant 256 : i32
        %dma_start3A_469 = arith.constant 0 : i32
        %dma_start3A_470 = tpu.memref_slice %arg8[%dma_start3A_467, %dma_start3A_468, %dma_start3A_469] : memref<2x3200x16xf32, #tpu.memory_space<vmem>> -> memref<1x128x16xf32, #tpu.memory_space<vmem>>
        %dma_start3A_471 = tpu.memref_squeeze %dma_start3A_470 : memref<1x128x16xf32, #tpu.memory_space<vmem>> -> memref<128x16xf32, #tpu.memory_space<vmem>>
        %dma_start3A_472 = arith.constant 0 : i32
        %dma_start3A_473 = tpu.memref_slice %arg7[%dma_start3A_465, %dma_start3A_466, %dma_start3A_472] : memref<2x25x128xi32, #tpu.memory_space<vmem>> -> memref<1x1x128xi32, #tpu.memory_space<vmem>>
        %dma_start3A_474 = tpu.memref_squeeze %dma_start3A_473 : memref<1x1x128xi32, #tpu.memory_space<vmem>> -> memref<128xi32, #tpu.memory_space<vmem>>
        %dma_start3A_475 = arith.constant 0 : i32
        %dma_start3A_476 = arith.constant 0 : i32
        %dma_start3A_477 = tpu.memref_slice %arg3[%dma_start3A_475, %dma_start3A_476] : memref<1015808x16xf32, #tpu.memory_space<hbm>> -> memref<1015808x16xf32, #tpu.memory_space<hbm>>
        tpu.enqueue_indirect_dma source(%dma_start3A_477 : memref<1015808x16xf32, #tpu.memory_space<hbm>>) target(%dma_start3A_471 : memref<128x16xf32, #tpu.memory_space<vmem>>) offsets(%dma_start3A_474 : memref<128xi32, #tpu.memory_space<vmem>>) semaphore(%arg11 : memref<!tpu.dma_semaphore, #tpu.memory_space<semaphore_mem>>)
        %dma_start3A_478 = arith.constant 0 : i32
        %dma_start3A_479 = arith.constant 3 : i32
        %dma_start3A_480 = arith.constant 0 : i32
        %dma_start3A_481 = arith.constant 384 : i32
        %dma_start3A_482 = arith.constant 0 : i32
        %dma_start3A_483 = tpu.memref_slice %arg8[%dma_start3A_480, %dma_start3A_481, %dma_start3A_482] : memref<2x3200x16xf32, #tpu.memory_space<vmem>> -> memref<1x128x16xf32, #tpu.memory_space<vmem>>
        %dma_start3A_484 = tpu.memref_squeeze %dma_start3A_483 : memref<1x128x16xf32, #tpu.memory_space<vmem>> -> memref<128x16xf32, #tpu.memory_space<vmem>>
        %dma_start3A_485 = arith.constant 0 : i32
        %dma_start3A_486 = tpu.memref_slice %arg7[%dma_start3A_478, %dma_start3A_479, %dma_start3A_485] : memref<2x25x128xi32, #tpu.memory_space<vmem>> -> memref<1x1x128xi32, #tpu.memory_space<vmem>>
        %dma_start3A_487 = tpu.memref_squeeze %dma_start3A_486 : memref<1x1x128xi32, #tpu.memory_space<vmem>> -> memref<128xi32, #tpu.memory_space<vmem>>
        %dma_start3A_488 = arith.constant 0 : i32
        %dma_start3A_489 = arith.constant 0 : i32
        %dma_start3A_490 = tpu.memref_slice %arg3[%dma_start3A_488, %dma_start3A_489] : memref<1015808x16xf32, #tpu.memory_space<hbm>> -> memref<1015808x16xf32, #tpu.memory_space<hbm>>
        tpu.enqueue_indirect_dma source(%dma_start3A_490 : memref<1015808x16xf32, #tpu.memory_space<hbm>>) target(%dma_start3A_484 : memref<128x16xf32, #tpu.memory_space<vmem>>) offsets(%dma_start3A_487 : memref<128xi32, #tpu.memory_space<vmem>>) semaphore(%arg11 : memref<!tpu.dma_semaphore, #tpu.memory_space<semaphore_mem>>)
        %dma_start3A_491 = arith.constant 0 : i32
        %dma_start3A_492 = arith.constant 4 : i32
        %dma_start3A_493 = arith.constant 0 : i32
        %dma_start3A_494 = arith.constant 512 : i32
        %dma_start3A_495 = arith.constant 0 : i32
        %dma_start3A_496 = tpu.memref_slice %arg8[%dma_start3A_493, %dma_start3A_494, %dma_start3A_495] : memref<2x3200x16xf32, #tpu.memory_space<vmem>> -> memref<1x128x16xf32, #tpu.memory_space<vmem>>
        %dma_start3A_497 = tpu.memref_squeeze %dma_start3A_496 : memref<1x128x16xf32, #tpu.memory_space<vmem>> -> memref<128x16xf32, #tpu.memory_space<vmem>>
        %dma_start3A_498 = arith.constant 0 : i32
        %dma_start3A_499 = tpu.memref_slice %arg7[%dma_start3A_491, %dma_start3A_492, %dma_start3A_498] : memref<2x25x128xi32, #tpu.memory_space<vmem>> -> memref<1x1x128xi32, #tpu.memory_space<vmem>>
        %dma_start3A_500 = tpu.memref_squeeze %dma_start3A_499 : memref<1x1x128xi32, #tpu.memory_space<vmem>> -> memref<128xi32, #tpu.memory_space<vmem>>
        %dma_start3A_501 = arith.constant 0 : i32
        %dma_start3A_502 = arith.constant 0 : i32
        %dma_start3A_503 = tpu.memref_slice %arg3[%dma_start3A_501, %dma_start3A_502] : memref<1015808x16xf32, #tpu.memory_space<hbm>> -> memref<1015808x16xf32, #tpu.memory_space<hbm>>
        tpu.enqueue_indirect_dma source(%dma_start3A_503 : memref<1015808x16xf32, #tpu.memory_space<hbm>>) target(%dma_start3A_497 : memref<128x16xf32, #tpu.memory_space<vmem>>) offsets(%dma_start3A_500 : memref<128xi32, #tpu.memory_space<vmem>>) semaphore(%arg11 : memref<!tpu.dma_semaphore, #tpu.memory_space<semaphore_mem>>)
        %dma_start3A_504 = arith.constant 0 : i32
        %dma_start3A_505 = arith.constant 5 : i32
        %dma_start3A_506 = arith.constant 0 : i32
        %dma_start3A_507 = arith.constant 640 : i32
        %dma_start3A_508 = arith.constant 0 : i32
        %dma_start3A_509 = tpu.memref_slice %arg8[%dma_start3A_506, %dma_start3A_507, %dma_start3A_508] : memref<2x3200x16xf32, #tpu.memory_space<vmem>> -> memref<1x128x16xf32, #tpu.memory_space<vmem>>
        %dma_start3A_510 = tpu.memref_squeeze %dma_start3A_509 : memref<1x128x16xf32, #tpu.memory_space<vmem>> -> memref<128x16xf32, #tpu.memory_space<vmem>>
        %dma_start3A_511 = arith.constant 0 : i32
        %dma_start3A_512 = tpu.memref_slice %arg7[%dma_start3A_504, %dma_start3A_505, %dma_start3A_511] : memref<2x25x128xi32, #tpu.memory_space<vmem>> -> memref<1x1x128xi32, #tpu.memory_space<vmem>>
        %dma_start3A_513 = tpu.memref_squeeze %dma_start3A_512 : memref<1x1x128xi32, #tpu.memory_space<vmem>> -> memref<128xi32, #tpu.memory_space<vmem>>
        %dma_start3A_514 = arith.constant 0 : i32
        %dma_start3A_515 = arith.constant 0 : i32
        %dma_start3A_516 = tpu.memref_slice %arg3[%dma_start3A_514, %dma_start3A_515] : memref<1015808x16xf32, #tpu.memory_space<hbm>> -> memref<1015808x16xf32, #tpu.memory_space<hbm>>
        tpu.enqueue_indirect_dma source(%dma_start3A_516 : memref<1015808x16xf32, #tpu.memory_space<hbm>>) target(%dma_start3A_510 : memref<128x16xf32, #tpu.memory_space<vmem>>) offsets(%dma_start3A_513 : memref<128xi32, #tpu.memory_space<vmem>>) semaphore(%arg11 : memref<!tpu.dma_semaphore, #tpu.memory_space<semaphore_mem>>)
        %dma_start3A_517 = arith.constant 0 : i32
        %dma_start3A_518 = arith.constant 6 : i32
        %dma_start3A_519 = arith.constant 0 : i32
        %dma_start3A_520 = arith.constant 768 : i32
        %dma_start3A_521 = arith.constant 0 : i32
        %dma_start3A_522 = tpu.memref_slice %arg8[%dma_start3A_519, %dma_start3A_520, %dma_start3A_521] : memref<2x3200x16xf32, #tpu.memory_space<vmem>> -> memref<1x128x16xf32, #tpu.memory_space<vmem>>
        %dma_start3A_523 = tpu.memref_squeeze %dma_start3A_522 : memref<1x128x16xf32, #tpu.memory_space<vmem>> -> memref<128x16xf32, #tpu.memory_space<vmem>>
        %dma_start3A_524 = arith.constant 0 : i32
        %dma_start3A_525 = tpu.memref_slice %arg7[%dma_start3A_517, %dma_start3A_518, %dma_start3A_524] : memref<2x25x128xi32, #tpu.memory_space<vmem>> -> memref<1x1x128xi32, #tpu.memory_space<vmem>>
        %dma_start3A_526 = tpu.memref_squeeze %dma_start3A_525 : memref<1x1x128xi32, #tpu.memory_space<vmem>> -> memref<128xi32, #tpu.memory_space<vmem>>
        %dma_start3A_527 = arith.constant 0 : i32
        %dma_start3A_528 = arith.constant 0 : i32
        %dma_start3A_529 = tpu.memref_slice %arg3[%dma_start3A_527, %dma_start3A_528] : memref<1015808x16xf32, #tpu.memory_space<hbm>> -> memref<1015808x16xf32, #tpu.memory_space<hbm>>
        tpu.enqueue_indirect_dma source(%dma_start3A_529 : memref<1015808x16xf32, #tpu.memory_space<hbm>>) target(%dma_start3A_523 : memref<128x16xf32, #tpu.memory_space<vmem>>) offsets(%dma_start3A_526 : memref<128xi32, #tpu.memory_space<vmem>>) semaphore(%arg11 : memref<!tpu.dma_semaphore, #tpu.memory_space<semaphore_mem>>)
        %dma_start3A_530 = arith.constant 0 : i32
        %dma_start3A_531 = arith.constant 7 : i32
        %dma_start3A_532 = arith.constant 0 : i32
        %dma_start3A_533 = arith.constant 896 : i32
        %dma_start3A_534 = arith.constant 0 : i32
        %dma_start3A_535 = tpu.memref_slice %arg8[%dma_start3A_532, %dma_start3A_533, %dma_start3A_534] : memref<2x3200x16xf32, #tpu.memory_space<vmem>> -> memref<1x128x16xf32, #tpu.memory_space<vmem>>
        %dma_start3A_536 = tpu.memref_squeeze %dma_start3A_535 : memref<1x128x16xf32, #tpu.memory_space<vmem>> -> memref<128x16xf32, #tpu.memory_space<vmem>>
        %dma_start3A_537 = arith.constant 0 : i32
        %dma_start3A_538 = tpu.memref_slice %arg7[%dma_start3A_530, %dma_start3A_531, %dma_start3A_537] : memref<2x25x128xi32, #tpu.memory_space<vmem>> -> memref<1x1x128xi32, #tpu.memory_space<vmem>>
        %dma_start3A_539 = tpu.memref_squeeze %dma_start3A_538 : memref<1x1x128xi32, #tpu.memory_space<vmem>> -> memref<128xi32, #tpu.memory_space<vmem>>
        %dma_start3A_540 = arith.constant 0 : i32
        %dma_start3A_541 = arith.constant 0 : i32
        %dma_start3A_542 = tpu.memref_slice %arg3[%dma_start3A_540, %dma_start3A_541] : memref<1015808x16xf32, #tpu.memory_space<hbm>> -> memref<1015808x16xf32, #tpu.memory_space<hbm>>
        tpu.enqueue_indirect_dma source(%dma_start3A_542 : memref<1015808x16xf32, #tpu.memory_space<hbm>>) target(%dma_start3A_536 : memref<128x16xf32, #tpu.memory_space<vmem>>) offsets(%dma_start3A_539 : memref<128xi32, #tpu.memory_space<vmem>>) semaphore(%arg11 : memref<!tpu.dma_semaphore, #tpu.memory_space<semaphore_mem>>)
        %dma_start3A_543 = arith.constant 0 : i32
        %dma_start3A_544 = arith.constant 8 : i32
        %dma_start3A_545 = arith.constant 0 : i32
        %dma_start3A_546 = arith.constant 1024 : i32
        %dma_start3A_547 = arith.constant 0 : i32
        %dma_start3A_548 = tpu.memref_slice %arg8[%dma_start3A_545, %dma_start3A_546, %dma_start3A_547] : memref<2x3200x16xf32, #tpu.memory_space<vmem>> -> memref<1x128x16xf32, #tpu.memory_space<vmem>>
        %dma_start3A_549 = tpu.memref_squeeze %dma_start3A_548 : memref<1x128x16xf32, #tpu.memory_space<vmem>> -> memref<128x16xf32, #tpu.memory_space<vmem>>
        %dma_start3A_550 = arith.constant 0 : i32
        %dma_start3A_551 = tpu.memref_slice %arg7[%dma_start3A_543, %dma_start3A_544, %dma_start3A_550] : memref<2x25x128xi32, #tpu.memory_space<vmem>> -> memref<1x1x128xi32, #tpu.memory_space<vmem>>
        %dma_start3A_552 = tpu.memref_squeeze %dma_start3A_551 : memref<1x1x128xi32, #tpu.memory_space<vmem>> -> memref<128xi32, #tpu.memory_space<vmem>>
        %dma_start3A_553 = arith.constant 0 : i32
        %dma_start3A_554 = arith.constant 0 : i32
        %dma_start3A_555 = tpu.memref_slice %arg3[%dma_start3A_553, %dma_start3A_554] : memref<1015808x16xf32, #tpu.memory_space<hbm>> -> memref<1015808x16xf32, #tpu.memory_space<hbm>>
        tpu.enqueue_indirect_dma source(%dma_start3A_555 : memref<1015808x16xf32, #tpu.memory_space<hbm>>) target(%dma_start3A_549 : memref<128x16xf32, #tpu.memory_space<vmem>>) offsets(%dma_start3A_552 : memref<128xi32, #tpu.memory_space<vmem>>) semaphore(%arg11 : memref<!tpu.dma_semaphore, #tpu.memory_space<semaphore_mem>>)
        %dma_start3A_556 = arith.constant 0 : i32
        %dma_start3A_557 = arith.constant 9 : i32
        %dma_start3A_558 = arith.constant 0 : i32
        %dma_start3A_559 = arith.constant 1152 : i32
        %dma_start3A_560 = arith.constant 0 : i32
        %dma_start3A_561 = tpu.memref_slice %arg8[%dma_start3A_558, %dma_start3A_559, %dma_start3A_560] : memref<2x3200x16xf32, #tpu.memory_space<vmem>> -> memref<1x128x16xf32, #tpu.memory_space<vmem>>
        %dma_start3A_562 = tpu.memref_squeeze %dma_start3A_561 : memref<1x128x16xf32, #tpu.memory_space<vmem>> -> memref<128x16xf32, #tpu.memory_space<vmem>>
        %dma_start3A_563 = arith.constant 0 : i32
        %dma_start3A_564 = tpu.memref_slice %arg7[%dma_start3A_556, %dma_start3A_557, %dma_start3A_563] : memref<2x25x128xi32, #tpu.memory_space<vmem>> -> memref<1x1x128xi32, #tpu.memory_space<vmem>>
        %dma_start3A_565 = tpu.memref_squeeze %dma_start3A_564 : memref<1x1x128xi32, #tpu.memory_space<vmem>> -> memref<128xi32, #tpu.memory_space<vmem>>
        %dma_start3A_566 = arith.constant 0 : i32
        %dma_start3A_567 = arith.constant 0 : i32
        %dma_start3A_568 = tpu.memref_slice %arg3[%dma_start3A_566, %dma_start3A_567] : memref<1015808x16xf32, #tpu.memory_space<hbm>> -> memref<1015808x16xf32, #tpu.memory_space<hbm>>
        tpu.enqueue_indirect_dma source(%dma_start3A_568 : memref<1015808x16xf32, #tpu.memory_space<hbm>>) target(%dma_start3A_562 : memref<128x16xf32, #tpu.memory_space<vmem>>) offsets(%dma_start3A_565 : memref<128xi32, #tpu.memory_space<vmem>>) semaphore(%arg11 : memref<!tpu.dma_semaphore, #tpu.memory_space<semaphore_mem>>)
        %dma_start3A_569 = arith.constant 0 : i32
        %dma_start3A_570 = arith.constant 10 : i32
        %dma_start3A_571 = arith.constant 0 : i32
        %dma_start3A_572 = arith.constant 1280 : i32
        %dma_start3A_573 = arith.constant 0 : i32
        %dma_start3A_574 = tpu.memref_slice %arg8[%dma_start3A_571, %dma_start3A_572, %dma_start3A_573] : memref<2x3200x16xf32, #tpu.memory_space<vmem>> -> memref<1x128x16xf32, #tpu.memory_space<vmem>>
        %dma_start3A_575 = tpu.memref_squeeze %dma_start3A_574 : memref<1x128x16xf32, #tpu.memory_space<vmem>> -> memref<128x16xf32, #tpu.memory_space<vmem>>
        %dma_start3A_576 = arith.constant 0 : i32
        %dma_start3A_577 = tpu.memref_slice %arg7[%dma_start3A_569, %dma_start3A_570, %dma_start3A_576] : memref<2x25x128xi32, #tpu.memory_space<vmem>> -> memref<1x1x128xi32, #tpu.memory_space<vmem>>
        %dma_start3A_578 = tpu.memref_squeeze %dma_start3A_577 : memref<1x1x128xi32, #tpu.memory_space<vmem>> -> memref<128xi32, #tpu.memory_space<vmem>>
        %dma_start3A_579 = arith.constant 0 : i32
        %dma_start3A_580 = arith.constant 0 : i32
        %dma_start3A_581 = tpu.memref_slice %arg3[%dma_start3A_579, %dma_start3A_580] : memref<1015808x16xf32, #tpu.memory_space<hbm>> -> memref<1015808x16xf32, #tpu.memory_space<hbm>>
        tpu.enqueue_indirect_dma source(%dma_start3A_581 : memref<1015808x16xf32, #tpu.memory_space<hbm>>) target(%dma_start3A_575 : memref<128x16xf32, #tpu.memory_space<vmem>>) offsets(%dma_start3A_578 : memref<128xi32, #tpu.memory_space<vmem>>) semaphore(%arg11 : memref<!tpu.dma_semaphore, #tpu.memory_space<semaphore_mem>>)
        %dma_start3A_582 = arith.constant 0 : i32
        %dma_start3A_583 = arith.constant 11 : i32
        %dma_start3A_584 = arith.constant 0 : i32
        %dma_start3A_585 = arith.constant 1408 : i32
        %dma_start3A_586 = arith.constant 0 : i32
        %dma_start3A_587 = tpu.memref_slice %arg8[%dma_start3A_584, %dma_start3A_585, %dma_start3A_586] : memref<2x3200x16xf32, #tpu.memory_space<vmem>> -> memref<1x128x16xf32, #tpu.memory_space<vmem>>
        %dma_start3A_588 = tpu.memref_squeeze %dma_start3A_587 : memref<1x128x16xf32, #tpu.memory_space<vmem>> -> memref<128x16xf32, #tpu.memory_space<vmem>>
        %dma_start3A_589 = arith.constant 0 : i32
        %dma_start3A_590 = tpu.memref_slice %arg7[%dma_start3A_582, %dma_start3A_583, %dma_start3A_589] : memref<2x25x128xi32, #tpu.memory_space<vmem>> -> memref<1x1x128xi32, #tpu.memory_space<vmem>>
        %dma_start3A_591 = tpu.memref_squeeze %dma_start3A_590 : memref<1x1x128xi32, #tpu.memory_space<vmem>> -> memref<128xi32, #tpu.memory_space<vmem>>
        %dma_start3A_592 = arith.constant 0 : i32
        %dma_start3A_593 = arith.constant 0 : i32
        %dma_start3A_594 = tpu.memref_slice %arg3[%dma_start3A_592, %dma_start3A_593] : memref<1015808x16xf32, #tpu.memory_space<hbm>> -> memref<1015808x16xf32, #tpu.memory_space<hbm>>
        tpu.enqueue_indirect_dma source(%dma_start3A_594 : memref<1015808x16xf32, #tpu.memory_space<hbm>>) target(%dma_start3A_588 : memref<128x16xf32, #tpu.memory_space<vmem>>) offsets(%dma_start3A_591 : memref<128xi32, #tpu.memory_space<vmem>>) semaphore(%arg11 : memref<!tpu.dma_semaphore, #tpu.memory_space<semaphore_mem>>)
        %dma_start3A_595 = arith.constant 0 : i32
        %dma_start3A_596 = arith.constant 12 : i32
        %dma_start3A_597 = arith.constant 0 : i32
        %dma_start3A_598 = arith.constant 1536 : i32
        %dma_start3A_599 = arith.constant 0 : i32
        %dma_start3A_600 = tpu.memref_slice %arg8[%dma_start3A_597, %dma_start3A_598, %dma_start3A_599] : memref<2x3200x16xf32, #tpu.memory_space<vmem>> -> memref<1x128x16xf32, #tpu.memory_space<vmem>>
        %dma_start3A_601 = tpu.memref_squeeze %dma_start3A_600 : memref<1x128x16xf32, #tpu.memory_space<vmem>> -> memref<128x16xf32, #tpu.memory_space<vmem>>
        %dma_start3A_602 = arith.constant 0 : i32
        %dma_start3A_603 = tpu.memref_slice %arg7[%dma_start3A_595, %dma_start3A_596, %dma_start3A_602] : memref<2x25x128xi32, #tpu.memory_space<vmem>> -> memref<1x1x128xi32, #tpu.memory_space<vmem>>
        %dma_start3A_604 = tpu.memref_squeeze %dma_start3A_603 : memref<1x1x128xi32, #tpu.memory_space<vmem>> -> memref<128xi32, #tpu.memory_space<vmem>>
        %dma_start3A_605 = arith.constant 0 : i32
        %dma_start3A_606 = arith.constant 0 : i32
        %dma_start3A_607 = tpu.memref_slice %arg3[%dma_start3A_605, %dma_start3A_606] : memref<1015808x16xf32, #tpu.memory_space<hbm>> -> memref<1015808x16xf32, #tpu.memory_space<hbm>>
        tpu.enqueue_indirect_dma source(%dma_start3A_607 : memref<1015808x16xf32, #tpu.memory_space<hbm>>) target(%dma_start3A_601 : memref<128x16xf32, #tpu.memory_space<vmem>>) offsets(%dma_start3A_604 : memref<128xi32, #tpu.memory_space<vmem>>) semaphore(%arg11 : memref<!tpu.dma_semaphore, #tpu.memory_space<semaphore_mem>>)
        %dma_start3A_608 = arith.constant 0 : i32
        %dma_start3A_609 = arith.constant 13 : i32
        %dma_start3A_610 = arith.constant 0 : i32
        %dma_start3A_611 = arith.constant 1664 : i32
        %dma_start3A_612 = arith.constant 0 : i32
        %dma_start3A_613 = tpu.memref_slice %arg8[%dma_start3A_610, %dma_start3A_611, %dma_start3A_612] : memref<2x3200x16xf32, #tpu.memory_space<vmem>> -> memref<1x128x16xf32, #tpu.memory_space<vmem>>
        %dma_start3A_614 = tpu.memref_squeeze %dma_start3A_613 : memref<1x128x16xf32, #tpu.memory_space<vmem>> -> memref<128x16xf32, #tpu.memory_space<vmem>>
        %dma_start3A_615 = arith.constant 0 : i32
        %dma_start3A_616 = tpu.memref_slice %arg7[%dma_start3A_608, %dma_start3A_609, %dma_start3A_615] : memref<2x25x128xi32, #tpu.memory_space<vmem>> -> memref<1x1x128xi32, #tpu.memory_space<vmem>>
        %dma_start3A_617 = tpu.memref_squeeze %dma_start3A_616 : memref<1x1x128xi32, #tpu.memory_space<vmem>> -> memref<128xi32, #tpu.memory_space<vmem>>
        %dma_start3A_618 = arith.constant 0 : i32
        %dma_start3A_619 = arith.constant 0 : i32
        %dma_start3A_620 = tpu.memref_slice %arg3[%dma_start3A_618, %dma_start3A_619] : memref<1015808x16xf32, #tpu.memory_space<hbm>> -> memref<1015808x16xf32, #tpu.memory_space<hbm>>
        tpu.enqueue_indirect_dma source(%dma_start3A_620 : memref<1015808x16xf32, #tpu.memory_space<hbm>>) target(%dma_start3A_614 : memref<128x16xf32, #tpu.memory_space<vmem>>) offsets(%dma_start3A_617 : memref<128xi32, #tpu.memory_space<vmem>>) semaphore(%arg11 : memref<!tpu.dma_semaphore, #tpu.memory_space<semaphore_mem>>)
        %dma_start3A_621 = arith.constant 0 : i32
        %dma_start3A_622 = arith.constant 14 : i32
        %dma_start3A_623 = arith.constant 0 : i32
        %dma_start3A_624 = arith.constant 1792 : i32
        %dma_start3A_625 = arith.constant 0 : i32
        %dma_start3A_626 = tpu.memref_slice %arg8[%dma_start3A_623, %dma_start3A_624, %dma_start3A_625] : memref<2x3200x16xf32, #tpu.memory_space<vmem>> -> memref<1x128x16xf32, #tpu.memory_space<vmem>>
        %dma_start3A_627 = tpu.memref_squeeze %dma_start3A_626 : memref<1x128x16xf32, #tpu.memory_space<vmem>> -> memref<128x16xf32, #tpu.memory_space<vmem>>
        %dma_start3A_628 = arith.constant 0 : i32
        %dma_start3A_629 = tpu.memref_slice %arg7[%dma_start3A_621, %dma_start3A_622, %dma_start3A_628] : memref<2x25x128xi32, #tpu.memory_space<vmem>> -> memref<1x1x128xi32, #tpu.memory_space<vmem>>
        %dma_start3A_630 = tpu.memref_squeeze %dma_start3A_629 : memref<1x1x128xi32, #tpu.memory_space<vmem>> -> memref<128xi32, #tpu.memory_space<vmem>>
        %dma_start3A_631 = arith.constant 0 : i32
        %dma_start3A_632 = arith.constant 0 : i32
        %dma_start3A_633 = tpu.memref_slice %arg3[%dma_start3A_631, %dma_start3A_632] : memref<1015808x16xf32, #tpu.memory_space<hbm>> -> memref<1015808x16xf32, #tpu.memory_space<hbm>>
        tpu.enqueue_indirect_dma source(%dma_start3A_633 : memref<1015808x16xf32, #tpu.memory_space<hbm>>) target(%dma_start3A_627 : memref<128x16xf32, #tpu.memory_space<vmem>>) offsets(%dma_start3A_630 : memref<128xi32, #tpu.memory_space<vmem>>) semaphore(%arg11 : memref<!tpu.dma_semaphore, #tpu.memory_space<semaphore_mem>>)
        %dma_start3A_634 = arith.constant 0 : i32
        %dma_start3A_635 = arith.constant 15 : i32
        %dma_start3A_636 = arith.constant 0 : i32
        %dma_start3A_637 = arith.constant 1920 : i32
        %dma_start3A_638 = arith.constant 0 : i32
        %dma_start3A_639 = tpu.memref_slice %arg8[%dma_start3A_636, %dma_start3A_637, %dma_start3A_638] : memref<2x3200x16xf32, #tpu.memory_space<vmem>> -> memref<1x128x16xf32, #tpu.memory_space<vmem>>
        %dma_start3A_640 = tpu.memref_squeeze %dma_start3A_639 : memref<1x128x16xf32, #tpu.memory_space<vmem>> -> memref<128x16xf32, #tpu.memory_space<vmem>>
        %dma_start3A_641 = arith.constant 0 : i32
        %dma_start3A_642 = tpu.memref_slice %arg7[%dma_start3A_634, %dma_start3A_635, %dma_start3A_641] : memref<2x25x128xi32, #tpu.memory_space<vmem>> -> memref<1x1x128xi32, #tpu.memory_space<vmem>>
        %dma_start3A_643 = tpu.memref_squeeze %dma_start3A_642 : memref<1x1x128xi32, #tpu.memory_space<vmem>> -> memref<128xi32, #tpu.memory_space<vmem>>
        %dma_start3A_644 = arith.constant 0 : i32
        %dma_start3A_645 = arith.constant 0 : i32
        %dma_start3A_646 = tpu.memref_slice %arg3[%dma_start3A_644, %dma_start3A_645] : memref<1015808x16xf32, #tpu.memory_space<hbm>> -> memref<1015808x16xf32, #tpu.memory_space<hbm>>
        tpu.enqueue_indirect_dma source(%dma_start3A_646 : memref<1015808x16xf32, #tpu.memory_space<hbm>>) target(%dma_start3A_640 : memref<128x16xf32, #tpu.memory_space<vmem>>) offsets(%dma_start3A_643 : memref<128xi32, #tpu.memory_space<vmem>>) semaphore(%arg11 : memref<!tpu.dma_semaphore, #tpu.memory_space<semaphore_mem>>)
        %dma_start3A_647 = arith.constant 0 : i32
        %dma_start3A_648 = arith.constant 16 : i32
        %dma_start3A_649 = arith.constant 0 : i32
        %dma_start3A_650 = arith.constant 2048 : i32
        %dma_start3A_651 = arith.constant 0 : i32
        %dma_start3A_652 = tpu.memref_slice %arg8[%dma_start3A_649, %dma_start3A_650, %dma_start3A_651] : memref<2x3200x16xf32, #tpu.memory_space<vmem>> -> memref<1x128x16xf32, #tpu.memory_space<vmem>>
        %dma_start3A_653 = tpu.memref_squeeze %dma_start3A_652 : memref<1x128x16xf32, #tpu.memory_space<vmem>> -> memref<128x16xf32, #tpu.memory_space<vmem>>
        %dma_start3A_654 = arith.constant 0 : i32
        %dma_start3A_655 = tpu.memref_slice %arg7[%dma_start3A_647, %dma_start3A_648, %dma_start3A_654] : memref<2x25x128xi32, #tpu.memory_space<vmem>> -> memref<1x1x128xi32, #tpu.memory_space<vmem>>
        %dma_start3A_656 = tpu.memref_squeeze %dma_start3A_655 : memref<1x1x128xi32, #tpu.memory_space<vmem>> -> memref<128xi32, #tpu.memory_space<vmem>>
        %dma_start3A_657 = arith.constant 0 : i32
        %dma_start3A_658 = arith.constant 0 : i32
        %dma_start3A_659 = tpu.memref_slice %arg3[%dma_start3A_657, %dma_start3A_658] : memref<1015808x16xf32, #tpu.memory_space<hbm>> -> memref<1015808x16xf32, #tpu.memory_space<hbm>>
        tpu.enqueue_indirect_dma source(%dma_start3A_659 : memref<1015808x16xf32, #tpu.memory_space<hbm>>) target(%dma_start3A_653 : memref<128x16xf32, #tpu.memory_space<vmem>>) offsets(%dma_start3A_656 : memref<128xi32, #tpu.memory_space<vmem>>) semaphore(%arg11 : memref<!tpu.dma_semaphore, #tpu.memory_space<semaphore_mem>>)
        %dma_start3A_660 = arith.constant 0 : i32
        %dma_start3A_661 = arith.constant 17 : i32
        %dma_start3A_662 = arith.constant 0 : i32
        %dma_start3A_663 = arith.constant 2176 : i32
        %dma_start3A_664 = arith.constant 0 : i32
        %dma_start3A_665 = tpu.memref_slice %arg8[%dma_start3A_662, %dma_start3A_663, %dma_start3A_664] : memref<2x3200x16xf32, #tpu.memory_space<vmem>> -> memref<1x128x16xf32, #tpu.memory_space<vmem>>
        %dma_start3A_666 = tpu.memref_squeeze %dma_start3A_665 : memref<1x128x16xf32, #tpu.memory_space<vmem>> -> memref<128x16xf32, #tpu.memory_space<vmem>>
        %dma_start3A_667 = arith.constant 0 : i32
        %dma_start3A_668 = tpu.memref_slice %arg7[%dma_start3A_660, %dma_start3A_661, %dma_start3A_667] : memref<2x25x128xi32, #tpu.memory_space<vmem>> -> memref<1x1x128xi32, #tpu.memory_space<vmem>>
        %dma_start3A_669 = tpu.memref_squeeze %dma_start3A_668 : memref<1x1x128xi32, #tpu.memory_space<vmem>> -> memref<128xi32, #tpu.memory_space<vmem>>
        %dma_start3A_670 = arith.constant 0 : i32
        %dma_start3A_671 = arith.constant 0 : i32
        %dma_start3A_672 = tpu.memref_slice %arg3[%dma_start3A_670, %dma_start3A_671] : memref<1015808x16xf32, #tpu.memory_space<hbm>> -> memref<1015808x16xf32, #tpu.memory_space<hbm>>
        tpu.enqueue_indirect_dma source(%dma_start3A_672 : memref<1015808x16xf32, #tpu.memory_space<hbm>>) target(%dma_start3A_666 : memref<128x16xf32, #tpu.memory_space<vmem>>) offsets(%dma_start3A_669 : memref<128xi32, #tpu.memory_space<vmem>>) semaphore(%arg11 : memref<!tpu.dma_semaphore, #tpu.memory_space<semaphore_mem>>)
        %dma_start3A_673 = arith.constant 0 : i32
        %dma_start3A_674 = arith.constant 18 : i32
        %dma_start3A_675 = arith.constant 0 : i32
        %dma_start3A_676 = arith.constant 2304 : i32
        %dma_start3A_677 = arith.constant 0 : i32
        %dma_start3A_678 = tpu.memref_slice %arg8[%dma_start3A_675, %dma_start3A_676, %dma_start3A_677] : memref<2x3200x16xf32, #tpu.memory_space<vmem>> -> memref<1x128x16xf32, #tpu.memory_space<vmem>>
        %dma_start3A_679 = tpu.memref_squeeze %dma_start3A_678 : memref<1x128x16xf32, #tpu.memory_space<vmem>> -> memref<128x16xf32, #tpu.memory_space<vmem>>
        %dma_start3A_680 = arith.constant 0 : i32
        %dma_start3A_681 = tpu.memref_slice %arg7[%dma_start3A_673, %dma_start3A_674, %dma_start3A_680] : memref<2x25x128xi32, #tpu.memory_space<vmem>> -> memref<1x1x128xi32, #tpu.memory_space<vmem>>
        %dma_start3A_682 = tpu.memref_squeeze %dma_start3A_681 : memref<1x1x128xi32, #tpu.memory_space<vmem>> -> memref<128xi32, #tpu.memory_space<vmem>>
        %dma_start3A_683 = arith.constant 0 : i32
        %dma_start3A_684 = arith.constant 0 : i32
        %dma_start3A_685 = tpu.memref_slice %arg3[%dma_start3A_683, %dma_start3A_684] : memref<1015808x16xf32, #tpu.memory_space<hbm>> -> memref<1015808x16xf32, #tpu.memory_space<hbm>>
        tpu.enqueue_indirect_dma source(%dma_start3A_685 : memref<1015808x16xf32, #tpu.memory_space<hbm>>) target(%dma_start3A_679 : memref<128x16xf32, #tpu.memory_space<vmem>>) offsets(%dma_start3A_682 : memref<128xi32, #tpu.memory_space<vmem>>) semaphore(%arg11 : memref<!tpu.dma_semaphore, #tpu.memory_space<semaphore_mem>>)
        %dma_start3A_686 = arith.constant 0 : i32
        %dma_start3A_687 = arith.constant 19 : i32
        %dma_start3A_688 = arith.constant 0 : i32
        %dma_start3A_689 = arith.constant 2432 : i32
        %dma_start3A_690 = arith.constant 0 : i32
        %dma_start3A_691 = tpu.memref_slice %arg8[%dma_start3A_688, %dma_start3A_689, %dma_start3A_690] : memref<2x3200x16xf32, #tpu.memory_space<vmem>> -> memref<1x128x16xf32, #tpu.memory_space<vmem>>
        %dma_start3A_692 = tpu.memref_squeeze %dma_start3A_691 : memref<1x128x16xf32, #tpu.memory_space<vmem>> -> memref<128x16xf32, #tpu.memory_space<vmem>>
        %dma_start3A_693 = arith.constant 0 : i32
        %dma_start3A_694 = tpu.memref_slice %arg7[%dma_start3A_686, %dma_start3A_687, %dma_start3A_693] : memref<2x25x128xi32, #tpu.memory_space<vmem>> -> memref<1x1x128xi32, #tpu.memory_space<vmem>>
        %dma_start3A_695 = tpu.memref_squeeze %dma_start3A_694 : memref<1x1x128xi32, #tpu.memory_space<vmem>> -> memref<128xi32, #tpu.memory_space<vmem>>
        %dma_start3A_696 = arith.constant 0 : i32
        %dma_start3A_697 = arith.constant 0 : i32
        %dma_start3A_698 = tpu.memref_slice %arg3[%dma_start3A_696, %dma_start3A_697] : memref<1015808x16xf32, #tpu.memory_space<hbm>> -> memref<1015808x16xf32, #tpu.memory_space<hbm>>
        tpu.enqueue_indirect_dma source(%dma_start3A_698 : memref<1015808x16xf32, #tpu.memory_space<hbm>>) target(%dma_start3A_692 : memref<128x16xf32, #tpu.memory_space<vmem>>) offsets(%dma_start3A_695 : memref<128xi32, #tpu.memory_space<vmem>>) semaphore(%arg11 : memref<!tpu.dma_semaphore, #tpu.memory_space<semaphore_mem>>)
        %dma_start3A_699 = arith.constant 0 : i32
        %dma_start3A_700 = arith.constant 20 : i32
        %dma_start3A_701 = arith.constant 0 : i32
        %dma_start3A_702 = arith.constant 2560 : i32
        %dma_start3A_703 = arith.constant 0 : i32
        %dma_start3A_704 = tpu.memref_slice %arg8[%dma_start3A_701, %dma_start3A_702, %dma_start3A_703] : memref<2x3200x16xf32, #tpu.memory_space<vmem>> -> memref<1x128x16xf32, #tpu.memory_space<vmem>>
        %dma_start3A_705 = tpu.memref_squeeze %dma_start3A_704 : memref<1x128x16xf32, #tpu.memory_space<vmem>> -> memref<128x16xf32, #tpu.memory_space<vmem>>
        %dma_start3A_706 = arith.constant 0 : i32
        %dma_start3A_707 = tpu.memref_slice %arg7[%dma_start3A_699, %dma_start3A_700, %dma_start3A_706] : memref<2x25x128xi32, #tpu.memory_space<vmem>> -> memref<1x1x128xi32, #tpu.memory_space<vmem>>
        %dma_start3A_708 = tpu.memref_squeeze %dma_start3A_707 : memref<1x1x128xi32, #tpu.memory_space<vmem>> -> memref<128xi32, #tpu.memory_space<vmem>>
        %dma_start3A_709 = arith.constant 0 : i32
        %dma_start3A_710 = arith.constant 0 : i32
        %dma_start3A_711 = tpu.memref_slice %arg3[%dma_start3A_709, %dma_start3A_710] : memref<1015808x16xf32, #tpu.memory_space<hbm>> -> memref<1015808x16xf32, #tpu.memory_space<hbm>>
        tpu.enqueue_indirect_dma source(%dma_start3A_711 : memref<1015808x16xf32, #tpu.memory_space<hbm>>) target(%dma_start3A_705 : memref<128x16xf32, #tpu.memory_space<vmem>>) offsets(%dma_start3A_708 : memref<128xi32, #tpu.memory_space<vmem>>) semaphore(%arg11 : memref<!tpu.dma_semaphore, #tpu.memory_space<semaphore_mem>>)
        %dma_start3A_712 = arith.constant 0 : i32
        %dma_start3A_713 = arith.constant 21 : i32
        %dma_start3A_714 = arith.constant 0 : i32
        %dma_start3A_715 = arith.constant 2688 : i32
        %dma_start3A_716 = arith.constant 0 : i32
        %dma_start3A_717 = tpu.memref_slice %arg8[%dma_start3A_714, %dma_start3A_715, %dma_start3A_716] : memref<2x3200x16xf32, #tpu.memory_space<vmem>> -> memref<1x128x16xf32, #tpu.memory_space<vmem>>
        %dma_start3A_718 = tpu.memref_squeeze %dma_start3A_717 : memref<1x128x16xf32, #tpu.memory_space<vmem>> -> memref<128x16xf32, #tpu.memory_space<vmem>>
        %dma_start3A_719 = arith.constant 0 : i32
        %dma_start3A_720 = tpu.memref_slice %arg7[%dma_start3A_712, %dma_start3A_713, %dma_start3A_719] : memref<2x25x128xi32, #tpu.memory_space<vmem>> -> memref<1x1x128xi32, #tpu.memory_space<vmem>>
        %dma_start3A_721 = tpu.memref_squeeze %dma_start3A_720 : memref<1x1x128xi32, #tpu.memory_space<vmem>> -> memref<128xi32, #tpu.memory_space<vmem>>
        %dma_start3A_722 = arith.constant 0 : i32
        %dma_start3A_723 = arith.constant 0 : i32
        %dma_start3A_724 = tpu.memref_slice %arg3[%dma_start3A_722, %dma_start3A_723] : memref<1015808x16xf32, #tpu.memory_space<hbm>> -> memref<1015808x16xf32, #tpu.memory_space<hbm>>
        tpu.enqueue_indirect_dma source(%dma_start3A_724 : memref<1015808x16xf32, #tpu.memory_space<hbm>>) target(%dma_start3A_718 : memref<128x16xf32, #tpu.memory_space<vmem>>) offsets(%dma_start3A_721 : memref<128xi32, #tpu.memory_space<vmem>>) semaphore(%arg11 : memref<!tpu.dma_semaphore, #tpu.memory_space<semaphore_mem>>)
        %dma_start3A_725 = arith.constant 0 : i32
        %dma_start3A_726 = arith.constant 22 : i32
        %dma_start3A_727 = arith.constant 0 : i32
        %dma_start3A_728 = arith.constant 2816 : i32
        %dma_start3A_729 = arith.constant 0 : i32
        %dma_start3A_730 = tpu.memref_slice %arg8[%dma_start3A_727, %dma_start3A_728, %dma_start3A_729] : memref<2x3200x16xf32, #tpu.memory_space<vmem>> -> memref<1x128x16xf32, #tpu.memory_space<vmem>>
        %dma_start3A_731 = tpu.memref_squeeze %dma_start3A_730 : memref<1x128x16xf32, #tpu.memory_space<vmem>> -> memref<128x16xf32, #tpu.memory_space<vmem>>
        %dma_start3A_732 = arith.constant 0 : i32
        %dma_start3A_733 = tpu.memref_slice %arg7[%dma_start3A_725, %dma_start3A_726, %dma_start3A_732] : memref<2x25x128xi32, #tpu.memory_space<vmem>> -> memref<1x1x128xi32, #tpu.memory_space<vmem>>
        %dma_start3A_734 = tpu.memref_squeeze %dma_start3A_733 : memref<1x1x128xi32, #tpu.memory_space<vmem>> -> memref<128xi32, #tpu.memory_space<vmem>>
        %dma_start3A_735 = arith.constant 0 : i32
        %dma_start3A_736 = arith.constant 0 : i32
        %dma_start3A_737 = tpu.memref_slice %arg3[%dma_start3A_735, %dma_start3A_736] : memref<1015808x16xf32, #tpu.memory_space<hbm>> -> memref<1015808x16xf32, #tpu.memory_space<hbm>>
        tpu.enqueue_indirect_dma source(%dma_start3A_737 : memref<1015808x16xf32, #tpu.memory_space<hbm>>) target(%dma_start3A_731 : memref<128x16xf32, #tpu.memory_space<vmem>>) offsets(%dma_start3A_734 : memref<128xi32, #tpu.memory_space<vmem>>) semaphore(%arg11 : memref<!tpu.dma_semaphore, #tpu.memory_space<semaphore_mem>>)
        %dma_start3A_738 = arith.constant 0 : i32
        %dma_start3A_739 = arith.constant 23 : i32
        %dma_start3A_740 = arith.constant 0 : i32
        %dma_start3A_741 = arith.constant 2944 : i32
        %dma_start3A_742 = arith.constant 0 : i32
        %dma_start3A_743 = tpu.memref_slice %arg8[%dma_start3A_740, %dma_start3A_741, %dma_start3A_742] : memref<2x3200x16xf32, #tpu.memory_space<vmem>> -> memref<1x128x16xf32, #tpu.memory_space<vmem>>
        %dma_start3A_744 = tpu.memref_squeeze %dma_start3A_743 : memref<1x128x16xf32, #tpu.memory_space<vmem>> -> memref<128x16xf32, #tpu.memory_space<vmem>>
        %dma_start3A_745 = arith.constant 0 : i32
        %dma_start3A_746 = tpu.memref_slice %arg7[%dma_start3A_738, %dma_start3A_739, %dma_start3A_745] : memref<2x25x128xi32, #tpu.memory_space<vmem>> -> memref<1x1x128xi32, #tpu.memory_space<vmem>>
        %dma_start3A_747 = tpu.memref_squeeze %dma_start3A_746 : memref<1x1x128xi32, #tpu.memory_space<vmem>> -> memref<128xi32, #tpu.memory_space<vmem>>
        %dma_start3A_748 = arith.constant 0 : i32
        %dma_start3A_749 = arith.constant 0 : i32
        %dma_start3A_750 = tpu.memref_slice %arg3[%dma_start3A_748, %dma_start3A_749] : memref<1015808x16xf32, #tpu.memory_space<hbm>> -> memref<1015808x16xf32, #tpu.memory_space<hbm>>
        tpu.enqueue_indirect_dma source(%dma_start3A_750 : memref<1015808x16xf32, #tpu.memory_space<hbm>>) target(%dma_start3A_744 : memref<128x16xf32, #tpu.memory_space<vmem>>) offsets(%dma_start3A_747 : memref<128xi32, #tpu.memory_space<vmem>>) semaphore(%arg11 : memref<!tpu.dma_semaphore, #tpu.memory_space<semaphore_mem>>)
        %dma_start3A_751 = arith.constant 0 : i32
        %dma_start3A_752 = arith.constant 24 : i32
        %dma_start3A_753 = arith.constant 0 : i32
        %dma_start3A_754 = arith.constant 3072 : i32
        %dma_start3A_755 = arith.constant 0 : i32
        %dma_start3A_756 = tpu.memref_slice %arg8[%dma_start3A_753, %dma_start3A_754, %dma_start3A_755] : memref<2x3200x16xf32, #tpu.memory_space<vmem>> -> memref<1x128x16xf32, #tpu.memory_space<vmem>>
        %dma_start3A_757 = tpu.memref_squeeze %dma_start3A_756 : memref<1x128x16xf32, #tpu.memory_space<vmem>> -> memref<128x16xf32, #tpu.memory_space<vmem>>
        %dma_start3A_758 = arith.constant 0 : i32
        %dma_start3A_759 = tpu.memref_slice %arg7[%dma_start3A_751, %dma_start3A_752, %dma_start3A_758] : memref<2x25x128xi32, #tpu.memory_space<vmem>> -> memref<1x1x128xi32, #tpu.memory_space<vmem>>
        %dma_start3A_760 = tpu.memref_squeeze %dma_start3A_759 : memref<1x1x128xi32, #tpu.memory_space<vmem>> -> memref<128xi32, #tpu.memory_space<vmem>>
        %dma_start3A_761 = arith.constant 0 : i32
        %dma_start3A_762 = arith.constant 0 : i32
        %dma_start3A_763 = tpu.memref_slice %arg3[%dma_start3A_761, %dma_start3A_762] : memref<1015808x16xf32, #tpu.memory_space<hbm>> -> memref<1015808x16xf32, #tpu.memory_space<hbm>>
        tpu.enqueue_indirect_dma source(%dma_start3A_763 : memref<1015808x16xf32, #tpu.memory_space<hbm>>) target(%dma_start3A_757 : memref<128x16xf32, #tpu.memory_space<vmem>>) offsets(%dma_start3A_760 : memref<128xi32, #tpu.memory_space<vmem>>) semaphore(%arg11 : memref<!tpu.dma_semaphore, #tpu.memory_space<semaphore_mem>>)
      } else {
      }
      %dma_wait3A_396 = arith.constant 1 : i32
      %dma_wait3A_397 = arith.constant 0 : i32
      %dma_wait3A_398 = arith.constant 0 : i32
      %dma_wait3A_399 = tpu.memref_slice %arg8[%dma_wait3A_396, %dma_wait3A_397, %dma_wait3A_398] : memref<2x3200x16xf32, #tpu.memory_space<vmem>> -> memref<1x3200x16xf32, #tpu.memory_space<vmem>>
      %dma_wait3A_400 = tpu.memref_squeeze %dma_wait3A_399 : memref<1x3200x16xf32, #tpu.memory_space<vmem>> -> memref<3200x16xf32, #tpu.memory_space<vmem>>
      %dma_wait3A_401 = arith.constant 0 : i32
      %dma_wait3A_402 = arith.constant 0 : i32
      %dma_wait3A_403 = tpu.memref_slice %arg3[%dma_wait3A_401, %dma_wait3A_402] : memref<1015808x16xf32, #tpu.memory_space<hbm>> -> memref<3200x16xf32, #tpu.memory_space<hbm>>
      %dma_wait3A_404 = arith.constant 0 : i32
      %dma_wait3A_405 = arith.constant 0 : i32
      %dma_wait3A_406 = tpu.memref_slice %arg8[%dma_wait3A_396, %dma_wait3A_404, %dma_wait3A_405] : memref<2x3200x16xf32, #tpu.memory_space<vmem>> -> memref<1x3200x16xf32, #tpu.memory_space<vmem>>
      %dma_wait3A_407 = tpu.memref_squeeze %dma_wait3A_406 : memref<1x3200x16xf32, #tpu.memory_space<vmem>> -> memref<3200x16xf32, #tpu.memory_space<vmem>>
      %dma_wait3A_408 = arith.constant 0 : i32
      %dma_wait3A_409 = arith.constant 0 : i32
      %dma_wait3A_410 = tpu.memref_slice %arg3[%dma_wait3A_408, %dma_wait3A_409] : memref<1015808x16xf32, #tpu.memory_space<hbm>> -> memref<3200x16xf32, #tpu.memory_space<hbm>>
      tpu.wait_dma2 semaphore(%arg12 : memref<!tpu.dma_semaphore, #tpu.memory_space<semaphore_mem>>) src(%dma_wait3A_410 : memref<3200x16xf32, #tpu.memory_space<hbm>>) dst(%dma_wait3A_407 : memref<3200x16xf32, #tpu.memory_space<vmem>>)
      %add3A_411 = arith.constant 1 : i32
      %add3A_412 = arith.addi %add3A_347, %add3A_411 : i32
      %get3A_413 = arith.constant 0 : i32
      %get3A_414 = arith.index_cast %get3A_413 : i32 to index
      %get3A_415 = arith.constant 0 : index
      %get3A_416 = tpu.vector_load %arg10[%get3A_414, %get3A_415] {strides = array<i32>} : memref<2x16xf32, #tpu.memory_space<vmem>>, vector<16xf32>,
      %get3A_417 = arith.constant 1 : i32
      %get3A_418 = arith.index_cast %get3A_417 : i32 to index
      %get3A_419 = arith.constant 0 : index
      %get3A_420 = tpu.vector_load %arg10[%get3A_418, %get3A_419] {strides = array<i32>} : memref<2x16xf32, #tpu.memory_space<vmem>>, vector<16xf32>,
      %scan3A_421 = arith.constant 0 : i32
      %scan3A_422 = arith.constant 25 : i32
      %scan3A_423 = arith.addi %scan3A_421, %scan3A_422 : i32
      %scan3A_424 = arith.constant 1 : i32
      %scan3A_425:2 = scf.for %scan3A_431 = %scan3A_421 to %scan3A_423 step %scan3A_424 iter_args(%scan3A_432 = %get3A_416, %scan3A_433 = %get3A_420) -> (vector<16xf32>, vector<16xf32>)  : i32 {
        %mul3A_434 = arith.constant 8 : i32
        %mul3A_435 = arith.muli %scan3A_431, %mul3A_434 : i32
        %add3A_436 = arith.constant 0 : i32
        %add3A_437 = arith.addi %mul3A_435, %add3A_436 : i32
        %mul3A_438 = arith.constant 16 : i32
        %mul3A_439 = arith.muli %add3A_437, %mul3A_438 : i32
        %add3A_440 = vector.broadcast %mul3A_439 : i32 to vector<16xi32>
        %add3A_441 = arith.addi %add3A_440, %iota3A : vector<16xi32>
        %gather3A = arith.constant 1 : i32
        %gather3A_442 = arith.constant 0 : i32
        %gather3A_443 = arith.constant 0 : i32
        %gather3A_444 = tpu.memref_slice %arg8[%gather3A, %gather3A_442, %gather3A_443] : memref<2x3200x16xf32, #tpu.memory_space<vmem>> -> memref<1x3200x16xf32, #tpu.memory_space<vmem>>
        %gather3A_445 = tpu.memref_squeeze %gather3A_444 : memref<1x3200x16xf32, #tpu.memory_space<vmem>> -> memref<3200x16xf32, #tpu.memory_space<vmem>>
        %gather3A_446 = tpu.vector_load_idx %gather3A_445[%add3A_441, %broadcast_in_dim3A_3] : memref<3200x16xf32, #tpu.memory_space<vmem>>[vector<16xi32>, vector<16xi32>], vector<16xf32>,
        %add3A_447 = arith.addf %scan3A_432, %gather3A_446 : vector<16xf32>
        %gather3A_448 = arith.constant 1 : i32
        %gather3A_449 = arith.constant 0 : i32
        %gather3A_450 = arith.constant 0 : i32
        %gather3A_451 = tpu.memref_slice %arg8[%gather3A_448, %gather3A_449, %gather3A_450] : memref<2x3200x16xf32, #tpu.memory_space<vmem>> -> memref<1x3200x16xf32, #tpu.memory_space<vmem>>
        %gather3A_452 = tpu.memref_squeeze %gather3A_451 : memref<1x3200x16xf32, #tpu.memory_space<vmem>> -> memref<3200x16xf32, #tpu.memory_space<vmem>>
        %gather3A_453 = tpu.vector_load_idx %gather3A_452[%add3A_441, %broadcast_in_dim3A_5] : memref<3200x16xf32, #tpu.memory_space<vmem>>[vector<16xi32>, vector<16xi32>], vector<16xf32>,
        %add3A_454 = arith.addf %scan3A_433, %gather3A_453 : vector<16xf32>
        %mul3A_455 = arith.constant 8 : i32
        %mul3A_456 = arith.muli %scan3A_431, %mul3A_455 : i32
        %add3A_457 = arith.constant 1 : i32
        %add3A_458 = arith.addi %mul3A_456, %add3A_457 : i32
        %mul3A_459 = arith.constant 16 : i32
        %mul3A_460 = arith.muli %add3A_458, %mul3A_459 : i32
        %add3A_461 = vector.broadcast %mul3A_460 : i32 to vector<16xi32>
        %add3A_462 = arith.addi %add3A_461, %iota3A : vector<16xi32>
        %gather3A_463 = arith.constant 1 : i32
        %gather3A_464 = arith.constant 0 : i32
        %gather3A_465 = arith.constant 0 : i32
        %gather3A_466 = tpu.memref_slice %arg8[%gather3A_463, %gather3A_464, %gather3A_465] : memref<2x3200x16xf32, #tpu.memory_space<vmem>> -> memref<1x3200x16xf32, #tpu.memory_space<vmem>>
        %gather3A_467 = tpu.memref_squeeze %gather3A_466 : memref<1x3200x16xf32, #tpu.memory_space<vmem>> -> memref<3200x16xf32, #tpu.memory_space<vmem>>
        %gather3A_468 = tpu.vector_load_idx %gather3A_467[%add3A_462, %broadcast_in_dim3A_3] : memref<3200x16xf32, #tpu.memory_space<vmem>>[vector<16xi32>, vector<16xi32>], vector<16xf32>,
        %add3A_469 = arith.addf %add3A_447, %gather3A_468 : vector<16xf32>
        %gather3A_470 = arith.constant 1 : i32
        %gather3A_471 = arith.constant 0 : i32
        %gather3A_472 = arith.constant 0 : i32
        %gather3A_473 = tpu.memref_slice %arg8[%gather3A_470, %gather3A_471, %gather3A_472] : memref<2x3200x16xf32, #tpu.memory_space<vmem>> -> memref<1x3200x16xf32, #tpu.memory_space<vmem>>
        %gather3A_474 = tpu.memref_squeeze %gather3A_473 : memref<1x3200x16xf32, #tpu.memory_space<vmem>> -> memref<3200x16xf32, #tpu.memory_space<vmem>>
        %gather3A_475 = tpu.vector_load_idx %gather3A_474[%add3A_462, %broadcast_in_dim3A_5] : memref<3200x16xf32, #tpu.memory_space<vmem>>[vector<16xi32>, vector<16xi32>], vector<16xf32>,
        %add3A_476 = arith.addf %add3A_454, %gather3A_475 : vector<16xf32>
        %mul3A_477 = arith.constant 8 : i32
        %mul3A_478 = arith.muli %scan3A_431, %mul3A_477 : i32
        %add3A_479 = arith.constant 2 : i32
        %add3A_480 = arith.addi %mul3A_478, %add3A_479 : i32
        %mul3A_481 = arith.constant 16 : i32
        %mul3A_482 = arith.muli %add3A_480, %mul3A_481 : i32
        %add3A_483 = vector.broadcast %mul3A_482 : i32 to vector<16xi32>
        %add3A_484 = arith.addi %add3A_483, %iota3A : vector<16xi32>
        %gather3A_485 = arith.constant 1 : i32
        %gather3A_486 = arith.constant 0 : i32
        %gather3A_487 = arith.constant 0 : i32
        %gather3A_488 = tpu.memref_slice %arg8[%gather3A_485, %gather3A_486, %gather3A_487] : memref<2x3200x16xf32, #tpu.memory_space<vmem>> -> memref<1x3200x16xf32, #tpu.memory_space<vmem>>
        %gather3A_489 = tpu.memref_squeeze %gather3A_488 : memref<1x3200x16xf32, #tpu.memory_space<vmem>> -> memref<3200x16xf32, #tpu.memory_space<vmem>>
        %gather3A_490 = tpu.vector_load_idx %gather3A_489[%add3A_484, %broadcast_in_dim3A_3] : memref<3200x16xf32, #tpu.memory_space<vmem>>[vector<16xi32>, vector<16xi32>], vector<16xf32>,
        %add3A_491 = arith.addf %add3A_469, %gather3A_490 : vector<16xf32>
        %gather3A_492 = arith.constant 1 : i32
        %gather3A_493 = arith.constant 0 : i32
        %gather3A_494 = arith.constant 0 : i32
        %gather3A_495 = tpu.memref_slice %arg8[%gather3A_492, %gather3A_493, %gather3A_494] : memref<2x3200x16xf32, #tpu.memory_space<vmem>> -> memref<1x3200x16xf32, #tpu.memory_space<vmem>>
        %gather3A_496 = tpu.memref_squeeze %gather3A_495 : memref<1x3200x16xf32, #tpu.memory_space<vmem>> -> memref<3200x16xf32, #tpu.memory_space<vmem>>
        %gather3A_497 = tpu.vector_load_idx %gather3A_496[%add3A_484, %broadcast_in_dim3A_5] : memref<3200x16xf32, #tpu.memory_space<vmem>>[vector<16xi32>, vector<16xi32>], vector<16xf32>,
        %add3A_498 = arith.addf %add3A_476, %gather3A_497 : vector<16xf32>
        %mul3A_499 = arith.constant 8 : i32
        %mul3A_500 = arith.muli %scan3A_431, %mul3A_499 : i32
        %add3A_501 = arith.constant 3 : i32
        %add3A_502 = arith.addi %mul3A_500, %add3A_501 : i32
        %mul3A_503 = arith.constant 16 : i32
        %mul3A_504 = arith.muli %add3A_502, %mul3A_503 : i32
        %add3A_505 = vector.broadcast %mul3A_504 : i32 to vector<16xi32>
        %add3A_506 = arith.addi %add3A_505, %iota3A : vector<16xi32>
        %gather3A_507 = arith.constant 1 : i32
        %gather3A_508 = arith.constant 0 : i32
        %gather3A_509 = arith.constant 0 : i32
        %gather3A_510 = tpu.memref_slice %arg8[%gather3A_507, %gather3A_508, %gather3A_509] : memref<2x3200x16xf32, #tpu.memory_space<vmem>> -> memref<1x3200x16xf32, #tpu.memory_space<vmem>>
        %gather3A_511 = tpu.memref_squeeze %gather3A_510 : memref<1x3200x16xf32, #tpu.memory_space<vmem>> -> memref<3200x16xf32, #tpu.memory_space<vmem>>
        %gather3A_512 = tpu.vector_load_idx %gather3A_511[%add3A_506, %broadcast_in_dim3A_3] : memref<3200x16xf32, #tpu.memory_space<vmem>>[vector<16xi32>, vector<16xi32>], vector<16xf32>,
        %add3A_513 = arith.addf %add3A_491, %gather3A_512 : vector<16xf32>
        %gather3A_514 = arith.constant 1 : i32
        %gather3A_515 = arith.constant 0 : i32
        %gather3A_516 = arith.constant 0 : i32
        %gather3A_517 = tpu.memref_slice %arg8[%gather3A_514, %gather3A_515, %gather3A_516] : memref<2x3200x16xf32, #tpu.memory_space<vmem>> -> memref<1x3200x16xf32, #tpu.memory_space<vmem>>
        %gather3A_518 = tpu.memref_squeeze %gather3A_517 : memref<1x3200x16xf32, #tpu.memory_space<vmem>> -> memref<3200x16xf32, #tpu.memory_space<vmem>>
        %gather3A_519 = tpu.vector_load_idx %gather3A_518[%add3A_506, %broadcast_in_dim3A_5] : memref<3200x16xf32, #tpu.memory_space<vmem>>[vector<16xi32>, vector<16xi32>], vector<16xf32>,
        %add3A_520 = arith.addf %add3A_498, %gather3A_519 : vector<16xf32>
        %mul3A_521 = arith.constant 8 : i32
        %mul3A_522 = arith.muli %scan3A_431, %mul3A_521 : i32
        %add3A_523 = arith.constant 4 : i32
        %add3A_524 = arith.addi %mul3A_522, %add3A_523 : i32
        %mul3A_525 = arith.constant 16 : i32
        %mul3A_526 = arith.muli %add3A_524, %mul3A_525 : i32
        %add3A_527 = vector.broadcast %mul3A_526 : i32 to vector<16xi32>
        %add3A_528 = arith.addi %add3A_527, %iota3A : vector<16xi32>
        %gather3A_529 = arith.constant 1 : i32
        %gather3A_530 = arith.constant 0 : i32
        %gather3A_531 = arith.constant 0 : i32
        %gather3A_532 = tpu.memref_slice %arg8[%gather3A_529, %gather3A_530, %gather3A_531] : memref<2x3200x16xf32, #tpu.memory_space<vmem>> -> memref<1x3200x16xf32, #tpu.memory_space<vmem>>
        %gather3A_533 = tpu.memref_squeeze %gather3A_532 : memref<1x3200x16xf32, #tpu.memory_space<vmem>> -> memref<3200x16xf32, #tpu.memory_space<vmem>>
        %gather3A_534 = tpu.vector_load_idx %gather3A_533[%add3A_528, %broadcast_in_dim3A_3] : memref<3200x16xf32, #tpu.memory_space<vmem>>[vector<16xi32>, vector<16xi32>], vector<16xf32>,
        %add3A_535 = arith.addf %add3A_513, %gather3A_534 : vector<16xf32>
        %gather3A_536 = arith.constant 1 : i32
        %gather3A_537 = arith.constant 0 : i32
        %gather3A_538 = arith.constant 0 : i32
        %gather3A_539 = tpu.memref_slice %arg8[%gather3A_536, %gather3A_537, %gather3A_538] : memref<2x3200x16xf32, #tpu.memory_space<vmem>> -> memref<1x3200x16xf32, #tpu.memory_space<vmem>>
        %gather3A_540 = tpu.memref_squeeze %gather3A_539 : memref<1x3200x16xf32, #tpu.memory_space<vmem>> -> memref<3200x16xf32, #tpu.memory_space<vmem>>
        %gather3A_541 = tpu.vector_load_idx %gather3A_540[%add3A_528, %broadcast_in_dim3A_5] : memref<3200x16xf32, #tpu.memory_space<vmem>>[vector<16xi32>, vector<16xi32>], vector<16xf32>,
        %add3A_542 = arith.addf %add3A_520, %gather3A_541 : vector<16xf32>
        %mul3A_543 = arith.constant 8 : i32
        %mul3A_544 = arith.muli %scan3A_431, %mul3A_543 : i32
        %add3A_545 = arith.constant 5 : i32
        %add3A_546 = arith.addi %mul3A_544, %add3A_545 : i32
        %mul3A_547 = arith.constant 16 : i32
        %mul3A_548 = arith.muli %add3A_546, %mul3A_547 : i32
        %add3A_549 = vector.broadcast %mul3A_548 : i32 to vector<16xi32>
        %add3A_550 = arith.addi %add3A_549, %iota3A : vector<16xi32>
        %gather3A_551 = arith.constant 1 : i32
        %gather3A_552 = arith.constant 0 : i32
        %gather3A_553 = arith.constant 0 : i32
        %gather3A_554 = tpu.memref_slice %arg8[%gather3A_551, %gather3A_552, %gather3A_553] : memref<2x3200x16xf32, #tpu.memory_space<vmem>> -> memref<1x3200x16xf32, #tpu.memory_space<vmem>>
        %gather3A_555 = tpu.memref_squeeze %gather3A_554 : memref<1x3200x16xf32, #tpu.memory_space<vmem>> -> memref<3200x16xf32, #tpu.memory_space<vmem>>
        %gather3A_556 = tpu.vector_load_idx %gather3A_555[%add3A_550, %broadcast_in_dim3A_3] : memref<3200x16xf32, #tpu.memory_space<vmem>>[vector<16xi32>, vector<16xi32>], vector<16xf32>,
        %add3A_557 = arith.addf %add3A_535, %gather3A_556 : vector<16xf32>
        %gather3A_558 = arith.constant 1 : i32
        %gather3A_559 = arith.constant 0 : i32
        %gather3A_560 = arith.constant 0 : i32
        %gather3A_561 = tpu.memref_slice %arg8[%gather3A_558, %gather3A_559, %gather3A_560] : memref<2x3200x16xf32, #tpu.memory_space<vmem>> -> memref<1x3200x16xf32, #tpu.memory_space<vmem>>
        %gather3A_562 = tpu.memref_squeeze %gather3A_561 : memref<1x3200x16xf32, #tpu.memory_space<vmem>> -> memref<3200x16xf32, #tpu.memory_space<vmem>>
        %gather3A_563 = tpu.vector_load_idx %gather3A_562[%add3A_550, %broadcast_in_dim3A_5] : memref<3200x16xf32, #tpu.memory_space<vmem>>[vector<16xi32>, vector<16xi32>], vector<16xf32>,
        %add3A_564 = arith.addf %add3A_542, %gather3A_563 : vector<16xf32>
        %mul3A_565 = arith.constant 8 : i32
        %mul3A_566 = arith.muli %scan3A_431, %mul3A_565 : i32
        %add3A_567 = arith.constant 6 : i32
        %add3A_568 = arith.addi %mul3A_566, %add3A_567 : i32
        %mul3A_569 = arith.constant 16 : i32
        %mul3A_570 = arith.muli %add3A_568, %mul3A_569 : i32
        %add3A_571 = vector.broadcast %mul3A_570 : i32 to vector<16xi32>
        %add3A_572 = arith.addi %add3A_571, %iota3A : vector<16xi32>
        %gather3A_573 = arith.constant 1 : i32
        %gather3A_574 = arith.constant 0 : i32
        %gather3A_575 = arith.constant 0 : i32
        %gather3A_576 = tpu.memref_slice %arg8[%gather3A_573, %gather3A_574, %gather3A_575] : memref<2x3200x16xf32, #tpu.memory_space<vmem>> -> memref<1x3200x16xf32, #tpu.memory_space<vmem>>
        %gather3A_577 = tpu.memref_squeeze %gather3A_576 : memref<1x3200x16xf32, #tpu.memory_space<vmem>> -> memref<3200x16xf32, #tpu.memory_space<vmem>>
        %gather3A_578 = tpu.vector_load_idx %gather3A_577[%add3A_572, %broadcast_in_dim3A_3] : memref<3200x16xf32, #tpu.memory_space<vmem>>[vector<16xi32>, vector<16xi32>], vector<16xf32>,
        %add3A_579 = arith.addf %add3A_557, %gather3A_578 : vector<16xf32>
        %gather3A_580 = arith.constant 1 : i32
        %gather3A_581 = arith.constant 0 : i32
        %gather3A_582 = arith.constant 0 : i32
        %gather3A_583 = tpu.memref_slice %arg8[%gather3A_580, %gather3A_581, %gather3A_582] : memref<2x3200x16xf32, #tpu.memory_space<vmem>> -> memref<1x3200x16xf32, #tpu.memory_space<vmem>>
        %gather3A_584 = tpu.memref_squeeze %gather3A_583 : memref<1x3200x16xf32, #tpu.memory_space<vmem>> -> memref<3200x16xf32, #tpu.memory_space<vmem>>
        %gather3A_585 = tpu.vector_load_idx %gather3A_584[%add3A_572, %broadcast_in_dim3A_5] : memref<3200x16xf32, #tpu.memory_space<vmem>>[vector<16xi32>, vector<16xi32>], vector<16xf32>,
        %add3A_586 = arith.addf %add3A_564, %gather3A_585 : vector<16xf32>
        %mul3A_587 = arith.constant 8 : i32
        %mul3A_588 = arith.muli %scan3A_431, %mul3A_587 : i32
        %add3A_589 = arith.constant 7 : i32
        %add3A_590 = arith.addi %mul3A_588, %add3A_589 : i32
        %mul3A_591 = arith.constant 16 : i32
        %mul3A_592 = arith.muli %add3A_590, %mul3A_591 : i32
        %add3A_593 = vector.broadcast %mul3A_592 : i32 to vector<16xi32>
        %add3A_594 = arith.addi %add3A_593, %iota3A : vector<16xi32>
        %gather3A_595 = arith.constant 1 : i32
        %gather3A_596 = arith.constant 0 : i32
        %gather3A_597 = arith.constant 0 : i32
        %gather3A_598 = tpu.memref_slice %arg8[%gather3A_595, %gather3A_596, %gather3A_597] : memref<2x3200x16xf32, #tpu.memory_space<vmem>> -> memref<1x3200x16xf32, #tpu.memory_space<vmem>>
        %gather3A_599 = tpu.memref_squeeze %gather3A_598 : memref<1x3200x16xf32, #tpu.memory_space<vmem>> -> memref<3200x16xf32, #tpu.memory_space<vmem>>
        %gather3A_600 = tpu.vector_load_idx %gather3A_599[%add3A_594, %broadcast_in_dim3A_3] : memref<3200x16xf32, #tpu.memory_space<vmem>>[vector<16xi32>, vector<16xi32>], vector<16xf32>,
        %add3A_601 = arith.addf %add3A_579, %gather3A_600 : vector<16xf32>
        %gather3A_602 = arith.constant 1 : i32
        %gather3A_603 = arith.constant 0 : i32
        %gather3A_604 = arith.constant 0 : i32
        %gather3A_605 = tpu.memref_slice %arg8[%gather3A_602, %gather3A_603, %gather3A_604] : memref<2x3200x16xf32, #tpu.memory_space<vmem>> -> memref<1x3200x16xf32, #tpu.memory_space<vmem>>
        %gather3A_606 = tpu.memref_squeeze %gather3A_605 : memref<1x3200x16xf32, #tpu.memory_space<vmem>> -> memref<3200x16xf32, #tpu.memory_space<vmem>>
        %gather3A_607 = tpu.vector_load_idx %gather3A_606[%add3A_594, %broadcast_in_dim3A_5] : memref<3200x16xf32, #tpu.memory_space<vmem>>[vector<16xi32>, vector<16xi32>], vector<16xf32>,
        %add3A_608 = arith.addf %add3A_586, %gather3A_607 : vector<16xf32>
        scf.yield %add3A_601, %add3A_608 : vector<16xf32>, vector<16xf32>
      }
      %scan3A_426 = arith.constant 25 : i32
      %mul3A_427 = arith.constant 16 : i32
      %mul3A_428 = arith.muli %add3A_412, %mul3A_427 : i32
      %add3A_429 = vector.broadcast %mul3A_428 : i32 to vector<16xi32>
      %add3A_430 = arith.addi %add3A_429, %iota3A : vector<16xi32>
      tpu.vector_store_idx %arg9[%add3A_430, %broadcast_in_dim3A_3], %scan3A_425#0 : memref<512x2xf32, #tpu.memory_space<vmem>>[vector<16xi32>, vector<16xi32>], vector<16xf32>,
      tpu.vector_store_idx %arg9[%add3A_430, %broadcast_in_dim3A_5], %scan3A_425#1 : memref<512x2xf32, #tpu.memory_space<vmem>>[vector<16xi32>, vector<16xi32>], vector<16xf32>,
    }
    %scan3A_340 = arith.constant 16 : i32
    %mul3A_341 = arith.constant 512 : i32
    %mul3A_342 = arith.muli %add3A, %mul3A_341 : i32
    "tpu.region"() ({
      %run_scoped3A = tpu.sem_alloc : memref<!tpu.dma_semaphore, #tpu.memory_space<semaphore_mem>>
      %dma_start3A_343 = arith.constant 0 : i32
      %dma_start3A_344 = tpu.memref_slice %arg5[%mul3A_342, %dma_start3A_343] : memref<16384x2xf32, #tpu.memory_space<hbm>> -> memref<512x2xf32, #tpu.memory_space<hbm>>
      %dma_start3A_345 = arith.constant 0 : i32
      %dma_start3A_346 = tpu.memref_slice %arg5[%mul3A_342, %dma_start3A_345] : memref<16384x2xf32, #tpu.memory_space<hbm>> -> memref<512x2xf32, #tpu.memory_space<hbm>>
      tpu.enqueue_dma source(%arg9 : memref<512x2xf32, #tpu.memory_space<vmem>>) target(%dma_start3A_346 : memref<512x2xf32, #tpu.memory_space<hbm>>) target_semaphore(%run_scoped3A : memref<!tpu.dma_semaphore, #tpu.memory_space<semaphore_mem>>)
      %dma_wait3A = arith.constant 0 : i32
      %dma_wait3A_347 = tpu.memref_slice %arg5[%mul3A_342, %dma_wait3A] : memref<16384x2xf32, #tpu.memory_space<hbm>> -> memref<512x2xf32, #tpu.memory_space<hbm>>
      %dma_wait3A_348 = arith.constant 0 : i32
      %dma_wait3A_349 = tpu.memref_slice %arg5[%mul3A_342, %dma_wait3A_348] : memref<16384x2xf32, #tpu.memory_space<hbm>> -> memref<512x2xf32, #tpu.memory_space<hbm>>
      tpu.wait_dma2 semaphore(%run_scoped3A : memref<!tpu.dma_semaphore, #tpu.memory_space<semaphore_mem>>) src(%arg9 : memref<512x2xf32, #tpu.memory_space<vmem>>) dst(%dma_wait3A_349 : memref<512x2xf32, #tpu.memory_space<hbm>>)
      tpu.yield
    }) : () -> ()
    return
  }
}

module attributes {stable_mosaic.version = 14 : i64} {
  func.func @_mm_body(%arg0: i32, %arg1: memref<64x32768xf32, #tpu.memory_space<vmem>>, %arg2: memref<512x128xbf16, #tpu.memory_space<vmem>>, %arg3: memref<4096x128xf32, #tpu.memory_space<vmem>>) attributes {dimension_semantics = [#tpu.dimension_semantics<arbitrary>], iteration_bounds = array<i64: 31>, scalar_prefetch = 0 : i64, scratch_operands = 0 : i64, tpu.core_type = #tpu.core_type<tc>, window_params = [{transform_indices = @transform_0, window_bounds = array<i64: 64, 32768>}, {pipeline_mode = #tpu.pipeline_mode<synchronous>, transform_indices = @transform_1, window_bounds = array<i64: 512, 128>}, {transform_indices = @transform_2, window_bounds = array<i64: 4096, 128>}]} {
    %get3A = arith.constant 0 : index
    %get3A_0 = arith.constant 0 : index
    %get3A_1 = vector.load %arg1[%get3A, %get3A_0] : memref<64x32768xf32, #tpu.memory_space<vmem>>, vector<64x32768xf32>
    %convert_element_type3A = arith.truncf %get3A_1 : vector<64x32768xf32> to vector<64x32768xbf16>
    %slice3A = vector.extract_strided_slice %convert_element_type3A {offsets = [0, 0], sizes = [64, 4096], strides = [1, 1]} : vector<64x32768xbf16> to vector<64x4096xbf16>
    %get3A_2 = arith.constant 0 : index
    %get3A_3 = arith.constant 0 : index
    %get3A_4 = vector.load %arg2[%get3A_2, %get3A_3] : memref<512x128xbf16, #tpu.memory_space<vmem>>, vector<64x128xbf16>
    %dot_general3A = arith.constant dense<0.000000e+00> : vector<4096x128xf32>
    %dot_general3A_5 = tpu.matmul %slice3A, %get3A_4, %dot_general3A {dimension_numbers = #tpu.dot_dimension_numbers<[0], [0], [1], [1], [0, 1, 1, 1], [], []>, transpose_lhs_hint = true} : vector<64x4096xbf16>, vector<64x128xbf16>, vector<4096x128xf32> -> vector<4096x128xf32>
    %slice3A_6 = vector.extract_strided_slice %convert_element_type3A {offsets = [0, 4096], sizes = [64, 4096], strides = [1, 1]} : vector<64x32768xbf16> to vector<64x4096xbf16>
    %get3A_7 = arith.constant 64 : index
    %get3A_8 = arith.constant 0 : index
    %get3A_9 = vector.load %arg2[%get3A_7, %get3A_8] : memref<512x128xbf16, #tpu.memory_space<vmem>>, vector<64x128xbf16>
    %dot_general3A_10 = arith.constant dense<0.000000e+00> : vector<4096x128xf32>
    %dot_general3A_11 = tpu.matmul %slice3A_6, %get3A_9, %dot_general3A_10 {dimension_numbers = #tpu.dot_dimension_numbers<[0], [0], [1], [1], [0, 1, 1, 1], [], []>, transpose_lhs_hint = true} : vector<64x4096xbf16>, vector<64x128xbf16>, vector<4096x128xf32> -> vector<4096x128xf32>
    %add3A = arith.addf %dot_general3A_5, %dot_general3A_11 : vector<4096x128xf32>
    %slice3A_12 = vector.extract_strided_slice %convert_element_type3A {offsets = [0, 8192], sizes = [64, 4096], strides = [1, 1]} : vector<64x32768xbf16> to vector<64x4096xbf16>
    %get3A_13 = arith.constant 128 : index
    %get3A_14 = arith.constant 0 : index
    %get3A_15 = vector.load %arg2[%get3A_13, %get3A_14] : memref<512x128xbf16, #tpu.memory_space<vmem>>, vector<64x128xbf16>
    %dot_general3A_16 = arith.constant dense<0.000000e+00> : vector<4096x128xf32>
    %dot_general3A_17 = tpu.matmul %slice3A_12, %get3A_15, %dot_general3A_16 {dimension_numbers = #tpu.dot_dimension_numbers<[0], [0], [1], [1], [0, 1, 1, 1], [], []>, transpose_lhs_hint = true} : vector<64x4096xbf16>, vector<64x128xbf16>, vector<4096x128xf32> -> vector<4096x128xf32>
    %add3A_18 = arith.addf %add3A, %dot_general3A_17 : vector<4096x128xf32>
    %slice3A_19 = vector.extract_strided_slice %convert_element_type3A {offsets = [0, 12288], sizes = [64, 4096], strides = [1, 1]} : vector<64x32768xbf16> to vector<64x4096xbf16>
    %get3A_20 = arith.constant 192 : index
    %get3A_21 = arith.constant 0 : index
    %get3A_22 = vector.load %arg2[%get3A_20, %get3A_21] : memref<512x128xbf16, #tpu.memory_space<vmem>>, vector<64x128xbf16>
    %dot_general3A_23 = arith.constant dense<0.000000e+00> : vector<4096x128xf32>
    %dot_general3A_24 = tpu.matmul %slice3A_19, %get3A_22, %dot_general3A_23 {dimension_numbers = #tpu.dot_dimension_numbers<[0], [0], [1], [1], [0, 1, 1, 1], [], []>, transpose_lhs_hint = true} : vector<64x4096xbf16>, vector<64x128xbf16>, vector<4096x128xf32> -> vector<4096x128xf32>
    %add3A_25 = arith.addf %add3A_18, %dot_general3A_24 : vector<4096x128xf32>
    %slice3A_26 = vector.extract_strided_slice %convert_element_type3A {offsets = [0, 16384], sizes = [64, 4096], strides = [1, 1]} : vector<64x32768xbf16> to vector<64x4096xbf16>
    %get3A_27 = arith.constant 256 : index
    %get3A_28 = arith.constant 0 : index
    %get3A_29 = vector.load %arg2[%get3A_27, %get3A_28] : memref<512x128xbf16, #tpu.memory_space<vmem>>, vector<64x128xbf16>
    %dot_general3A_30 = arith.constant dense<0.000000e+00> : vector<4096x128xf32>
    %dot_general3A_31 = tpu.matmul %slice3A_26, %get3A_29, %dot_general3A_30 {dimension_numbers = #tpu.dot_dimension_numbers<[0], [0], [1], [1], [0, 1, 1, 1], [], []>, transpose_lhs_hint = true} : vector<64x4096xbf16>, vector<64x128xbf16>, vector<4096x128xf32> -> vector<4096x128xf32>
    %add3A_32 = arith.addf %add3A_25, %dot_general3A_31 : vector<4096x128xf32>
    %slice3A_33 = vector.extract_strided_slice %convert_element_type3A {offsets = [0, 20480], sizes = [64, 4096], strides = [1, 1]} : vector<64x32768xbf16> to vector<64x4096xbf16>
    %get3A_34 = arith.constant 320 : index
    %get3A_35 = arith.constant 0 : index
    %get3A_36 = vector.load %arg2[%get3A_34, %get3A_35] : memref<512x128xbf16, #tpu.memory_space<vmem>>, vector<64x128xbf16>
    %dot_general3A_37 = arith.constant dense<0.000000e+00> : vector<4096x128xf32>
    %dot_general3A_38 = tpu.matmul %slice3A_33, %get3A_36, %dot_general3A_37 {dimension_numbers = #tpu.dot_dimension_numbers<[0], [0], [1], [1], [0, 1, 1, 1], [], []>, transpose_lhs_hint = true} : vector<64x4096xbf16>, vector<64x128xbf16>, vector<4096x128xf32> -> vector<4096x128xf32>
    %add3A_39 = arith.addf %add3A_32, %dot_general3A_38 : vector<4096x128xf32>
    %slice3A_40 = vector.extract_strided_slice %convert_element_type3A {offsets = [0, 24576], sizes = [64, 4096], strides = [1, 1]} : vector<64x32768xbf16> to vector<64x4096xbf16>
    %get3A_41 = arith.constant 384 : index
    %get3A_42 = arith.constant 0 : index
    %get3A_43 = vector.load %arg2[%get3A_41, %get3A_42] : memref<512x128xbf16, #tpu.memory_space<vmem>>, vector<64x128xbf16>
    %dot_general3A_44 = arith.constant dense<0.000000e+00> : vector<4096x128xf32>
    %dot_general3A_45 = tpu.matmul %slice3A_40, %get3A_43, %dot_general3A_44 {dimension_numbers = #tpu.dot_dimension_numbers<[0], [0], [1], [1], [0, 1, 1, 1], [], []>, transpose_lhs_hint = true} : vector<64x4096xbf16>, vector<64x128xbf16>, vector<4096x128xf32> -> vector<4096x128xf32>
    %add3A_46 = arith.addf %add3A_39, %dot_general3A_45 : vector<4096x128xf32>
    %slice3A_47 = vector.extract_strided_slice %convert_element_type3A {offsets = [0, 28672], sizes = [64, 4096], strides = [1, 1]} : vector<64x32768xbf16> to vector<64x4096xbf16>
    %get3A_48 = arith.constant 448 : index
    %get3A_49 = arith.constant 0 : index
    %get3A_50 = vector.load %arg2[%get3A_48, %get3A_49] : memref<512x128xbf16, #tpu.memory_space<vmem>>, vector<64x128xbf16>
    %dot_general3A_51 = arith.constant dense<0.000000e+00> : vector<4096x128xf32>
    %dot_general3A_52 = tpu.matmul %slice3A_47, %get3A_50, %dot_general3A_51 {dimension_numbers = #tpu.dot_dimension_numbers<[0], [0], [1], [1], [0, 1, 1, 1], [], []>, transpose_lhs_hint = true} : vector<64x4096xbf16>, vector<64x128xbf16>, vector<4096x128xf32> -> vector<4096x128xf32>
    %add3A_53 = arith.addf %add3A_46, %dot_general3A_52 : vector<4096x128xf32>
    %swap3A = arith.constant 0 : index
    %swap3A_54 = arith.constant 0 : index
    %swap3A_55 = vector.load %arg3[%swap3A, %swap3A_54] : memref<4096x128xf32, #tpu.memory_space<vmem>>, vector<4096x128xf32>
    tpu.vector_store %arg3[%swap3A, %swap3A_54], %add3A_53 {strides = array<i32>} : memref<4096x128xf32, #tpu.memory_space<vmem>>, vector<4096x128xf32>,
    return
  }
  func.func @transform_0(%arg0: i32) -> (i32, i32) {
    %c0_i32 = arith.constant 0 : i32
    %c0_i32_0 = arith.constant 0 : i32
    return %c0_i32, %arg0 : i32, i32
  }
  func.func @transform_1(%arg0: i32) -> (i32, i32) {
    %c0_i32 = arith.constant 0 : i32
    %c0_i32_0 = arith.constant 0 : i32
    %c0_i32_1 = arith.constant 0 : i32
    return %c0_i32, %c0_i32_0 : i32, i32
  }
  func.func @transform_2(%arg0: i32) -> (i32, i32) {
    %c0_i32 = arith.constant 0 : i32
    %c0_i32_0 = arith.constant 0 : i32
    return %arg0, %c0_i32 : i32, i32
  }
}

</mosaic_0001>

<sc_bundles>
// kernel: kernel.4.cloned.1.call-start
scs
__scs_entry_jumppad:
0x0: {  	(pc) =	sbr.rel $0x88, $3  }
0x1: {  	(tag) =	ssettag $0x0;
	lr =	simm.s32 $0x1  }
0x2: {  	[smem:$0x3F9D] =	sst lr;
	_ =	strace $0xD0000000  }
0x3: {  	_ = 	snop  }
0x4: {  	_ = 	snop  }
0x5: {  	_ = 	snop  }
0x6: {  	_ = 	snop  }
0x7: {  	_ = 	snop  }
__scs_overlays_trampoline_lowered:
0x8: {  	[smem:$0x3FAC] =	sst s0  }
0x9: {  	[smem:$0x3FAD] =	sst s1  }
0xa: {  	[smem:$0x3FAE] =	sst s2  }
0xb: {  	[smem:$0x3FAF] =	sst s3  }
0xc: {  	[smem:$0x3FB0] =	sst s4  }
0xd: {  	[smem:$0x3FB1] =	sst s5  }
0xe: {  	[smem:$0x3FB2] =	sst s6  }
0xf: {  	[smem:$0x3FB3] =	sst s7  }
0x10: {  	[smem:$0x3FB4] =	sst s8  }
0x11: {  	[smem:$0x3FB5] =	sst s9;
	s0 =	simm.s32 @!p0 $0x0  }
0x12: {  	s1 =	sld [smem:$0x3F9B];
	s0 =	simm.s32 @p0 $0x1  }
0x13: {  	[smem:$0x3FB6] =	sst s0;
	s0 =	simm.s32 @!p1 $0x0  }
0x14: {  	s2 =	sld [smem:$0x3F9A];
	s0 =	simm.s32 @p1 $0x1  }
0x15: {  	[smem:$0x3FB7] =	sst s0;
	s0 =	simm.s32 @!p2 $0x0  }
0x16: {  	s3 =	sld [smem:$0x3FDB];
	s0 =	simm.s32 @p2 $0x1  }
0x17: {  	s4 =	simm.s32 $0x1BF5;
	[smem:$0x3FB9] =	sst s0  }
0x18: {  	s0 =	sld [smem:$0x3F9C];
	_ =	swait.ge [sflag:s4], $0x0  }
0x19: {  	s7 =	sld [smem:$0x3F9D]  }
0x1a: {  	s8 =	sadd.s32 $0xFFFFE003, lr  }
0x1b: {  	s9 =	sadd.s32 $0xFFFFFEF7, lr;
	s5 =	simm.s32 $0xFFFFFFFF;
	p2 =	slt.u32 s8, $0xFFFFF086  }
0x1c: {  	p1 =	slt.u32 s9, $0xF7A;
	s5 =	simm.s32 @!p2 $0x0  }
0x1d: {  	s5 =	simm.s32 @p1 $0x1;
	p0 =	seq.s32 s7, s2  }
0x1e: {  	s7 =	smul.u32 @!p0 $0xF7A, s2;
	p2 =	seq.s32 @!p0 s5, $0x0  }
0x1f: {  	s9 =	smul.u32 $0xF7A, s1;
	s8 =	simm.s32 @!p0 $0x1BF5;
	p2 =	por !p2, p0  }
0x20: {  	[sflag:s8] =	ssyncset.s32 @!p0 $0xFFFFF086;
	s6 =	sadd.s32 @!p0 s3, s7;
	s7 =	simm.s32 @!p0 $0x108  }
0x21: {  	s3 =	sadd.s32 s3, s9;
	s6 =	sadd.s32 @!p0 $0x88, s6;
	s7 =	simm.s32 @p2 $0x1082  }
0x22: {  	[simem:s7], [sflag:s8] =	dma.local @!p0 [hbm:s6], $0xF7A  }
0x23: {  	s9 =	sor.u32 $0xD0000000, s2;
	s6 =	simm.s32 $0x108;
	_ =	swait.ge @!p0 [sflag:s8], $0x0  }
0x24: {  	s3 =	sadd.s32 $0x88, s3;
	s6 =	simm.s32 @!p1 $0x1082;
	[sflag:s4] =	ssyncset.s32 $0xFFFFF086  }
0x25: {  	[simem:s6], [sflag:s4] =	dma.local [hbm:s3], $0xF7A  }
0x26: {  	[smem:$0x3F9D] =	sst s1;
	(tag) =	ssettag s2;
	_ =	strace s9  }
0x27: {  	s1 =	sld [smem:$0x3FAD]  }
0x28: {  	s2 =	sld [smem:$0x3FAE]  }
0x29: {  	s4 =	sld [smem:$0x3FB0]  }
0x2a: {  	p0 =	seq.s32 s5, $0x0;
	s5 =	sld [smem:$0x3FB1]  }
0x2b: {  	s6 =	sld [smem:$0x3FB2]  }
0x2c: {  	s7 =	sld [smem:$0x3FB3]  }
0x2d: {  	s3 =	simm.s32 $0x108;
	s8 =	sld [smem:$0x3FB4]  }
0x2e: {  	s3 =	simm.s32 @!p0 $0x1082;
	s9 =	sld [smem:$0x3FB5]  }
0x2f: {  	lr =	sadd.s32 s0, s3;
	s0 =	sld [smem:$0x3FAC]  }
0x30: {  	s3 =	sld [smem:$0x3FAF]  }
0x31: {  	[smem:$0x3FB8] =	sst s10  }
0x32: {  	s10 =	sld [smem:$0x3FB6];
	_ =	sdelay $0x3  }
0x33: {  	p0 =	seq.s32 s10, $0x1;
	s10 =	sld [smem:$0x3FB8];
	_ =	sdelay $0x3  }
0x34: {  	[smem:$0x3FB8] =	sst s10  }
0x35: {  	s10 =	sld [smem:$0x3FB7];
	_ =	sdelay $0x3  }
0x36: {  	p1 =	seq.s32 s10, $0x1;
	s10 =	sld [smem:$0x3FB8];
	_ =	sdelay $0x3  }
0x37: {  	[smem:$0x3FB8] =	sst s10  }
0x38: {  	s10 =	sld [smem:$0x3FB9]  }
0x39: {  	_ = 	snop;
	(pc) =	sbr.ind lr, $3  }
0x3a: {  	_ = 	snop  }
0x3b: {  	_ = 	snop  }
0x3c: {  	p2 =	seq.s32 s10, $0x1;
	s10 =	sld [smem:$0x3FB8]  }
0x3d: {  	_ =	shalt  }
0x3e: {  	_ =	shalt  }
0x3f: {  	_ =	shalt  }
0x40: {  	_ =	shalt  }
0x41: {  	_ =	shalt  }
0x42: {  	_ =	shalt  }
0x43: {  	_ =	shalt  }
0x44: {  	_ =	shalt  }
0x45: {  	_ =	shalt  }
0x46: {  	_ =	shalt  }
0x47: {  	_ =	shalt  }
0x48: {  	_ =	shalt  }
0x49: {  	_ =	shalt  }
0x4a: {  	_ =	shalt  }
0x4b: {  	_ =	shalt  }
0x4c: {  	_ =	shalt  }
0x4d: {  	_ =	shalt  }
0x4e: {  	_ =	shalt  }
0x4f: {  	_ =	shalt  }
0x50: {  	_ =	shalt  }
0x51: {  	_ =	shalt  }
0x52: {  	_ =	shalt  }
0x53: {  	_ =	shalt  }
0x54: {  	_ =	shalt  }
0x55: {  	_ =	shalt  }
0x56: {  	_ =	shalt  }
0x57: {  	_ =	shalt  }
0x58: {  	_ =	shalt  }
0x59: {  	_ =	shalt  }
0x5a: {  	_ =	shalt  }
0x5b: {  	_ =	shalt  }
0x5c: {  	_ =	shalt  }
0x5d: {  	_ =	shalt  }
0x5e: {  	_ =	shalt  }
0x5f: {  	_ =	shalt  }
0x60: {  	_ =	shalt  }
0x61: {  	_ =	shalt  }
0x62: {  	_ =	shalt  }
0x63: {  	_ =	shalt  }
0x64: {  	_ =	shalt  }
0x65: {  	_ =	shalt  }
0x66: {  	_ =	shalt  }
0x67: {  	_ =	shalt  }
0x68: {  	_ =	shalt  }
0x69: {  	_ =	shalt  }
0x6a: {  	_ =	shalt  }
0x6b: {  	_ =	shalt  }
0x6c: {  	_ =	shalt  }
0x6d: {  	_ =	shalt  }
0x6e: {  	_ =	shalt  }
0x6f: {  	_ =	shalt  }
0x70: {  	_ =	shalt  }
0x71: {  	_ =	shalt  }
0x72: {  	_ =	shalt  }
0x73: {  	_ =	shalt  }
0x74: {  	_ =	shalt  }
0x75: {  	_ =	shalt  }
0x76: {  	_ =	shalt  }
0x77: {  	_ =	shalt  }
0x78: {  	_ =	shalt  }
0x79: {  	_ =	shalt  }
0x7a: {  	_ =	shalt  }
0x7b: {  	_ =	shalt  }
0x7c: {  	_ =	shalt  }
0x7d: {  	_ =	shalt  }
0x7e: {  	_ =	shalt  }
0x7f: {  	_ =	shalt  }
0x80: {  	_ =	shalt  }
0x81: {  	_ =	shalt  }
0x82: {  	_ =	shalt  }
0x83: {  	_ =	shalt  }
0x84: {  	_ =	shalt  }
0x85: {  	_ =	shalt  }
0x86: {  	_ =	shalt  }
0x87: {  	_ =	shalt  }
.Lfunc_end0:
.L_simem_size_0:
called_computation_lowered:
.L_overlay_start_0:
0x88: {  	s2 =	sld [smem:$0x3FD9]  }
0x89: {  	s3 =	sld [smem:$0x3FFE];
	_ =	sdelay $0x1  }
0x8a: {  	s1 =	srdreg.scid  }
0x8b: {  	s0 =	sand.u32 $0x1, s1  }
0x8c: {  	s17 =	sshll.u32 s0, $0xA;
	s2 =	sadd.s32 s3, s2  }
0x8d: {  	s2 =	sadd.s32 s2, s17  }
0x8e: {  	[smem:$0x3FC4] =	sst s2  }
0x8f: {  	_ = 	snop  }
0x90: {  	s2 =	sld [smem:$0x3FD0];
	(tm) =	ssettm $0x1  }
0x91: {  	s18 =	sld [smem:$0x3FFB];
	_ =	sdelay $0x3  }
0x92: {  	_ =	strace s18  }
0x93: {  	s3 =	sld [smem:$0x3FFC];
	_ =	sdelay $0x3  }
0x94: {  	_ =	strace s3  }
0x95: {  	s3 =	sld [smem:$0x3FFD];
	_ =	sdelay $0x3  }
0x96: {  	_ =	strace s3  }
0x97: {  	_ =	strace $0x8FFFFFFF  }
0x98: {  	s19 =	sld [smem:$0x3FDB];
	_ =	sdelay $0x1  }
0x99: {  	s4 =	simm.s32 $_scs_section_size  }
0x9a: {  	s5 =	simm.s32 $_size__tile_overlayer_lowered;
	s6 =	simm.s32 $_tile_overlayer_lowered  }
0x9b: {  	s22 =	simm.s32 $0x1BFF;
	s21 =	sshll.u32 s6, $0x1;
	s3 =	sadd.s32 s4, s19  }
0x9c: {  	s7 =	simm.s32 $0x0;
	s20 =	sshll.u32 s5, $0x1;
	s5 =	sadd.s32 s21, s3  }
0x9d: {  	[timem:s7], [sflag:s22] =	dma.local [hbm:s5], s20  }
0x9e: {  	_ =	swait.ge [sflag:s22], s20  }
0x9f: {  	s4 =	ssub.s32 $0x0, s20;
	[sflag:s22] =	ssyncset.done $0x0  }
0xa0: {  	[sflag:s22] =	ssyncadd.s32 s4;
	_ =	sdelay $0x1  }
0xa1: {  	s23 =	simm.s32 $0x1B8B  }
0xa2: {  	_ =	swait.ge [sflag:s23], $0x1  }
0xa3: {  	[sflag:s23] =	ssyncset.done $0x0  }
0xa4: {  	s25 =	simm.s32 $0x1B8E;
	s24 =	sld [smem:$0x3FFE];
	[sflag:s23] =	ssyncadd.s32 $0xFFFFFFFF  }
0xa5: {  	s26 =	simm.s32 $execute0_lowered;
	[smem:$0x3FD2] =	sst s25  }
0xa6: {  	s5 =	sshll.u32 s26, $0x1;
	_ =	strace $0x80000046;
	[dreg:$0x1] =	wrdreg $0xFFFFFFFF  }
0xa7: {  	s28 =	simm.s32 $_size_execute0_lowered;
	s3 =	sadd.s32 s3, s5;
	[dreg:$0x0] =	wrdreg $0x0  }
0xa8: {  	s5 =	sshll.u32 s28, $0x1;
	[dreg:$0x2] =	wrdreg s3  }
0xa9: {  	[dreg:$0x3] =	wrdreg s5  }
0xaa: {  	[dreg:$0x4] =	wrdreg $0xC0  }
0xab: {  	_ =	task [dreg:s7], $0x5FFFF  }
0xac: {  	[dreg:$0x1] =	wrdreg $0xFFFFFFFF  }
0xad: {  	[dreg:$0x0] =	wrdreg $0x60  }
0xae: {  	[dreg:$0x2] =	wrdreg s24  }
0xaf: {  	[dreg:$0x3] =	wrdreg s2  }
0xb0: {  	[dreg:$0x4] =	wrdreg $0x9  }
0xb1: {  	_ =	task.clear_ibuf [dreg:s7], $0x5FFFF;
	_ =	strace $0x90000046  }
0xb2: {  	s29 =	simm.s32 $0x9;
	_ =	strace $0x80000048  }
0xb3: {  	_ =	swait.ge [sflag:s29], $0x1  }
0xb4: {  	[sflag:s29] =	ssyncadd.s32 $0xFFFFFFFF  }
0xb5: {  	_ =	strace $0x90000048  }
0xb6: {  	_ =	sfence  }
0xb7: {  	s30 =	sld [smem:$0x0];
	_ =	sdelay $0x2  }
0xb8: {  	s31 =	sshll.u32 s1, $0xD;
	s1 =	sshrl.u32 s1, $0x2  }
0xb9: {  	s3 =	sand.u32 $0x4000, s31;
	s1 =	sadd.s32 s1, s30  }
0xba: {  	s0 =	sor.u32 s3, s0;
	s1 =	sshll.u32 s1, $0x11  }
0xbb: {  	s0 =	sor.u32 s1, s0  }
0xbc: {  	s0 =	sadd.s32 $0x8F2B, s0  }
0xbd: {  	[sflag:s0] =	ssyncadd.remote.s32 $0x1  }
0xbe: {  	_ =	sfence.sel $0xFFFF  }
0xbf: {  	[dreg:$0x0] =	wrdreg $0xFFFFFFFF;
	(pc) =	sbr.abs _section_cstart, $3  }
0xc0: {  	[dreg:$0x1] =	wrdreg $0xFFFFFFFF  }
0xc1: {  	_ =	task.clear_ibuf [dreg:s7], $0x2FFFF;
	_ =	strace $0x9FFFFFFF  }
0xc2: {  	(tm) =	ssettm $0x7FFFFFFF  }
0xc3: {  	_ =	shalt  }
tec
execute0_lowered:
.L_overlay_start_1:
0x0: {  	(tag) =	ssettag $0x1  }
0x1: {  	s0 =	rddreg [dreg:$0x0];
	s7 =	simm.s32 $0x0  }
0x2: {  	s1 =	srdreg.scid;
	s2 =	stileid.u32;
	s12 =	simm.s32 $0x3  }
0x3: {  	s13 =	simm.s32 $0x10;
	s14 =	simm.s32 $0x4000;
	s15 =	simm.s32 $0x80  }
0x4: {  	s17 =	simm.s32 $0x2580;
	s16 =	simm.s32 $0x18580;
	s18 =	simm.s32 $0x2300  }
0x5: {  	s19 =	simm.s32 $0x18D80;
	s20 =	simm.s32 $0x2380;
	s21 =	simm.s32 $0x19580  }
0x6: {  	s8 =	simm.s32 $0x2400;
	s22 =	simm.s32 $0x19D80;
	s28 =	simm.s32 $0x1AD80  }
0x7: {  	s29 =	simm.s32 $0x1;
	s30 =	simm.s32 $0x1B580;
	s31 =	simm.s32 $0x2  }
0x8: {  	[smem:$0x7FF] =	sst s7;
	s1 =	sand.u32 $0x1, s1;
	s4 =	sadd.s32 $0x400, s0  }
0x9: {  	s2 =	sshll.u32 s2, $0xA;
	s5 =	sadd.s32 $0x64400, s0;
	s3 =	sshll.u32 s1, $0x9  }
0xa: {  	_ =	strace $0x80000047;
	s1 =	ssub.s32 $0x2, s1;
	s6 =	sor.u32 s3, s2  }
0xb: {  	s23 =	sshrl.u32 s1, $0x1;
	s0 =	sadd.s32 s6, s0;
	s3 =	sshrl.u32 s6, $0x3  }
0xc: {  	s1 =	ssub.s32 s1, s23;
	s25 =	sor.u32 $0x20, s6;
	s23 =	simm.s32 $0xED80  }
0xd: {  	s24 =	sadd.s32 s4, s3;
	[dreg:$0x4] =	wrdreg s25;
	s0 =	sadd.s32 $0x254400, s0  }
0xe: {  	v1 =	vlaneseq.u32;
	s26 =	smax.u32 s1, $0x1;
	s3 =	simm.s32 $0x2280;
	[dreg:$0x3] =	wrdreg s24  }
0xf: {  	v0 =	vmul.u32 $0x10, v1;
	s25 =	simm.s32 $0x1A580;
	s1 =	simm.s32 $0x0;
	[dreg:$0x5] =	wrdreg s0  }
0x10: {  	v1 =	vmul.u32 $0x8, v1;
	[dreg:$0x6] =	wrdreg s26;
	s24 =	simm.s32 $0x2480;
	s26 =	simm.s32 $0x2500  }
.LBB2_1:
0x11: {  	[dreg:$0x7] =	wrdreg s1  }
0x12: {  	s0 =	rddreg [dreg:$0x1];
	s10 =	simm.s32 $0x1C580  }
0x13: {  	[tilespmem:s10], [sflag:$0x3] =	stream.linear.gather [hbm4b:s0+s7], $0x20, $0x38;
	[tilespmem:$0x1C5A0] =	vst v63  }
0x14: {  	_ =	swait.ge [sflag:s12], $0x20  }
0x15: {  	[sflag:s12] =	ssyncset.done $0x0  }
0x16: {  	s11 =	rddreg [dreg:$0x3];
	[sflag:s12] =	ssyncadd.s32 $0xFFFFFFE0  }
0x17: {  	[tilespmem:s7], [sflag:$0x3] =	stream.strided.gather [hbm4b:s11+s13], $0xC80, s14, s13, $0x38;
	[tilespmem:$0x1C5A0] =	vst v63  }
0x18: {  	_ =	swait.ge [sflag:s12], $0xC80  }
0x19: {  	[sflag:s12] =	ssyncset.done $0x0  }
0x1a: {  	s0 =	simm.s32 $0x0;
	[sflag:s12] =	ssyncadd.s32 $0xFFFFF380  }
0x1b: {  	v2 =	vld [tilespmem:s0+$0x70]  }
0x1c: {  	v3 =	vld [tilespmem:s0+$0x0]  }
0x1d: {  	v4 =	vld [tilespmem:s0+$0x10]  }
0x1e: {  	v5 =	vld [tilespmem:s0+$0x20]  }
0x1f: {  	v7 =	vld [tilespmem:s0+$0x30]  }
0x20: {  	v8 =	vld [tilespmem:s0+$0x40]  }
0x21: {  	v9 =	vld [tilespmem:s0+$0x50]  }
0x22: {  	v12 =	vld [tilespmem:s0+$0x60]  }
0x23: {  	v6 =	vshll.u32 v2, $0x3  }
0x24: {  	v10 =	vand.u32 $0xFFFF8000, v2;
	v2 =	vshrl.u32 v2, $0xC;
	v11 =	vshll.u32 v3, $0x3  }
0x25: {  	v13 =	vshll.u32 v5, $0x3;
	v14 =	vand.u32 $0xFFFF8000, v4;
	v21 =	vand.u32 $0xFFFF8000, v5  }
0x26: {  	v5 =	vshrl.u32 v5, $0xC;
	v22 =	vand.u32 $0xFFFF8000, v7;
	v23 =	vand.u32 $0xFFFF8000, v8  }
0x27: {  	v16 =	vand.u32 $0xFFFF8000, v9;
	v17 =	vand.u32 $0xFFFF8000, v12;
	v6 =	vand.u32 $0x7FF8, v6  }
0x28: {  	v2 =	vand.u32 $0x7, v2;
	v11 =	vand.u32 $0x7FF8, v11;
	v18 =	vand.u32 $0x7FF8, v13  }
0x29: {  	v13 =	vand.u32 $0xFFFF8000, v3;
	v6 =	vor.u32 v10, v6;
	v10 =	vshll.u32 v4, $0x3  }
0x2a: {  	v4 =	vshrl.u32 v4, $0xC;
	v13 =	vor.u32 v13, v11;
	v15 =	vor.u32 v2, v6  }
0x2b: {  	v10 =	vand.u32 $0x7FF8, v10;
	v2 =	vshll.u32 v7, $0x3;
	v6 =	vshll.u32 v9, $0x3  }
0x2c: {  	v7 =	vshrl.u32 v7, $0xC;
	v9 =	vshrl.u32 v9, $0xC;
	v19 =	vand.u32 $0x7FF8, v2  }
0x2d: {  	v2 =	vshll.u32 v8, $0x3;
	v8 =	vshrl.u32 v8, $0xC;
	v10 =	vor.u32 v14, v10  }
0x2e: {  	v14 =	vshrl.u32 v12, $0xC;
	[tilespmem:s0+$0xCF0] =	vst v15;
	v15 =	vor.u32 v21, v18;
	v20 =	vand.u32 $0x7FF8, v2  }
0x2f: {  	v2 =	vshrl.u32 v3, $0xC;
	v3 =	vand.u32 $0x7FF8, v6;
	v6 =	vshll.u32 v12, $0x3  }
0x30: {  	s1 =	simm.s32 $0x80;
	s2 =	simm.s32 $0x400;
	v11 =	vor.u32 v22, v19;
	v6 =	vand.u32 $0x7FF8, v6;
	v12 =	vor.u32 v23, v20  }
.LBB2_2:
0x31: {  	p0 =	sne.s32 s2, $0x3000;
	v18 =	vld [tilespmem:s1+$0x70];
	v2 =	vand.u32 $0x7, v2;
	v3 =	vor.u32 v16, v3;
	v6 =	vor.u32 v17, v6  }
0x32: {  	v4 =	vand.u32 $0x7, v4;
	v5 =	vand.u32 $0x7, v5;
	v7 =	vand.u32 $0x7, v7;
	v16 =	vld [tilespmem:s1+$0x0]  }
0x33: {  	v8 =	vand.u32 $0x7, v8;
	v9 =	vand.u32 $0x7, v9;
	v14 =	vand.u32 $0x7, v14;
	v17 =	vld [tilespmem:s1+$0x10]  }
0x34: {  	v2 =	vor.u32 v2, v13;
	v4 =	vor.u32 v4, v10;
	v5 =	vor.u32 v5, v15;
	v19 =	vld [tilespmem:s1+$0x20]  }
0x35: {  	v3 =	vor.u32 v9, v3;
	v10 =	vld [tilespmem:s1+$0x30];
	[tilespmem:s0+$0xC80] =	vst v2;
	v2 =	vor.u32 v7, v11;
	v7 =	vor.u32 v8, v12  }
0x36: {  	v8 =	vld [tilespmem:s1+$0x40];
	v9 =	vshll.u32 v18, $0x3;
	[tilespmem:s0+$0xC90] =	vst v4;
	v4 =	vor.u32 v14, v6  }
0x37: {  	v6 =	vand.u32 $0xFFFF8000, v18;
	v12 =	vshrl.u32 v18, $0xC;
	v11 =	vld [tilespmem:s1+$0x50];
	v9 =	vand.u32 $0x7FF8, v9;
	[tilespmem:s0+$0xCA0] =	vst v5  }
0x38: {  	v5 =	vshll.u32 v16, $0x3;
	v14 =	vld [tilespmem:s1+$0x60];
	v6 =	vor.u32 v6, v9;
	v9 =	vand.u32 $0x7, v12;
	[tilespmem:s0+$0xCB0] =	vst v2  }
0x39: {  	v2 =	vshll.u32 v17, $0x3;
	v12 =	vshll.u32 v19, $0x3;
	v6 =	vor.u32 v9, v6;
	[tilespmem:s0+$0xCC0] =	vst v7  }
0x3a: {  	v13 =	vand.u32 $0x7FF8, v5;
	v15 =	vand.u32 $0x7FF8, v2;
	v2 =	vshll.u32 v10, $0x3;
	[tilespmem:s1+$0xCF0] =	vst v6  }
0x3b: {  	v12 =	vand.u32 $0x7FF8, v12;
	v18 =	vand.u32 $0x7FF8, v2;
	v2 =	vshll.u32 v8, $0x3;
	[tilespmem:s0+$0xCD0] =	vst v3  }
0x3c: {  	v20 =	vand.u32 $0xFFFF8000, v16;
	v21 =	vand.u32 $0x7FF8, v2;
	v3 =	vshll.u32 v11, $0x3;
	[tilespmem:s0+$0xCE0] =	vst v4;
	s0 =	smov.u32 s1  }
0x3d: {  	v2 =	vshrl.u32 v16, $0xC;
	v3 =	vand.u32 $0x7FF8, v3;
	v5 =	vshll.u32 v14, $0x3  }
0x3e: {  	v22 =	vand.u32 $0xFFFF8000, v17;
	v4 =	vshrl.u32 v17, $0xC;
	v6 =	vand.u32 $0x7FF8, v5  }
.Ltmp0:
0x3f: {  	v23 =	vand.u32 $0xFFFF8000, v19;
	v5 =	vshrl.u32 v19, $0xC;
	v19 =	vand.u32 $0xFFFF8000, v10;
	(pc) =	sbr.rel @p0 .LBB2_2-.Ltmp0, $4  }
0x40: {  	v7 =	vshrl.u32 v10, $0xC;
	v24 =	vand.u32 $0xFFFF8000, v8;
	v8 =	vshrl.u32 v8, $0xC  }
0x41: {  	v16 =	vand.u32 $0xFFFF8000, v11;
	v9 =	vshrl.u32 v11, $0xC;
	v17 =	vand.u32 $0xFFFF8000, v14  }
0x42: {  	v13 =	vor.u32 v20, v13;
	v14 =	vshrl.u32 v14, $0xC;
	v10 =	vor.u32 v22, v15  }
0x43: {  	s1 =	sshra.s32 s2, $0x2;
	s2 =	sadd.s32 $0x200, s2;
	v15 =	vor.u32 v23, v12;
	v12 =	vor.u32 v24, v21;
	v11 =	vor.u32 v19, v18  }
0x44: {  	v18 =	vld [tilespmem:s1+$0x70]  }
0x45: {  	v19 =	vld [tilespmem:s1+$0x0]  }
0x46: {  	v20 =	vld [tilespmem:s1+$0x10];
	v2 =	vand.u32 $0x7, v2;
	v3 =	vor.u32 v16, v3  }
0x47: {  	v35 =	vld [tilespmem:s1+$0x20];
	v6 =	vor.u32 v17, v6;
	v4 =	vand.u32 $0x7, v4;
	v5 =	vand.u32 $0x7, v5  }
0x48: {  	v36 =	vld [tilespmem:s1+$0x30];
	v7 =	vand.u32 $0x7, v7;
	v8 =	vand.u32 $0x7, v8;
	v37 =	vand.u32 $0x7, v14  }
0x49: {  	v2 =	vor.u32 v2, v13;
	v4 =	vor.u32 v4, v10;
	v5 =	vor.u32 v5, v15  }
0x4a: {  	v7 =	vor.u32 v7, v11;
	v8 =	vor.u32 v8, v12;
	[tilespmem:s0+$0xC80] =	vst v2;
	v2 =	vand.u32 $0x7, v9  }
0x4b: {  	v39 =	vor.u32 v37, v6;
	v2 =	vor.u32 v2, v3;
	v3 =	vshll.u32 v18, $0x3  }
0x4c: {  	v41 =	vand.u32 $0xFFFF8000, v18;
	v42 =	vshrl.u32 v18, $0xC;
	v43 =	vshll.u32 v19, $0x3  }
0x4d: {  	v46 =	vshll.u32 v20, $0x3;
	v47 =	vshll.u32 v35, $0x3;
	v49 =	vshll.u32 v36, $0x3  }
0x4e: {  	v51 =	vand.u32 $0xFFFF8000, v19;
	v19 =	vshrl.u32 v19, $0xC;
	v22 =	vand.u32 $0xFFFF8000, v20  }
0x4f: {  	v20 =	vshrl.u32 v20, $0xC;
	v53 =	vand.u32 $0xFFFF8000, v35;
	v16 =	vshrl.u32 v35, $0xC  }
0x50: {  	v38 =	vld [tilespmem:s1+$0x40];
	[tilespmem:s0+$0xC90] =	vst v4;
	v23 =	vand.u32 $0xFFFF8000, v36;
	v54 =	vshrl.u32 v36, $0xC;
	v3 =	vand.u32 $0x7FF8, v3  }
0x51: {  	v40 =	vld [tilespmem:s1+$0x50];
	[tilespmem:s0+$0xCA0] =	vst v5;
	v45 =	vand.u32 $0x7, v42;
	v5 =	vand.u32 $0x7FF8, v43;
	v48 =	vand.u32 $0x7FF8, v46  }
0x52: {  	v14 =	vand.u32 $0x7FF8, v47;
	v11 =	vand.u32 $0x7FF8, v49;
	v57 =	vand.u32 $0x7, v19  }
0x53: {  	v44 =	vld [tilespmem:s1+$0x60];
	[tilespmem:s0+$0xCC0] =	vst v8;
	v59 =	vand.u32 $0x7, v20;
	v60 =	vand.u32 $0x7, v16;
	v8 =	vand.u32 $0x7, v54  }
0x54: {  	[tilespmem:s0+$0xCB0] =	vst v7;
	v3 =	vor.u32 v41, v3;
	v9 =	vor.u32 v22, v48;
	v7 =	vor.u32 v53, v14  }
0x55: {  	v3 =	vor.u32 v45, v3;
	v50 =	vshll.u32 v38, $0x3;
	v55 =	vand.u32 $0xFFFF8000, v38  }
0x56: {  	v10 =	vshrl.u32 v38, $0xC;
	v9 =	vor.u32 v59, v9;
	v7 =	vor.u32 v60, v7;
	[tilespmem:s1+$0xCF0] =	vst v3  }
0x57: {  	v15 =	vand.u32 $0x7FF8, v50;
	v52 =	vshll.u32 v40, $0x3;
	v3 =	vor.u32 v51, v5;
	[tilespmem:s0+$0xCD0] =	vst v2  }
0x58: {  	v56 =	vand.u32 $0xFFFF8000, v40;
	v6 =	vshrl.u32 v40, $0xC;
	[tilespmem:s0+$0xCE0] =	vst v39;
	v3 =	vor.u32 v57, v3  }
0x59: {  	v10 =	vand.u32 $0x7, v10;
	v18 =	vand.u32 $0x7FF8, v52;
	v21 =	vshll.u32 v44, $0x3;
	[tilespmem:s1+$0xC80] =	vst v3  }
0x5a: {  	v2 =	vand.u32 $0xFFFF8000, v44;
	v58 =	vshrl.u32 v44, $0xC;
	v61 =	vor.u32 v55, v15;
	[tilespmem:s1+$0xC90] =	vst v9  }
0x5b: {  	v6 =	vand.u32 $0x7, v6;
	v3 =	vor.u32 v23, v11;
	[tilespmem:s1+$0xCA0] =	vst v7;
	v62 =	vor.u32 v10, v61  }
0x5c: {  	v21 =	vand.u32 $0x7FF8, v21;
	v5 =	vor.u32 v56, v18;
	v3 =	vor.u32 v8, v3;
	[tilespmem:s1+$0xCC0] =	vst v62  }
0x5d: {  	v2 =	vor.u32 v2, v21;
	v63 =	vor.u32 v6, v5;
	[tilespmem:s1+$0xCB0] =	vst v3;
	v3 =	vand.u32 $0x7, v58  }
0x5e: {  	[tilespmem:s1+$0xCD0] =	vst v63;
	v2 =	vor.u32 v3, v2  }
0x5f: {  	s11 =	simm.s32 $0xC80;
	[tilespmem:s1+$0xCE0] =	vst v2  }
0x60: {  	[tilespmem:s17], [sflag:$0x1] =	stream.indirect.gather [hbm4b:s5+s15], $0x10, s11, s15, $0xb8;
	[tilespmem:$0x1C5A0] =	vst v63  }
0x61: {  	s2 =	simm.s32 $0x2D80;
	s1 =	simm.s32 $0xD00  }
0x62: {  	[tilespmem:s2], [sflag:$0x1] =	stream.indirect.gather [hbm4b:s5+s15], $0x10, s1, s15, $0xb8;
	[tilespmem:$0x1C5A0] =	vst v63  }
0x63: {  	s7 =	simm.s32 $0xD80;
	s9 =	simm.s32 $0x3580  }
0x64: {  	[tilespmem:s9], [sflag:$0x1] =	stream.indirect.gather [hbm4b:s5+s15], $0x10, s7, s15, $0xb8;
	[tilespmem:$0x1C5A0] =	vst v63  }
0x65: {  	s10 =	simm.s32 $0xE00;
	s11 =	simm.s32 $0x3D80  }
0x66: {  	[tilespmem:s11], [sflag:$0x1] =	stream.indirect.gather [hbm4b:s5+s15], $0x10, s10, s15, $0xb8;
	[tilespmem:$0x1C5A0] =	vst v63  }
0x67: {  	s1 =	simm.s32 $0xE80;
	s2 =	simm.s32 $0x4580  }
0x68: {  	[tilespmem:s2], [sflag:$0x1] =	stream.indirect.gather [hbm4b:s5+s15], $0x10, s1, s15, $0xb8;
	[tilespmem:$0x1C5A0] =	vst v63  }
0x69: {  	s7 =	simm.s32 $0xF00;
	s9 =	simm.s32 $0x4D80  }
0x6a: {  	[tilespmem:s9], [sflag:$0x1] =	stream.indirect.gather [hbm4b:s5+s15], $0x10, s7, s15, $0xb8;
	[tilespmem:$0x1C5A0] =	vst v63  }
0x6b: {  	s10 =	simm.s32 $0xF80;
	s11 =	simm.s32 $0x5580  }
0x6c: {  	[tilespmem:s11], [sflag:$0x1] =	stream.indirect.gather [hbm4b:s5+s15], $0x10, s10, s15, $0xb8;
	[tilespmem:$0x1C5A0] =	vst v63  }
0x6d: {  	s1 =	simm.s32 $0x1000;
	s2 =	simm.s32 $0x5D80  }
0x6e: {  	[tilespmem:s2], [sflag:$0x1] =	stream.indirect.gather [hbm4b:s5+s15], $0x10, s1, s15, $0xb8;
	[tilespmem:$0x1C5A0] =	vst v63  }
0x6f: {  	s7 =	simm.s32 $0x1080;
	s9 =	simm.s32 $0x6580  }
0x70: {  	[tilespmem:s9], [sflag:$0x1] =	stream.indirect.gather [hbm4b:s5+s15], $0x10, s7, s15, $0xb8;
	[tilespmem:$0x1C5A0] =	vst v63  }
0x71: {  	s10 =	simm.s32 $0x1100;
	s11 =	simm.s32 $0x6D80  }
0x72: {  	[tilespmem:s11], [sflag:$0x1] =	stream.indirect.gather [hbm4b:s5+s15], $0x10, s10, s15, $0xb8;
	[tilespmem:$0x1C5A0] =	vst v63  }
0x73: {  	s1 =	simm.s32 $0x1180;
	s2 =	simm.s32 $0x7580  }
0x74: {  	[tilespmem:s2], [sflag:$0x1] =	stream.indirect.gather [hbm4b:s5+s15], $0x10, s1, s15, $0xb8;
	[tilespmem:$0x1C5A0] =	vst v63  }
0x75: {  	s7 =	simm.s32 $0x1200;
	s9 =	simm.s32 $0x7D80  }
0x76: {  	[tilespmem:s9], [sflag:$0x1] =	stream.indirect.gather [hbm4b:s5+s15], $0x10, s7, s15, $0xb8;
	[tilespmem:$0x1C5A0] =	vst v63  }
0x77: {  	s10 =	simm.s32 $0x1280;
	s11 =	simm.s32 $0x8580  }
0x78: {  	[tilespmem:s11], [sflag:$0x1] =	stream.indirect.gather [hbm4b:s5+s15], $0x10, s10, s15, $0xb8;
	[tilespmem:$0x1C5A0] =	vst v63  }
0x79: {  	s1 =	simm.s32 $0x1300;
	s2 =	simm.s32 $0x8D80  }
0x7a: {  	[tilespmem:s2], [sflag:$0x1] =	stream.indirect.gather [hbm4b:s5+s15], $0x10, s1, s15, $0xb8;
	[tilespmem:$0x1C5A0] =	vst v63  }
0x7b: {  	s7 =	simm.s32 $0x1380;
	s9 =	simm.s32 $0x9580  }
0x7c: {  	[tilespmem:s9], [sflag:$0x1] =	stream.indirect.gather [hbm4b:s5+s15], $0x10, s7, s15, $0xb8;
	[tilespmem:$0x1C5A0] =	vst v63  }
0x7d: {  	s10 =	simm.s32 $0x1400;
	s11 =	simm.s32 $0x9D80  }
0x7e: {  	[tilespmem:s11], [sflag:$0x1] =	stream.indirect.gather [hbm4b:s5+s15], $0x10, s10, s15, $0xb8;
	[tilespmem:$0x1C5A0] =	vst v63  }
0x7f: {  	s1 =	simm.s32 $0x1480;
	s2 =	simm.s32 $0xA580  }
0x80: {  	[tilespmem:s2], [sflag:$0x1] =	stream.indirect.gather [hbm4b:s5+s15], $0x10, s1, s15, $0xb8;
	[tilespmem:$0x1C5A0] =	vst v63  }
0x81: {  	s7 =	simm.s32 $0x1500;
	s9 =	simm.s32 $0xAD80  }
0x82: {  	[tilespmem:s9], [sflag:$0x1] =	stream.indirect.gather [hbm4b:s5+s15], $0x10, s7, s15, $0xb8;
	[tilespmem:$0x1C5A0] =	vst v63  }
0x83: {  	s10 =	simm.s32 $0x1580;
	s11 =	simm.s32 $0xB580  }
0x84: {  	[tilespmem:s11], [sflag:$0x1] =	stream.indirect.gather [hbm4b:s5+s15], $0x10, s10, s15, $0xb8;
	[tilespmem:$0x1C5A0] =	vst v63  }
0x85: {  	s1 =	simm.s32 $0x1600;
	s2 =	simm.s32 $0xBD80  }
0x86: {  	[tilespmem:s2], [sflag:$0x1] =	stream.indirect.gather [hbm4b:s5+s15], $0x10, s1, s15, $0xb8;
	[tilespmem:$0x1C5A0] =	vst v63  }
0x87: {  	s7 =	simm.s32 $0x1680;
	s9 =	simm.s32 $0xC580  }
0x88: {  	[tilespmem:s9], [sflag:$0x1] =	stream.indirect.gather [hbm4b:s5+s15], $0x10, s7, s15, $0xb8;
	[tilespmem:$0x1C5A0] =	vst v63  }
0x89: {  	s10 =	simm.s32 $0x1700;
	s11 =	simm.s32 $0xCD80  }
0x8a: {  	[tilespmem:s11], [sflag:$0x1] =	stream.indirect.gather [hbm4b:s5+s15], $0x10, s10, s15, $0xb8;
	[tilespmem:$0x1C5A0] =	vst v63  }
0x8b: {  	s1 =	simm.s32 $0x1780;
	s2 =	simm.s32 $0xD580  }
0x8c: {  	[tilespmem:s2], [sflag:$0x1] =	stream.indirect.gather [hbm4b:s5+s15], $0x10, s1, s15, $0xb8;
	[tilespmem:$0x1C5A0] =	vst v63  }
0x8d: {  	s0 =	simm.s32 $0x0;
	s7 =	simm.s32 $0x1800;
	s9 =	simm.s32 $0xDD80  }
0x8e: {  	[tilespmem:s9], [sflag:$0x1] =	stream.indirect.gather [hbm4b:s5+s15], $0x10, s7, s15, $0xb8;
	[tilespmem:$0x1C5A0] =	vst v63  }
0x8f: {  	s10 =	simm.s32 $0x1880;
	s11 =	simm.s32 $0xE580;
	s2 =	simm.s32 $0x0  }
0x90: {  	[tilespmem:s11], [sflag:$0x1] =	stream.indirect.gather [hbm4b:s5+s15], $0x10, s10, s15, $0xb8;
	[tilespmem:$0x1C5A0] =	vst v63  }
.LBB2_4:
0x91: {  	s11 =	sshll.u32 s2, $0x5  }
0x92: {  	s1 =	sor.u32 $0x10, s11  }
0x93: {  	s7 =	sor.u32 s6, s1  }
0x94: {  	s7 =	sshrl.u32 s7, $0x3  }
0x95: {  	s7 =	sadd.s32 s4, s7  }
0x96: {  	[tilespmem:s0], [sflag:$0x3] =	stream.strided.gather [hbm4b:s7+s13], $0xC80, s14, s13, $0x38;
	[tilespmem:$0x1C5A0] =	vst v63  }
0x97: {  	_ =	swait.ge [sflag:s12], $0xC80  }
0x98: {  	[sflag:s12] =	ssyncset.done $0x0  }
0x99: {  	s7 =	simm.s32 $0x0;
	[sflag:s12] =	ssyncadd.s32 $0xFFFFF380  }
0x9a: {  	v2 =	vld [tilespmem:s7+$0x70]  }
0x9b: {  	v3 =	vld [tilespmem:s7+$0x0]  }
0x9c: {  	v4 =	vld [tilespmem:s7+$0x10]  }
0x9d: {  	v5 =	vld [tilespmem:s7+$0x20]  }
0x9e: {  	v7 =	vld [tilespmem:s7+$0x30]  }
0x9f: {  	v8 =	vld [tilespmem:s7+$0x40]  }
0xa0: {  	v9 =	vld [tilespmem:s7+$0x50]  }
0xa1: {  	v12 =	vld [tilespmem:s7+$0x60]  }
0xa2: {  	v6 =	vshll.u32 v2, $0x3  }
0xa3: {  	v10 =	vand.u32 $0xFFFF8000, v2;
	v2 =	vshrl.u32 v2, $0xC;
	v11 =	vshll.u32 v3, $0x3  }
0xa4: {  	v13 =	vshll.u32 v5, $0x3;
	v14 =	vand.u32 $0xFFFF8000, v4;
	v21 =	vand.u32 $0xFFFF8000, v5  }
0xa5: {  	v5 =	vshrl.u32 v5, $0xC;
	v22 =	vand.u32 $0xFFFF8000, v7;
	v23 =	vand.u32 $0xFFFF8000, v8  }
0xa6: {  	v16 =	vand.u32 $0xFFFF8000, v9;
	v17 =	vand.u32 $0xFFFF8000, v12;
	v6 =	vand.u32 $0x7FF8, v6  }
0xa7: {  	v2 =	vand.u32 $0x7, v2;
	v11 =	vand.u32 $0x7FF8, v11;
	v18 =	vand.u32 $0x7FF8, v13  }
0xa8: {  	v13 =	vand.u32 $0xFFFF8000, v3;
	v6 =	vor.u32 v10, v6;
	v10 =	vshll.u32 v4, $0x3  }
0xa9: {  	v4 =	vshrl.u32 v4, $0xC;
	v13 =	vor.u32 v13, v11;
	v15 =	vor.u32 v2, v6  }
0xaa: {  	v10 =	vand.u32 $0x7FF8, v10;
	v2 =	vshll.u32 v7, $0x3;
	v6 =	vshll.u32 v9, $0x3  }
0xab: {  	v7 =	vshrl.u32 v7, $0xC;
	v9 =	vshrl.u32 v9, $0xC;
	v19 =	vand.u32 $0x7FF8, v2  }
0xac: {  	v2 =	vshll.u32 v8, $0x3;
	v8 =	vshrl.u32 v8, $0xC;
	v10 =	vor.u32 v14, v10  }
0xad: {  	v14 =	vshrl.u32 v12, $0xC;
	[tilespmem:s7+$0x1970] =	vst v15;
	v15 =	vor.u32 v21, v18;
	v20 =	vand.u32 $0x7FF8, v2  }
0xae: {  	v2 =	vshrl.u32 v3, $0xC;
	v3 =	vand.u32 $0x7FF8, v6;
	v6 =	vshll.u32 v12, $0x3  }
0xaf: {  	s9 =	simm.s32 $0x80;
	s10 =	simm.s32 $0x400;
	v11 =	vor.u32 v22, v19;
	v6 =	vand.u32 $0x7FF8, v6;
	v12 =	vor.u32 v23, v20  }
.LBB2_5:
0xb0: {  	p0 =	sne.s32 s10, $0x3000;
	v18 =	vld [tilespmem:s9+$0x70];
	v2 =	vand.u32 $0x7, v2;
	v3 =	vor.u32 v16, v3;
	v6 =	vor.u32 v17, v6  }
0xb1: {  	v4 =	vand.u32 $0x7, v4;
	v5 =	vand.u32 $0x7, v5;
	v7 =	vand.u32 $0x7, v7;
	v16 =	vld [tilespmem:s9+$0x0]  }
0xb2: {  	v8 =	vand.u32 $0x7, v8;
	v9 =	vand.u32 $0x7, v9;
	v14 =	vand.u32 $0x7, v14;
	v17 =	vld [tilespmem:s9+$0x10]  }
0xb3: {  	v2 =	vor.u32 v2, v13;
	v4 =	vor.u32 v4, v10;
	v5 =	vor.u32 v5, v15;
	v19 =	vld [tilespmem:s9+$0x20]  }
0xb4: {  	v3 =	vor.u32 v9, v3;
	v10 =	vld [tilespmem:s9+$0x30];
	[tilespmem:s7+$0x1900] =	vst v2;
	v2 =	vor.u32 v7, v11;
	v7 =	vor.u32 v8, v12  }
0xb5: {  	v8 =	vld [tilespmem:s9+$0x40];
	v9 =	vshll.u32 v18, $0x3;
	[tilespmem:s7+$0x1910] =	vst v4;
	v4 =	vor.u32 v14, v6  }
0xb6: {  	v6 =	vand.u32 $0xFFFF8000, v18;
	v12 =	vshrl.u32 v18, $0xC;
	v11 =	vld [tilespmem:s9+$0x50];
	v9 =	vand.u32 $0x7FF8, v9;
	[tilespmem:s7+$0x1920] =	vst v5  }
0xb7: {  	v5 =	vshll.u32 v16, $0x3;
	v14 =	vld [tilespmem:s9+$0x60];
	v6 =	vor.u32 v6, v9;
	v9 =	vand.u32 $0x7, v12;
	[tilespmem:s7+$0x1930] =	vst v2  }
0xb8: {  	v2 =	vshll.u32 v17, $0x3;
	v12 =	vshll.u32 v19, $0x3;
	v6 =	vor.u32 v9, v6;
	[tilespmem:s7+$0x1940] =	vst v7  }
0xb9: {  	v13 =	vand.u32 $0x7FF8, v5;
	v15 =	vand.u32 $0x7FF8, v2;
	v2 =	vshll.u32 v10, $0x3;
	[tilespmem:s9+$0x1970] =	vst v6  }
0xba: {  	v12 =	vand.u32 $0x7FF8, v12;
	v18 =	vand.u32 $0x7FF8, v2;
	v2 =	vshll.u32 v8, $0x3;
	[tilespmem:s7+$0x1950] =	vst v3  }
0xbb: {  	v20 =	vand.u32 $0xFFFF8000, v16;
	v21 =	vand.u32 $0x7FF8, v2;
	v3 =	vshll.u32 v11, $0x3;
	[tilespmem:s7+$0x1960] =	vst v4;
	s7 =	smov.u32 s9  }
0xbc: {  	v2 =	vshrl.u32 v16, $0xC;
	v3 =	vand.u32 $0x7FF8, v3;
	v5 =	vshll.u32 v14, $0x3  }
0xbd: {  	v22 =	vand.u32 $0xFFFF8000, v17;
	v4 =	vshrl.u32 v17, $0xC;
	v6 =	vand.u32 $0x7FF8, v5  }
.Ltmp1:
0xbe: {  	v23 =	vand.u32 $0xFFFF8000, v19;
	v5 =	vshrl.u32 v19, $0xC;
	v19 =	vand.u32 $0xFFFF8000, v10;
	(pc) =	sbr.rel @p0 .LBB2_5-.Ltmp1, $4  }
0xbf: {  	v7 =	vshrl.u32 v10, $0xC;
	v24 =	vand.u32 $0xFFFF8000, v8;
	v8 =	vshrl.u32 v8, $0xC  }
0xc0: {  	v16 =	vand.u32 $0xFFFF8000, v11;
	v9 =	vshrl.u32 v11, $0xC;
	v17 =	vand.u32 $0xFFFF8000, v14  }
0xc1: {  	v13 =	vor.u32 v20, v13;
	v14 =	vshrl.u32 v14, $0xC;
	v10 =	vor.u32 v22, v15  }
0xc2: {  	s9 =	sshra.s32 s10, $0x2;
	s10 =	sadd.s32 $0x200, s10;
	v15 =	vor.u32 v23, v12;
	v12 =	vor.u32 v24, v21;
	v11 =	vor.u32 v19, v18  }
0xc3: {  	v18 =	vld [tilespmem:s9+$0x70];
	v2 =	vand.u32 $0x7, v2;
	v3 =	vor.u32 v16, v3  }
0xc4: {  	v19 =	vld [tilespmem:s9+$0x0];
	v6 =	vor.u32 v17, v6;
	v4 =	vand.u32 $0x7, v4;
	v5 =	vand.u32 $0x7, v5  }
0xc5: {  	v16 =	vld [tilespmem:s9+$0x20];
	v7 =	vand.u32 $0x7, v7;
	v8 =	vand.u32 $0x7, v8;
	v2 =	vor.u32 v2, v13  }
0xc6: {  	v20 =	vld [tilespmem:s9+$0x10];
	v4 =	vor.u32 v4, v10;
	v5 =	vor.u32 v5, v15;
	v7 =	vor.u32 v7, v11  }
0xc7: {  	v13 =	vld [tilespmem:s9+$0x30];
	v8 =	vor.u32 v8, v12;
	[tilespmem:s7+$0x1900] =	vst v2;
	v2 =	vand.u32 $0x7, v9;
	v9 =	vand.u32 $0x7, v14  }
0xc8: {  	v10 =	vld [tilespmem:s9+$0x40];
	[tilespmem:s7+$0x1910] =	vst v4;
	v2 =	vor.u32 v2, v3;
	v4 =	vor.u32 v9, v6;
	v3 =	vshll.u32 v18, $0x3  }
0xc9: {  	v6 =	vld [tilespmem:s9+$0x50];
	[tilespmem:s7+$0x1920] =	vst v5;
	v9 =	vand.u32 $0xFFFF8000, v18;
	v11 =	vshrl.u32 v18, $0xC;
	v5 =	vshll.u32 v19, $0x3  }
0xca: {  	v14 =	vshll.u32 v16, $0x3;
	v17 =	vand.u32 $0xFFFF8000, v19;
	v19 =	vshrl.u32 v19, $0xC  }
0xcb: {  	v12 =	vld [tilespmem:s9+$0x60];
	v22 =	vand.u32 $0xFFFF8000, v20;
	[tilespmem:s7+$0x1930] =	vst v7;
	v7 =	vand.u32 $0xFFFF8000, v16;
	v16 =	vshrl.u32 v16, $0xC  }
0xcc: {  	v3 =	vand.u32 $0x7FF8, v3;
	v5 =	vand.u32 $0x7FF8, v5;
	v14 =	vand.u32 $0x7FF8, v14  }
0xcd: {  	[tilespmem:s7+$0x1940] =	vst v8;
	v23 =	vand.u32 $0xFFFF8000, v13;
	v8 =	vshrl.u32 v13, $0xC;
	v3 =	vor.u32 v9, v3  }
0xce: {  	v9 =	vand.u32 $0x7, v11;
	v11 =	vshll.u32 v20, $0x3;
	v20 =	vshrl.u32 v20, $0xC  }
0xcf: {  	v7 =	vor.u32 v7, v14;
	v14 =	vand.u32 $0x7, v16;
	v8 =	vand.u32 $0x7, v8  }
0xd0: {  	v3 =	vor.u32 v9, v3;
	v9 =	vand.u32 $0x7FF8, v11;
	v11 =	vshll.u32 v13, $0x3  }
0xd1: {  	v15 =	vshll.u32 v10, $0x3;
	v13 =	vand.u32 $0xFFFF8000, v10;
	v10 =	vshrl.u32 v10, $0xC  }
0xd2: {  	v7 =	vor.u32 v14, v7;
	v11 =	vand.u32 $0x7FF8, v11;
	v15 =	vand.u32 $0x7FF8, v15  }
0xd3: {  	v18 =	vshll.u32 v6, $0x3;
	[tilespmem:s9+$0x1970] =	vst v3;
	v3 =	vor.u32 v17, v5;
	v5 =	vand.u32 $0xFFFF8000, v6  }
0xd4: {  	v6 =	vshrl.u32 v6, $0xC;
	v9 =	vor.u32 v22, v9;
	v17 =	vand.u32 $0x7, v19;
	[tilespmem:s7+$0x1950] =	vst v2  }
0xd5: {  	v10 =	vand.u32 $0x7, v10;
	v21 =	vshll.u32 v12, $0x3;
	[tilespmem:s7+$0x1960] =	vst v4;
	v3 =	vor.u32 v17, v3  }
0xd6: {  	v2 =	vand.u32 $0xFFFF8000, v12;
	v4 =	vshrl.u32 v12, $0xC;
	v12 =	vand.u32 $0x7, v20;
	[tilespmem:s9+$0x1900] =	vst v3  }
0xd7: {  	v18 =	vand.u32 $0x7FF8, v18;
	v9 =	vor.u32 v12, v9;
	v3 =	vor.u32 v23, v11;
	[tilespmem:s9+$0x1920] =	vst v7  }
0xd8: {  	v6 =	vand.u32 $0x7, v6;
	[tilespmem:s9+$0x1910] =	vst v9;
	v9 =	vor.u32 v13, v15;
	v3 =	vor.u32 v8, v3  }
0xd9: {  	v21 =	vand.u32 $0x7FF8, v21;
	v5 =	vor.u32 v5, v18;
	v7 =	vor.u32 v10, v9;
	[tilespmem:s9+$0x1930] =	vst v3  }
0xda: {  	v2 =	vor.u32 v2, v21;
	v3 =	vand.u32 $0x7, v4;
	v4 =	vor.u32 v6, v5;
	[tilespmem:s9+$0x1940] =	vst v7  }
0xdb: {  	v2 =	vor.u32 v3, v2;
	[tilespmem:s9+$0x1950] =	vst v4  }
0xdc: {  	s10 =	simm.s32 $0x1900;
	[tilespmem:s9+$0x1960] =	vst v2  }
0xdd: {  	[tilespmem:s23], [sflag:$0x2] =	stream.indirect.gather [hbm4b:s5+s15], $0x10, s10, s15, $0xb8;
	[tilespmem:$0x1C5A0] =	vst v63  }
0xde: {  	s9 =	simm.s32 $0x1980;
	s10 =	simm.s32 $0xF580  }
0xdf: {  	[tilespmem:s10], [sflag:$0x2] =	stream.indirect.gather [hbm4b:s5+s15], $0x10, s9, s15, $0xb8;
	[tilespmem:$0x1C5A0] =	vst v63  }
0xe0: {  	s9 =	simm.s32 $0x1A00;
	s10 =	simm.s32 $0xFD80  }
0xe1: {  	[tilespmem:s10], [sflag:$0x2] =	stream.indirect.gather [hbm4b:s5+s15], $0x10, s9, s15, $0xb8;
	[tilespmem:$0x1C5A0] =	vst v63  }
0xe2: {  	s9 =	simm.s32 $0x1A80;
	s10 =	simm.s32 $0x10580  }
0xe3: {  	[tilespmem:s10], [sflag:$0x2] =	stream.indirect.gather [hbm4b:s5+s15], $0x10, s9, s15, $0xb8;
	[tilespmem:$0x1C5A0] =	vst v63  }
0xe4: {  	s9 =	simm.s32 $0x1B00;
	s10 =	simm.s32 $0x10D80  }
0xe5: {  	[tilespmem:s10], [sflag:$0x2] =	stream.indirect.gather [hbm4b:s5+s15], $0x10, s9, s15, $0xb8;
	[tilespmem:$0x1C5A0] =	vst v63  }
0xe6: {  	s9 =	simm.s32 $0x1B80;
	s10 =	simm.s32 $0x11580  }
0xe7: {  	[tilespmem:s10], [sflag:$0x2] =	stream.indirect.gather [hbm4b:s5+s15], $0x10, s9, s15, $0xb8;
	[tilespmem:$0x1C5A0] =	vst v63  }
0xe8: {  	s9 =	simm.s32 $0x1C00;
	s10 =	simm.s32 $0x11D80  }
0xe9: {  	[tilespmem:s10], [sflag:$0x2] =	stream.indirect.gather [hbm4b:s5+s15], $0x10, s9, s15, $0xb8;
	[tilespmem:$0x1C5A0] =	vst v63  }
0xea: {  	s9 =	simm.s32 $0x1C80;
	s10 =	simm.s32 $0x12580  }
0xeb: {  	[tilespmem:s10], [sflag:$0x2] =	stream.indirect.gather [hbm4b:s5+s15], $0x10, s9, s15, $0xb8;
	[tilespmem:$0x1C5A0] =	vst v63  }
0xec: {  	s9 =	simm.s32 $0x1D00;
	s10 =	simm.s32 $0x12D80  }
0xed: {  	[tilespmem:s10], [sflag:$0x2] =	stream.indirect.gather [hbm4b:s5+s15], $0x10, s9, s15, $0xb8;
	[tilespmem:$0x1C5A0] =	vst v63  }
0xee: {  	s9 =	simm.s32 $0x1D80;
	s10 =	simm.s32 $0x13580  }
0xef: {  	[tilespmem:s10], [sflag:$0x2] =	stream.indirect.gather [hbm4b:s5+s15], $0x10, s9, s15, $0xb8;
	[tilespmem:$0x1C5A0] =	vst v63  }
0xf0: {  	s9 =	simm.s32 $0x1E00;
	s10 =	simm.s32 $0x13D80  }
0xf1: {  	[tilespmem:s10], [sflag:$0x2] =	stream.indirect.gather [hbm4b:s5+s15], $0x10, s9, s15, $0xb8;
	[tilespmem:$0x1C5A0] =	vst v63  }
0xf2: {  	s9 =	simm.s32 $0x1E80;
	s10 =	simm.s32 $0x14580  }
0xf3: {  	[tilespmem:s10], [sflag:$0x2] =	stream.indirect.gather [hbm4b:s5+s15], $0x10, s9, s15, $0xb8;
	[tilespmem:$0x1C5A0] =	vst v63  }
0xf4: {  	s9 =	simm.s32 $0x1F00;
	s10 =	simm.s32 $0x14D80  }
0xf5: {  	[tilespmem:s10], [sflag:$0x2] =	stream.indirect.gather [hbm4b:s5+s15], $0x10, s9, s15, $0xb8;
	[tilespmem:$0x1C5A0] =	vst v63  }
0xf6: {  	s9 =	simm.s32 $0x1F80;
	s10 =	simm.s32 $0x15580  }
0xf7: {  	[tilespmem:s10], [sflag:$0x2] =	stream.indirect.gather [hbm4b:s5+s15], $0x10, s9, s15, $0xb8;
	[tilespmem:$0x1C5A0] =	vst v63  }
0xf8: {  	s9 =	simm.s32 $0x2000;
	s10 =	simm.s32 $0x15D80  }
0xf9: {  	[tilespmem:s10], [sflag:$0x2] =	stream.indirect.gather [hbm4b:s5+s15], $0x10, s9, s15, $0xb8;
	[tilespmem:$0x1C5A0] =	vst v63  }
0xfa: {  	s9 =	simm.s32 $0x2080;
	s10 =	simm.s32 $0x16580  }
0xfb: {  	[tilespmem:s10], [sflag:$0x2] =	stream.indirect.gather [hbm4b:s5+s15], $0x10, s9, s15, $0xb8;
	[tilespmem:$0x1C5A0] =	vst v63  }
0xfc: {  	s9 =	simm.s32 $0x2100;
	s10 =	simm.s32 $0x16D80  }
0xfd: {  	[tilespmem:s10], [sflag:$0x2] =	stream.indirect.gather [hbm4b:s5+s15], $0x10, s9, s15, $0xb8;
	[tilespmem:$0x1C5A0] =	vst v63  }
0xfe: {  	s9 =	simm.s32 $0x2180;
	s10 =	simm.s32 $0x17580  }
0xff: {  	[tilespmem:s10], [sflag:$0x2] =	stream.indirect.gather [hbm4b:s5+s15], $0x10, s9, s15, $0xb8;
	[tilespmem:$0x1C5A0] =	vst v63  }
0x100: {  	s9 =	simm.s32 $0x2200;
	s10 =	simm.s32 $0x17D80  }
0x101: {  	[tilespmem:s10], [sflag:$0x2] =	stream.indirect.gather [hbm4b:s5+s15], $0x10, s9, s15, $0xb8;
	[tilespmem:$0x1C5A0] =	vst v63  }
0x102: {  	_ = 	snop  }
0x103: {  	[tilespmem:s16], [sflag:$0x2] =	stream.indirect.gather [hbm4b:s5+s15], $0x10, s3, s15, $0xb8;
	[tilespmem:$0x1C5A0] =	vst v63  }
0x104: {  	_ = 	snop  }
0x105: {  	[tilespmem:s19], [sflag:$0x2] =	stream.indirect.gather [hbm4b:s5+s15], $0x10, s18, s15, $0xb8;
	[tilespmem:$0x1C5A0] =	vst v63  }
0x106: {  	_ = 	snop  }
0x107: {  	[tilespmem:s21], [sflag:$0x2] =	stream.indirect.gather [hbm4b:s5+s15], $0x10, s20, s15, $0xb8;
	[tilespmem:$0x1C5A0] =	vst v63  }
0x108: {  	_ = 	snop  }
0x109: {  	[tilespmem:s22], [sflag:$0x2] =	stream.indirect.gather [hbm4b:s5+s15], $0x10, s8, s15, $0xb8;
	[tilespmem:$0x1C5A0] =	vst v63  }
0x10a: {  	s9 =	simm.s32 $0x0  }
0x10b: {  	[tilespmem:s25], [sflag:$0x2] =	stream.indirect.gather [hbm4b:s5+s15], $0x10, s24, s15, $0xb8;
	[tilespmem:$0x1C5A0] =	vst v63  }
0x10c: {  	s10 =	simm.s32 $0x10;
	v2 =	vmov s9  }
0x10d: {  	v2 =	vshll.u32 v2, $0x4;
	[tilespmem:s28], [sflag:$0x2] =	stream.indirect.gather [hbm4b:s5+s15], $0x10, s26, s15, $0xb8;
	[tilespmem:$0x1C5A0] =	vst v63  }
0x10e: {  	v3 =	vmov s10;
	v2 =	vor.u32 v0, v2;
	_ =	swait.ge [sflag:s29], $0xC800  }
0x10f: {  	s9 =	simm.s32 $0x20;
	v3 =	vshll.u32 v3, $0x4;
	v4 =	vor.u32 $0x1, v2;
	[sflag:s29] =	ssyncset.done $0x0  }
0x110: {  	v5 =	vmov s9;
	v3 =	vor.u32 v0, v3;
	[sflag:s29] =	ssyncadd.s32 $0xFFFF3800  }
0x111: {  	s10 =	simm.s32 $0x30;
	v5 =	vshll.u32 v5, $0x4;
	v6 =	vor.u32 $0x1, v3;
	v8 =	vld [tilespmem:$0x1C580]  }
0x112: {  	v7 =	vmov s10;
	v5 =	vor.u32 v0, v5;
	v11 =	vld [tilespmem:$0x1C590]  }
0x113: {  	s9 =	simm.s32 $0x40;
	v7 =	vshll.u32 v7, $0x4;
	v12 =	vld.idx.msk [tilespmem:v2+s17+$0x0], $0xffff;
	v2 =	vor.u32 $0x1, v5  }
0x114: {  	v9 =	vmov s9;
	v15 =	vor.u32 v0, v7;
	v14 =	vld.idx.msk [tilespmem:v4+s17+$0x0], $0xffff  }
0x115: {  	s10 =	simm.s32 $0x50;
	v17 =	vor.u32 $0x1, v15;
	v3 =	vld.idx.msk [tilespmem:v3+s17+$0x0], $0xffff;
	v4 =	vshll.u32 v9, $0x4  }
0x116: {  	v9 =	vmov s10;
	v7 =	vld.idx.msk [tilespmem:v6+s17+$0x0], $0xffff;
	v18 =	vor.u32 v0, v4  }
0x117: {  	s9 =	simm.s32 $0x60;
	v4 =	vld.idx.msk [tilespmem:v5+s17+$0x0], $0xffff;
	v5 =	vshll.u32 v9, $0x4;
	v13 =	vor.u32 $0x1, v18  }
0x118: {  	v16 =	vmov s9;
	s10 =	simm.s32 $0x70;
	v10 =	vor.u32 v0, v5;
	v6 =	vld.idx.msk [tilespmem:v2+s17+$0x0], $0xffff  }
0x119: {  	v19 =	vmov s10;
	v5 =	vshll.u32 v16, $0x4;
	v9 =	vor.u32 $0x1, v10;
	v2 =	vld.idx.msk [tilespmem:v15+s17+$0x0], $0xffff  }
0x11a: {  	s10 =	simm.s32 $0x80;
	v15 =	vadd.f32 v12, v8;
	v16 =	vadd.f32 v14, v11;
	v8 =	vld.idx.msk [tilespmem:v17+s17+$0x0], $0xffff;
	v11 =	vor.u32 v0, v5  }
0x11b: {  	s7 =	simm.s32 $0xF0;
	s9 =	simm.s32 $0x170;
	v14 =	vmov s10;
	v17 =	vshll.u32 v19, $0x4;
	v5 =	vld.idx.msk [tilespmem:v18+s17+$0x0], $0xffff;
	v12 =	vor.u32 $0x1, v11  }
.LBB2_7:
0x11c: {  	p0 =	sne.s32 s9, $0xC70;
	s10 =	sadd.s32 $0xFFFFFFA0, s7;
	v3 =	vadd.f32 v3, v15;
	v7 =	vadd.f32 v7, v16;
	v13 =	vld.idx.msk [tilespmem:v13+s17+$0x0], $0xffff;
	v15 =	vor.u32 v0, v17  }
0x11d: {  	v14 =	vshll.u32 v14, $0x4;
	v16 =	vmov s10;
	v10 =	vld.idx.msk [tilespmem:v10+s17+$0x0], $0xffff;
	v17 =	vor.u32 $0x1, v15  }
0x11e: {  	v14 =	vor.u32 v0, v14;
	s10 =	sadd.s32 $0xFFFFFFB0, s7;
	v3 =	vadd.f32 v4, v3;
	v4 =	vadd.f32 v6, v7;
	v6 =	vld.idx.msk [tilespmem:v9+s17+$0x0], $0xffff  }
0x11f: {  	v7 =	vor.u32 $0x1, v14;
	v9 =	vshll.u32 v16, $0x4;
	v16 =	vmov s10;
	v11 =	vld.idx.msk [tilespmem:v11+s17+$0x0], $0xffff  }
0x120: {  	s10 =	sadd.s32 $0xFFFFFFC0, s7;
	v9 =	vor.u32 v0, v9;
	v2 =	vadd.f32 v2, v3;
	v3 =	vadd.f32 v8, v4;
	v4 =	vld.idx.msk [tilespmem:v12+s17+$0x0], $0xffff  }
0x121: {  	v8 =	vor.u32 $0x1, v9;
	v12 =	vshll.u32 v16, $0x4;
	v16 =	vmov s10;
	v15 =	vld.idx.msk [tilespmem:v15+s17+$0x0], $0xffff  }
0x122: {  	s10 =	sadd.s32 $0xFFFFFFD0, s7;
	v12 =	vor.u32 v0, v12;
	v2 =	vadd.f32 v5, v2;
	v3 =	vadd.f32 v13, v3;
	v5 =	vld.idx.msk [tilespmem:v17+s17+$0x0], $0xffff  }
0x123: {  	v17 =	vor.u32 $0x1, v12;
	v13 =	vshll.u32 v16, $0x4;
	v16 =	vmov s10;
	v14 =	vld.idx.msk [tilespmem:v14+s17+$0x0], $0xffff  }
0x124: {  	s10 =	sadd.s32 $0xFFFFFFE0, s7;
	v19 =	vor.u32 v0, v13;
	v18 =	vld.idx.msk [tilespmem:v7+s17+$0x0], $0xffff;
	v2 =	vadd.f32 v10, v2;
	v6 =	vadd.f32 v6, v3  }
0x125: {  	v20 =	vor.u32 $0x1, v19;
	v10 =	vmov s10;
	v3 =	vld.idx.msk [tilespmem:v9+s17+$0x0], $0xffff;
	v9 =	vshll.u32 v16, $0x4  }
0x126: {  	s10 =	sadd.s32 $0xFFFFFFF0, s7;
	v7 =	vld.idx.msk [tilespmem:v8+s17+$0x0], $0xffff;
	v21 =	vor.u32 v0, v9;
	v2 =	vadd.f32 v11, v2;
	v8 =	vadd.f32 v4, v6  }
.Ltmp2:
0x127: {  	v9 =	vshll.u32 v10, $0x4;
	v11 =	vmov s10;
	v4 =	vld.idx.msk [tilespmem:v12+s17+$0x0], $0xffff;
	v13 =	vor.u32 $0x1, v21;
	(pc) =	sbr.rel @p0 .LBB2_7-.Ltmp2, $4  }
0x128: {  	v10 =	vor.u32 v0, v9;
	v6 =	vld.idx.msk [tilespmem:v17+s17+$0x0], $0xffff;
	v12 =	vadd.f32 v15, v2;
	v5 =	vadd.f32 v5, v8  }
0x129: {  	v11 =	vshll.u32 v11, $0x4;
	v9 =	vor.u32 $0x1, v10;
	v17 =	vmov s7;
	s7 =	smov.u32 s9;
	v2 =	vld.idx.msk [tilespmem:v19+s17+$0x0], $0xffff  }
0x12a: {  	s10 =	sadd.s32 $0xFFFFFF90, s9;
	v11 =	vor.u32 v0, v11;
	v15 =	vadd.f32 v14, v12;
	v16 =	vadd.f32 v18, v5;
	v8 =	vld.idx.msk [tilespmem:v20+s17+$0x0], $0xffff  }
0x12b: {  	s9 =	sadd.s32 $0x80, s9;
	v17 =	vshll.u32 v17, $0x4;
	v14 =	vmov s10;
	v12 =	vor.u32 $0x1, v11;
	v5 =	vld.idx.msk [tilespmem:v21+s17+$0x0], $0xffff  }
0x12c: {  	_ =	sdelay $0x1  }
0x12d: {  	v3 =	vadd.f32 v3, v15  }
0x12e: {  	v7 =	vadd.f32 v7, v16  }
0x12f: {  	v13 =	vld.idx.msk [tilespmem:v13+s17+$0x0], $0xffff;
	v38 =	vor.u32 v0, v17;
	v3 =	vadd.f32 v4, v3  }
0x130: {  	s9 =	sadd.s32 $0xFFFFFFA0, s7;
	v39 =	vshll.u32 v14, $0x4;
	v10 =	vld.idx.msk [tilespmem:v10+s17+$0x0], $0xffff;
	v40 =	vor.u32 $0x1, v38;
	v6 =	vadd.f32 v6, v7  }
0x131: {  	v9 =	vld.idx.msk [tilespmem:v9+s17+$0x0], $0xffff;
	v41 =	vmov s9;
	v4 =	vor.u32 v0, v39;
	v2 =	vadd.f32 v2, v3  }
0x132: {  	s10 =	sadd.s32 $0xFFFFFFB0, s7;
	v11 =	vld.idx.msk [tilespmem:v11+s17+$0x0], $0xffff;
	v7 =	vshll.u32 v41, $0x4;
	v3 =	vor.u32 $0x1, v4;
	v6 =	vadd.f32 v8, v6  }
0x133: {  	v12 =	vld.idx.msk [tilespmem:v12+s17+$0x0], $0xffff;
	v42 =	vmov s10;
	v7 =	vor.u32 v0, v7;
	v2 =	vadd.f32 v5, v2  }
0x134: {  	s10 =	sadd.s32 $0xFFFFFFC0, s7;
	v43 =	vor.u32 $0x1, v7;
	v8 =	vshll.u32 v42, $0x4;
	v15 =	vld.idx.msk [tilespmem:v38+s17+$0x0], $0xffff;
	v6 =	vadd.f32 v13, v6  }
0x135: {  	v44 =	vmov s10;
	v8 =	vor.u32 v0, v8;
	v14 =	vld.idx.msk [tilespmem:v40+s17+$0x0], $0xffff;
	v2 =	vadd.f32 v10, v2  }
0x136: {  	s10 =	sadd.s32 $0xFFFFFFD0, s7;
	v45 =	vor.u32 $0x1, v8;
	v13 =	vshll.u32 v44, $0x4;
	v4 =	vld.idx.msk [tilespmem:v4+s17+$0x0], $0xffff;
	v6 =	vadd.f32 v9, v6  }
0x137: {  	v46 =	vmov s10;
	v13 =	vor.u32 v0, v13;
	v3 =	vld.idx.msk [tilespmem:v3+s17+$0x0], $0xffff;
	v2 =	vadd.f32 v11, v2  }
0x138: {  	s10 =	sadd.s32 $0xFFFFFFE0, s7;
	v7 =	vld.idx.msk [tilespmem:v7+s17+$0x0], $0xffff;
	v47 =	vor.u32 $0x1, v13;
	v9 =	vshll.u32 v46, $0x4;
	v6 =	vadd.f32 v12, v6  }
0x139: {  	v48 =	vmov s10;
	v5 =	vld.idx.msk [tilespmem:v43+s17+$0x0], $0xffff;
	v9 =	vor.u32 v0, v9;
	v2 =	vadd.f32 v15, v2  }
0x13a: {  	s10 =	sadd.s32 $0xFFFFFFF0, s7;
	v8 =	vld.idx.msk [tilespmem:v8+s17+$0x0], $0xffff;
	v49 =	vor.u32 $0x1, v9;
	v12 =	vshll.u32 v48, $0x4;
	v6 =	vadd.f32 v14, v6  }
0x13b: {  	v50 =	vmov s10;
	v10 =	vld.idx.msk [tilespmem:v45+s17+$0x0], $0xffff;
	v12 =	vor.u32 v0, v12;
	v2 =	vadd.f32 v4, v2  }
0x13c: {  	v51 =	vld.idx.msk [tilespmem:v13+s17+$0x0], $0xffff;
	v52 =	vor.u32 $0x1, v12;
	v14 =	vshll.u32 v50, $0x4;
	v3 =	vadd.f32 v3, v6  }
0x13d: {  	v53 =	vmov s7;
	v11 =	vld.idx.msk [tilespmem:v47+s17+$0x0], $0xffff;
	v14 =	vor.u32 v0, v14;
	v2 =	vadd.f32 v7, v2  }
0x13e: {  	v54 =	vld.idx.msk [tilespmem:v9+s17+$0x0], $0xffff;
	v55 =	vor.u32 $0x1, v14;
	v6 =	vshll.u32 v53, $0x4;
	v3 =	vadd.f32 v5, v3  }
0x13f: {  	v56 =	vld.idx.msk [tilespmem:v49+s17+$0x0], $0xffff;
	v6 =	vor.u32 v0, v6;
	v2 =	vadd.f32 v8, v2  }
0x140: {  	v57 =	vld.idx.msk [tilespmem:v12+s17+$0x0], $0xffff;
	v58 =	vor.u32 $0x1, v6;
	v3 =	vadd.f32 v10, v3  }
0x141: {  	v59 =	vld.idx.msk [tilespmem:v52+s17+$0x0], $0xffff;
	v2 =	vadd.f32 v51, v2  }
0x142: {  	v60 =	vld.idx.msk [tilespmem:v14+s17+$0x0], $0xffff;
	v3 =	vadd.f32 v11, v3  }
0x143: {  	v9 =	vld.idx.msk [tilespmem:v55+s17+$0x0], $0xffff;
	v2 =	vadd.f32 v54, v2  }
0x144: {  	v61 =	vmov s11;
	v6 =	vld.idx.msk [tilespmem:v6+s17+$0x0], $0xffff;
	v3 =	vadd.f32 v56, v3  }
0x145: {  	v5 =	vshll.u32 v61, $0x3;
	v62 =	vld.idx.msk [tilespmem:v58+s17+$0x0], $0xffff;
	v2 =	vadd.f32 v57, v2  }
0x146: {  	v5 =	vor.u32 v1, v5;
	v3 =	vadd.f32 v59, v3  }
0x147: {  	p0 =	seq.s32 s2, $0xF;
	v63 =	vor.u32 $0x1, v5;
	v2 =	vadd.f32 v60, v2  }
.Ltmp3:
0x148: {  	v3 =	vadd.f32 v9, v3;
	(pc) =	sbr.rel @p0 .LBB2_12-.Ltmp3, $4  }
0x149: {  	v2 =	vadd.f32 v6, v2  }
0x14a: {  	v3 =	vadd.f32 v62, v3  }
0x14b: {  	[tilespmem:v5+s30+$0x0] =	vst.idx.msk $0xffff, v2  }
0x14c: {  	[tilespmem:v63+s30+$0x0] =	vst.idx.msk $0xffff, v3  }
0x14d: {  	s7 =	rddreg [dreg:$0x4]  }
0x14e: {  	s7 =	sadd.s32 s11, s7  }
0x14f: {  	s7 =	sshrl.u32 s7, $0x3  }
0x150: {  	s9 =	simm.s32 $0x0;
	s7 =	sadd.s32 s4, s7  }
0x151: {  	[tilespmem:s9], [sflag:$0x3] =	stream.strided.gather [hbm4b:s7+s13], $0xC80, s14, s13, $0x38;
	[tilespmem:$0x1C5A0] =	vst v63  }
0x152: {  	_ =	swait.ge [sflag:s12], $0xC80  }
0x153: {  	[sflag:s12] =	ssyncset.done $0x0  }
0x154: {  	s7 =	simm.s32 $0x0;
	[sflag:s12] =	ssyncadd.s32 $0xFFFFF380  }
0x155: {  	v2 =	vld [tilespmem:s7+$0x70]  }
0x156: {  	v3 =	vld [tilespmem:s7+$0x0]  }
0x157: {  	v4 =	vld [tilespmem:s7+$0x10]  }
0x158: {  	v5 =	vld [tilespmem:s7+$0x20]  }
0x159: {  	v7 =	vld [tilespmem:s7+$0x30]  }
0x15a: {  	v8 =	vld [tilespmem:s7+$0x40]  }
0x15b: {  	v9 =	vld [tilespmem:s7+$0x50]  }
0x15c: {  	v12 =	vld [tilespmem:s7+$0x60]  }
0x15d: {  	v6 =	vshll.u32 v2, $0x3  }
0x15e: {  	v10 =	vand.u32 $0xFFFF8000, v2;
	v2 =	vshrl.u32 v2, $0xC;
	v11 =	vshll.u32 v3, $0x3  }
0x15f: {  	v13 =	vshll.u32 v5, $0x3;
	v14 =	vand.u32 $0xFFFF8000, v4;
	v21 =	vand.u32 $0xFFFF8000, v5  }
0x160: {  	v5 =	vshrl.u32 v5, $0xC;
	v22 =	vand.u32 $0xFFFF8000, v7;
	v23 =	vand.u32 $0xFFFF8000, v8  }
0x161: {  	v16 =	vand.u32 $0xFFFF8000, v9;
	v17 =	vand.u32 $0xFFFF8000, v12;
	v6 =	vand.u32 $0x7FF8, v6  }
0x162: {  	v2 =	vand.u32 $0x7, v2;
	v11 =	vand.u32 $0x7FF8, v11;
	v18 =	vand.u32 $0x7FF8, v13  }
0x163: {  	v13 =	vand.u32 $0xFFFF8000, v3;
	v6 =	vor.u32 v10, v6;
	v10 =	vshll.u32 v4, $0x3  }
0x164: {  	v4 =	vshrl.u32 v4, $0xC;
	v13 =	vor.u32 v13, v11;
	v15 =	vor.u32 v2, v6  }
0x165: {  	v10 =	vand.u32 $0x7FF8, v10;
	v2 =	vshll.u32 v7, $0x3;
	v6 =	vshll.u32 v9, $0x3  }
0x166: {  	v7 =	vshrl.u32 v7, $0xC;
	v9 =	vshrl.u32 v9, $0xC;
	v19 =	vand.u32 $0x7FF8, v2  }
0x167: {  	v2 =	vshll.u32 v8, $0x3;
	v8 =	vshrl.u32 v8, $0xC;
	v10 =	vor.u32 v14, v10  }
0x168: {  	v14 =	vshrl.u32 v12, $0xC;
	[tilespmem:s7+$0xCF0] =	vst v15;
	v15 =	vor.u32 v21, v18;
	v20 =	vand.u32 $0x7FF8, v2  }
0x169: {  	v2 =	vshrl.u32 v3, $0xC;
	v3 =	vand.u32 $0x7FF8, v6;
	v6 =	vshll.u32 v12, $0x3  }
0x16a: {  	s10 =	simm.s32 $0x400;
	s9 =	simm.s32 $0x80;
	v11 =	vor.u32 v22, v19;
	v6 =	vand.u32 $0x7FF8, v6;
	v12 =	vor.u32 v23, v20  }
.LBB2_10:
0x16b: {  	p0 =	sne.s32 s10, $0x3000;
	v18 =	vld [tilespmem:s9+$0x70];
	v2 =	vand.u32 $0x7, v2;
	v3 =	vor.u32 v16, v3;
	v6 =	vor.u32 v17, v6  }
0x16c: {  	v4 =	vand.u32 $0x7, v4;
	v5 =	vand.u32 $0x7, v5;
	v7 =	vand.u32 $0x7, v7;
	v16 =	vld [tilespmem:s9+$0x0]  }
0x16d: {  	v8 =	vand.u32 $0x7, v8;
	v9 =	vand.u32 $0x7, v9;
	v14 =	vand.u32 $0x7, v14;
	v17 =	vld [tilespmem:s9+$0x10]  }
0x16e: {  	v2 =	vor.u32 v2, v13;
	v4 =	vor.u32 v4, v10;
	v5 =	vor.u32 v5, v15;
	v19 =	vld [tilespmem:s9+$0x20]  }
0x16f: {  	v3 =	vor.u32 v9, v3;
	v10 =	vld [tilespmem:s9+$0x30];
	[tilespmem:s7+$0xC80] =	vst v2;
	v2 =	vor.u32 v7, v11;
	v7 =	vor.u32 v8, v12  }
0x170: {  	v8 =	vld [tilespmem:s9+$0x40];
	v9 =	vshll.u32 v18, $0x3;
	[tilespmem:s7+$0xC90] =	vst v4;
	v4 =	vor.u32 v14, v6  }
0x171: {  	v6 =	vand.u32 $0xFFFF8000, v18;
	v12 =	vshrl.u32 v18, $0xC;
	v11 =	vld [tilespmem:s9+$0x50];
	v9 =	vand.u32 $0x7FF8, v9;
	[tilespmem:s7+$0xCA0] =	vst v5  }
0x172: {  	v5 =	vshll.u32 v16, $0x3;
	v14 =	vld [tilespmem:s9+$0x60];
	v6 =	vor.u32 v6, v9;
	v9 =	vand.u32 $0x7, v12;
	[tilespmem:s7+$0xCB0] =	vst v2  }
0x173: {  	v2 =	vshll.u32 v17, $0x3;
	v12 =	vshll.u32 v19, $0x3;
	v6 =	vor.u32 v9, v6;
	[tilespmem:s7+$0xCC0] =	vst v7  }
0x174: {  	v13 =	vand.u32 $0x7FF8, v5;
	v15 =	vand.u32 $0x7FF8, v2;
	v2 =	vshll.u32 v10, $0x3;
	[tilespmem:s9+$0xCF0] =	vst v6  }
0x175: {  	v12 =	vand.u32 $0x7FF8, v12;
	v18 =	vand.u32 $0x7FF8, v2;
	v2 =	vshll.u32 v8, $0x3;
	[tilespmem:s7+$0xCD0] =	vst v3  }
0x176: {  	v20 =	vand.u32 $0xFFFF8000, v16;
	v21 =	vand.u32 $0x7FF8, v2;
	v3 =	vshll.u32 v11, $0x3;
	[tilespmem:s7+$0xCE0] =	vst v4;
	s7 =	smov.u32 s9  }
0x177: {  	v2 =	vshrl.u32 v16, $0xC;
	v3 =	vand.u32 $0x7FF8, v3;
	v5 =	vshll.u32 v14, $0x3  }
0x178: {  	v22 =	vand.u32 $0xFFFF8000, v17;
	v4 =	vshrl.u32 v17, $0xC;
	v6 =	vand.u32 $0x7FF8, v5  }
.Ltmp4:
0x179: {  	v23 =	vand.u32 $0xFFFF8000, v19;
	v5 =	vshrl.u32 v19, $0xC;
	v19 =	vand.u32 $0xFFFF8000, v10;
	(pc) =	sbr.rel @p0 .LBB2_10-.Ltmp4, $4  }
0x17a: {  	v7 =	vshrl.u32 v10, $0xC;
	v24 =	vand.u32 $0xFFFF8000, v8;
	v8 =	vshrl.u32 v8, $0xC  }
0x17b: {  	v16 =	vand.u32 $0xFFFF8000, v11;
	v9 =	vshrl.u32 v11, $0xC;
	v17 =	vand.u32 $0xFFFF8000, v14  }
0x17c: {  	v13 =	vor.u32 v20, v13;
	v14 =	vshrl.u32 v14, $0xC;
	v10 =	vor.u32 v22, v15  }
0x17d: {  	s9 =	sshra.s32 s10, $0x2;
	s10 =	sadd.s32 $0x200, s10;
	v15 =	vor.u32 v23, v12;
	v12 =	vor.u32 v24, v21;
	v11 =	vor.u32 v19, v18  }
0x17e: {  	v18 =	vld [tilespmem:s9+$0x70]  }
0x17f: {  	v19 =	vld [tilespmem:s9+$0x0]  }
0x180: {  	v20 =	vld [tilespmem:s9+$0x10];
	v2 =	vand.u32 $0x7, v2;
	v3 =	vor.u32 v16, v3  }
0x181: {  	v35 =	vld [tilespmem:s9+$0x20];
	v6 =	vor.u32 v17, v6;
	v4 =	vand.u32 $0x7, v4;
	v5 =	vand.u32 $0x7, v5  }
0x182: {  	v36 =	vld [tilespmem:s9+$0x30];
	v7 =	vand.u32 $0x7, v7;
	v8 =	vand.u32 $0x7, v8;
	v37 =	vand.u32 $0x7, v14  }
0x183: {  	v2 =	vor.u32 v2, v13;
	v4 =	vor.u32 v4, v10;
	v5 =	vor.u32 v5, v15  }
0x184: {  	v7 =	vor.u32 v7, v11;
	v8 =	vor.u32 v8, v12;
	[tilespmem:s7+$0xC80] =	vst v2;
	v2 =	vand.u32 $0x7, v9  }
0x185: {  	v39 =	vor.u32 v37, v6;
	v2 =	vor.u32 v2, v3;
	v3 =	vshll.u32 v18, $0x3  }
0x186: {  	v41 =	vand.u32 $0xFFFF8000, v18;
	v42 =	vshrl.u32 v18, $0xC;
	v43 =	vshll.u32 v19, $0x3  }
0x187: {  	v46 =	vshll.u32 v20, $0x3;
	v47 =	vshll.u32 v35, $0x3;
	v49 =	vshll.u32 v36, $0x3  }
0x188: {  	v51 =	vand.u32 $0xFFFF8000, v19;
	v19 =	vshrl.u32 v19, $0xC;
	v22 =	vand.u32 $0xFFFF8000, v20  }
0x189: {  	v20 =	vshrl.u32 v20, $0xC;
	v53 =	vand.u32 $0xFFFF8000, v35;
	v16 =	vshrl.u32 v35, $0xC  }
0x18a: {  	v38 =	vld [tilespmem:s9+$0x40];
	[tilespmem:s7+$0xC90] =	vst v4;
	v23 =	vand.u32 $0xFFFF8000, v36;
	v54 =	vshrl.u32 v36, $0xC;
	v3 =	vand.u32 $0x7FF8, v3  }
0x18b: {  	v40 =	vld [tilespmem:s9+$0x50];
	[tilespmem:s7+$0xCA0] =	vst v5;
	v45 =	vand.u32 $0x7, v42;
	v5 =	vand.u32 $0x7FF8, v43;
	v48 =	vand.u32 $0x7FF8, v46  }
0x18c: {  	v14 =	vand.u32 $0x7FF8, v47;
	v11 =	vand.u32 $0x7FF8, v49;
	v57 =	vand.u32 $0x7, v19  }
0x18d: {  	v44 =	vld [tilespmem:s9+$0x60];
	[tilespmem:s7+$0xCC0] =	vst v8;
	v59 =	vand.u32 $0x7, v20;
	v60 =	vand.u32 $0x7, v16;
	v8 =	vand.u32 $0x7, v54  }
0x18e: {  	[tilespmem:s7+$0xCB0] =	vst v7;
	v3 =	vor.u32 v41, v3;
	v9 =	vor.u32 v22, v48;
	v7 =	vor.u32 v53, v14  }
0x18f: {  	v3 =	vor.u32 v45, v3;
	v50 =	vshll.u32 v38, $0x3;
	v55 =	vand.u32 $0xFFFF8000, v38  }
0x190: {  	v10 =	vshrl.u32 v38, $0xC;
	v9 =	vor.u32 v59, v9;
	v7 =	vor.u32 v60, v7;
	[tilespmem:s9+$0xCF0] =	vst v3  }
0x191: {  	v15 =	vand.u32 $0x7FF8, v50;
	v52 =	vshll.u32 v40, $0x3;
	v3 =	vor.u32 v51, v5;
	[tilespmem:s7+$0xCD0] =	vst v2  }
0x192: {  	v56 =	vand.u32 $0xFFFF8000, v40;
	v6 =	vshrl.u32 v40, $0xC;
	[tilespmem:s7+$0xCE0] =	vst v39;
	v3 =	vor.u32 v57, v3  }
0x193: {  	v10 =	vand.u32 $0x7, v10;
	v18 =	vand.u32 $0x7FF8, v52;
	v21 =	vshll.u32 v44, $0x3;
	[tilespmem:s9+$0xC80] =	vst v3  }
0x194: {  	v2 =	vand.u32 $0xFFFF8000, v44;
	v58 =	vshrl.u32 v44, $0xC;
	v61 =	vor.u32 v55, v15;
	[tilespmem:s9+$0xC90] =	vst v9  }
0x195: {  	v6 =	vand.u32 $0x7, v6;
	v3 =	vor.u32 v23, v11;
	[tilespmem:s9+$0xCA0] =	vst v7;
	v62 =	vor.u32 v10, v61  }
0x196: {  	v21 =	vand.u32 $0x7FF8, v21;
	v5 =	vor.u32 v56, v18;
	v3 =	vor.u32 v8, v3;
	[tilespmem:s9+$0xCC0] =	vst v62  }
0x197: {  	v2 =	vor.u32 v2, v21;
	v63 =	vor.u32 v6, v5;
	[tilespmem:s9+$0xCB0] =	vst v3;
	v3 =	vand.u32 $0x7, v58  }
0x198: {  	[tilespmem:s9+$0xCD0] =	vst v63;
	v2 =	vor.u32 v3, v2  }
0x199: {  	[tilespmem:s9+$0xCE0] =	vst v2;
	s9 =	simm.s32 $0xC80  }
0x19a: {  	[tilespmem:s17], [sflag:$0x1] =	stream.indirect.gather [hbm4b:s5+s15], $0x10, s9, s15, $0xb8;
	[tilespmem:$0x1C5A0] =	vst v63  }
0x19b: {  	s10 =	simm.s32 $0xD00;
	s11 =	simm.s32 $0x2D80  }
0x19c: {  	[tilespmem:s11], [sflag:$0x1] =	stream.indirect.gather [hbm4b:s5+s15], $0x10, s10, s15, $0xb8;
	[tilespmem:$0x1C5A0] =	vst v63  }
0x19d: {  	s10 =	simm.s32 $0xD80;
	s11 =	simm.s32 $0x3580  }
0x19e: {  	[tilespmem:s11], [sflag:$0x1] =	stream.indirect.gather [hbm4b:s5+s15], $0x10, s10, s15, $0xb8;
	[tilespmem:$0x1C5A0] =	vst v63  }
0x19f: {  	s10 =	simm.s32 $0xE00;
	s11 =	simm.s32 $0x3D80  }
0x1a0: {  	[tilespmem:s11], [sflag:$0x1] =	stream.indirect.gather [hbm4b:s5+s15], $0x10, s10, s15, $0xb8;
	[tilespmem:$0x1C5A0] =	vst v63  }
0x1a1: {  	s10 =	simm.s32 $0xE80;
	s11 =	simm.s32 $0x4580  }
0x1a2: {  	[tilespmem:s11], [sflag:$0x1] =	stream.indirect.gather [hbm4b:s5+s15], $0x10, s10, s15, $0xb8;
	[tilespmem:$0x1C5A0] =	vst v63  }
0x1a3: {  	s10 =	simm.s32 $0xF00;
	s11 =	simm.s32 $0x4D80  }
0x1a4: {  	[tilespmem:s11], [sflag:$0x1] =	stream.indirect.gather [hbm4b:s5+s15], $0x10, s10, s15, $0xb8;
	[tilespmem:$0x1C5A0] =	vst v63  }
0x1a5: {  	s10 =	simm.s32 $0xF80;
	s11 =	simm.s32 $0x5580  }
0x1a6: {  	[tilespmem:s11], [sflag:$0x1] =	stream.indirect.gather [hbm4b:s5+s15], $0x10, s10, s15, $0xb8;
	[tilespmem:$0x1C5A0] =	vst v63  }
0x1a7: {  	s10 =	simm.s32 $0x1000;
	s11 =	simm.s32 $0x5D80  }
0x1a8: {  	[tilespmem:s11], [sflag:$0x1] =	stream.indirect.gather [hbm4b:s5+s15], $0x10, s10, s15, $0xb8;
	[tilespmem:$0x1C5A0] =	vst v63  }
0x1a9: {  	s10 =	simm.s32 $0x1080;
	s11 =	simm.s32 $0x6580  }
0x1aa: {  	[tilespmem:s11], [sflag:$0x1] =	stream.indirect.gather [hbm4b:s5+s15], $0x10, s10, s15, $0xb8;
	[tilespmem:$0x1C5A0] =	vst v63  }
0x1ab: {  	s10 =	simm.s32 $0x1100;
	s11 =	simm.s32 $0x6D80  }
0x1ac: {  	[tilespmem:s11], [sflag:$0x1] =	stream.indirect.gather [hbm4b:s5+s15], $0x10, s10, s15, $0xb8;
	[tilespmem:$0x1C5A0] =	vst v63  }
0x1ad: {  	s10 =	simm.s32 $0x1180;
	s11 =	simm.s32 $0x7580  }
0x1ae: {  	[tilespmem:s11], [sflag:$0x1] =	stream.indirect.gather [hbm4b:s5+s15], $0x10, s10, s15, $0xb8;
	[tilespmem:$0x1C5A0] =	vst v63  }
0x1af: {  	s10 =	simm.s32 $0x1200;
	s11 =	simm.s32 $0x7D80  }
0x1b0: {  	[tilespmem:s11], [sflag:$0x1] =	stream.indirect.gather [hbm4b:s5+s15], $0x10, s10, s15, $0xb8;
	[tilespmem:$0x1C5A0] =	vst v63  }
0x1b1: {  	s10 =	simm.s32 $0x1280;
	s11 =	simm.s32 $0x8580  }
0x1b2: {  	[tilespmem:s11], [sflag:$0x1] =	stream.indirect.gather [hbm4b:s5+s15], $0x10, s10, s15, $0xb8;
	[tilespmem:$0x1C5A0] =	vst v63  }
0x1b3: {  	s10 =	simm.s32 $0x1300;
	s11 =	simm.s32 $0x8D80  }
0x1b4: {  	[tilespmem:s11], [sflag:$0x1] =	stream.indirect.gather [hbm4b:s5+s15], $0x10, s10, s15, $0xb8;
	[tilespmem:$0x1C5A0] =	vst v63  }
0x1b5: {  	s10 =	simm.s32 $0x1380;
	s11 =	simm.s32 $0x9580  }
0x1b6: {  	[tilespmem:s11], [sflag:$0x1] =	stream.indirect.gather [hbm4b:s5+s15], $0x10, s10, s15, $0xb8;
	[tilespmem:$0x1C5A0] =	vst v63  }
0x1b7: {  	s10 =	simm.s32 $0x1400;
	s11 =	simm.s32 $0x9D80  }
0x1b8: {  	[tilespmem:s11], [sflag:$0x1] =	stream.indirect.gather [hbm4b:s5+s15], $0x10, s10, s15, $0xb8;
	[tilespmem:$0x1C5A0] =	vst v63  }
0x1b9: {  	s10 =	simm.s32 $0x1480;
	s11 =	simm.s32 $0xA580  }
0x1ba: {  	[tilespmem:s11], [sflag:$0x1] =	stream.indirect.gather [hbm4b:s5+s15], $0x10, s10, s15, $0xb8;
	[tilespmem:$0x1C5A0] =	vst v63  }
0x1bb: {  	s10 =	simm.s32 $0x1500;
	s11 =	simm.s32 $0xAD80  }
0x1bc: {  	[tilespmem:s11], [sflag:$0x1] =	stream.indirect.gather [hbm4b:s5+s15], $0x10, s10, s15, $0xb8;
	[tilespmem:$0x1C5A0] =	vst v63  }
0x1bd: {  	s10 =	simm.s32 $0x1580;
	s11 =	simm.s32 $0xB580  }
0x1be: {  	[tilespmem:s11], [sflag:$0x1] =	stream.indirect.gather [hbm4b:s5+s15], $0x10, s10, s15, $0xb8;
	[tilespmem:$0x1C5A0] =	vst v63  }
0x1bf: {  	s10 =	simm.s32 $0x1600;
	s11 =	simm.s32 $0xBD80  }
0x1c0: {  	[tilespmem:s11], [sflag:$0x1] =	stream.indirect.gather [hbm4b:s5+s15], $0x10, s10, s15, $0xb8;
	[tilespmem:$0x1C5A0] =	vst v63  }
0x1c1: {  	s10 =	simm.s32 $0x1680;
	s11 =	simm.s32 $0xC580  }
0x1c2: {  	[tilespmem:s11], [sflag:$0x1] =	stream.indirect.gather [hbm4b:s5+s15], $0x10, s10, s15, $0xb8;
	[tilespmem:$0x1C5A0] =	vst v63  }
0x1c3: {  	s10 =	simm.s32 $0x1700;
	s11 =	simm.s32 $0xCD80  }
0x1c4: {  	[tilespmem:s11], [sflag:$0x1] =	stream.indirect.gather [hbm4b:s5+s15], $0x10, s10, s15, $0xb8;
	[tilespmem:$0x1C5A0] =	vst v63  }
0x1c5: {  	s10 =	simm.s32 $0x1780;
	s11 =	simm.s32 $0xD580  }
0x1c6: {  	[tilespmem:s11], [sflag:$0x1] =	stream.indirect.gather [hbm4b:s5+s15], $0x10, s10, s15, $0xb8;
	[tilespmem:$0x1C5A0] =	vst v63  }
0x1c7: {  	s10 =	simm.s32 $0x1800;
	s11 =	simm.s32 $0xDD80  }
0x1c8: {  	[tilespmem:s11], [sflag:$0x1] =	stream.indirect.gather [hbm4b:s5+s15], $0x10, s10, s15, $0xb8;
	[tilespmem:$0x1C5A0] =	vst v63  }
0x1c9: {  	s10 =	simm.s32 $0x1880;
	s11 =	simm.s32 $0xE580  }
0x1ca: {  	[tilespmem:s11], [sflag:$0x1] =	stream.indirect.gather [hbm4b:s5+s15], $0x10, s10, s15, $0xb8;
	[tilespmem:$0x1C5A0] =	vst v63  }
.LBB2_12:
0x1cb: {  	s7 =	simm.s32 $0x0  }
0x1cc: {  	s11 =	simm.s32 $0x10;
	v2 =	vmov s7  }
0x1cd: {  	v3 =	vmov s11;
	v2 =	vshll.u32 v2, $0x4  }
0x1ce: {  	_ =	swait.ge [sflag:s31], $0xC800;
	v3 =	vshll.u32 v3, $0x4;
	v2 =	vor.u32 v0, v2  }
0x1cf: {  	s9 =	simm.s32 $0x20;
	[sflag:s31] =	ssyncset.done $0x0;
	v3 =	vor.u32 v0, v3  }
0x1d0: {  	v5 =	vmov s9;
	[sflag:s31] =	ssyncadd.s32 $0xFFFF3800;
	v4 =	vor.u32 $0x1, v2  }
0x1d1: {  	s10 =	simm.s32 $0x30;
	v5 =	vshll.u32 v5, $0x4;
	v8 =	vld [tilespmem:$0x1C580];
	v6 =	vor.u32 $0x1, v3  }
0x1d2: {  	v7 =	vmov s10;
	v11 =	vld [tilespmem:$0x1C590];
	v5 =	vor.u32 v0, v5  }
0x1d3: {  	s11 =	simm.s32 $0x40;
	v7 =	vshll.u32 v7, $0x4;
	v12 =	vld.idx.msk [tilespmem:v2+s23+$0x0], $0xffff;
	v2 =	vor.u32 $0x1, v5  }
0x1d4: {  	v9 =	vmov s11;
	v15 =	vor.u32 v0, v7;
	v3 =	vld.idx.msk [tilespmem:v3+s23+$0x0], $0xffff  }
0x1d5: {  	s9 =	simm.s32 $0x50;
	v17 =	vor.u32 $0x1, v15;
	v14 =	vld.idx.msk [tilespmem:v4+s23+$0x0], $0xffff;
	v4 =	vshll.u32 v9, $0x4  }
0x1d6: {  	v9 =	vmov s9;
	v7 =	vld.idx.msk [tilespmem:v6+s23+$0x0], $0xffff;
	v18 =	vor.u32 v0, v4  }
0x1d7: {  	s10 =	simm.s32 $0x60;
	v4 =	vld.idx.msk [tilespmem:v5+s23+$0x0], $0xffff;
	v5 =	vshll.u32 v9, $0x4;
	v13 =	vor.u32 $0x1, v18  }
0x1d8: {  	v16 =	vmov s10;
	s9 =	simm.s32 $0x70;
	v10 =	vor.u32 v0, v5;
	v6 =	vld.idx.msk [tilespmem:v2+s23+$0x0], $0xffff  }
0x1d9: {  	v19 =	vmov s9;
	v5 =	vshll.u32 v16, $0x4;
	v9 =	vor.u32 $0x1, v10;
	v2 =	vld.idx.msk [tilespmem:v15+s23+$0x0], $0xffff  }
0x1da: {  	s11 =	simm.s32 $0x80;
	v15 =	vadd.f32 v12, v8;
	v8 =	vld.idx.msk [tilespmem:v17+s23+$0x0], $0xffff;
	v16 =	vadd.f32 v14, v11;
	v11 =	vor.u32 v0, v5  }
0x1db: {  	s7 =	simm.s32 $0xF0;
	s9 =	simm.s32 $0x170;
	v17 =	vshll.u32 v19, $0x4;
	v14 =	vmov s11;
	v5 =	vld.idx.msk [tilespmem:v18+s23+$0x0], $0xffff;
	v12 =	vor.u32 $0x1, v11  }
.LBB2_13:
0x1dc: {  	p0 =	sne.s32 s9, $0xC70;
	s10 =	sadd.s32 $0xFFFFFFA0, s7;
	v3 =	vadd.f32 v3, v15;
	v7 =	vadd.f32 v7, v16;
	v13 =	vld.idx.msk [tilespmem:v13+s23+$0x0], $0xffff;
	v15 =	vor.u32 v0, v17  }
0x1dd: {  	v14 =	vshll.u32 v14, $0x4;
	v16 =	vmov s10;
	v10 =	vld.idx.msk [tilespmem:v10+s23+$0x0], $0xffff;
	v17 =	vor.u32 $0x1, v15  }
0x1de: {  	v14 =	vor.u32 v0, v14;
	s10 =	sadd.s32 $0xFFFFFFB0, s7;
	v3 =	vadd.f32 v4, v3;
	v4 =	vadd.f32 v6, v7;
	v6 =	vld.idx.msk [tilespmem:v9+s23+$0x0], $0xffff  }
0x1df: {  	v7 =	vor.u32 $0x1, v14;
	v9 =	vshll.u32 v16, $0x4;
	v16 =	vmov s10;
	v11 =	vld.idx.msk [tilespmem:v11+s23+$0x0], $0xffff  }
0x1e0: {  	s10 =	sadd.s32 $0xFFFFFFC0, s7;
	v9 =	vor.u32 v0, v9;
	v2 =	vadd.f32 v2, v3;
	v3 =	vadd.f32 v8, v4;
	v4 =	vld.idx.msk [tilespmem:v12+s23+$0x0], $0xffff  }
0x1e1: {  	v8 =	vor.u32 $0x1, v9;
	v12 =	vshll.u32 v16, $0x4;
	v16 =	vmov s10;
	v15 =	vld.idx.msk [tilespmem:v15+s23+$0x0], $0xffff  }
0x1e2: {  	s10 =	sadd.s32 $0xFFFFFFD0, s7;
	v12 =	vor.u32 v0, v12;
	v2 =	vadd.f32 v5, v2;
	v3 =	vadd.f32 v13, v3;
	v5 =	vld.idx.msk [tilespmem:v17+s23+$0x0], $0xffff  }
0x1e3: {  	v17 =	vor.u32 $0x1, v12;
	v13 =	vshll.u32 v16, $0x4;
	v16 =	vmov s10;
	v14 =	vld.idx.msk [tilespmem:v14+s23+$0x0], $0xffff  }
0x1e4: {  	s10 =	sadd.s32 $0xFFFFFFE0, s7;
	v19 =	vor.u32 v0, v13;
	v18 =	vld.idx.msk [tilespmem:v7+s23+$0x0], $0xffff;
	v2 =	vadd.f32 v10, v2;
	v6 =	vadd.f32 v6, v3  }
0x1e5: {  	v20 =	vor.u32 $0x1, v19;
	v10 =	vmov s10;
	v3 =	vld.idx.msk [tilespmem:v9+s23+$0x0], $0xffff;
	v9 =	vshll.u32 v16, $0x4  }
0x1e6: {  	s10 =	sadd.s32 $0xFFFFFFF0, s7;
	v7 =	vld.idx.msk [tilespmem:v8+s23+$0x0], $0xffff;
	v21 =	vor.u32 v0, v9;
	v2 =	vadd.f32 v11, v2;
	v8 =	vadd.f32 v4, v6  }
.Ltmp5:
0x1e7: {  	v9 =	vshll.u32 v10, $0x4;
	v11 =	vmov s10;
	v4 =	vld.idx.msk [tilespmem:v12+s23+$0x0], $0xffff;
	v13 =	vor.u32 $0x1, v21;
	(pc) =	sbr.rel @p0 .LBB2_13-.Ltmp5, $4  }
0x1e8: {  	v10 =	vor.u32 v0, v9;
	v6 =	vld.idx.msk [tilespmem:v17+s23+$0x0], $0xffff;
	v12 =	vadd.f32 v15, v2;
	v5 =	vadd.f32 v5, v8  }
0x1e9: {  	v11 =	vshll.u32 v11, $0x4;
	v9 =	vor.u32 $0x1, v10;
	v17 =	vmov s7;
	s7 =	smov.u32 s9;
	v2 =	vld.idx.msk [tilespmem:v19+s23+$0x0], $0xffff  }
0x1ea: {  	s10 =	sadd.s32 $0xFFFFFF90, s9;
	v11 =	vor.u32 v0, v11;
	v15 =	vadd.f32 v14, v12;
	v16 =	vadd.f32 v18, v5;
	v8 =	vld.idx.msk [tilespmem:v20+s23+$0x0], $0xffff  }
0x1eb: {  	s9 =	sadd.s32 $0x80, s9;
	v17 =	vshll.u32 v17, $0x4;
	v14 =	vmov s10;
	v12 =	vor.u32 $0x1, v11;
	v5 =	vld.idx.msk [tilespmem:v21+s23+$0x0], $0xffff  }
0x1ec: {  	_ =	sdelay $0x1  }
0x1ed: {  	v3 =	vadd.f32 v3, v15  }
0x1ee: {  	v7 =	vadd.f32 v7, v16  }
0x1ef: {  	v13 =	vld.idx.msk [tilespmem:v13+s23+$0x0], $0xffff;
	v38 =	vor.u32 v0, v17;
	v3 =	vadd.f32 v4, v3  }
0x1f0: {  	s9 =	sadd.s32 $0xFFFFFFA0, s7;
	v39 =	vshll.u32 v14, $0x4;
	v10 =	vld.idx.msk [tilespmem:v10+s23+$0x0], $0xffff;
	v40 =	vor.u32 $0x1, v38;
	v6 =	vadd.f32 v6, v7  }
0x1f1: {  	v9 =	vld.idx.msk [tilespmem:v9+s23+$0x0], $0xffff;
	v41 =	vmov s9;
	v4 =	vor.u32 v0, v39;
	v2 =	vadd.f32 v2, v3  }
0x1f2: {  	s11 =	sadd.s32 $0xFFFFFFB0, s7;
	v11 =	vld.idx.msk [tilespmem:v11+s23+$0x0], $0xffff;
	v7 =	vshll.u32 v41, $0x4;
	v3 =	vor.u32 $0x1, v4;
	v6 =	vadd.f32 v8, v6  }
0x1f3: {  	v12 =	vld.idx.msk [tilespmem:v12+s23+$0x0], $0xffff;
	v42 =	vmov s11;
	v7 =	vor.u32 v0, v7;
	v2 =	vadd.f32 v5, v2  }
0x1f4: {  	s10 =	sadd.s32 $0xFFFFFFC0, s7;
	v43 =	vor.u32 $0x1, v7;
	v8 =	vshll.u32 v42, $0x4;
	v15 =	vld.idx.msk [tilespmem:v38+s23+$0x0], $0xffff;
	v6 =	vadd.f32 v13, v6  }
0x1f5: {  	v44 =	vmov s10;
	v8 =	vor.u32 v0, v8;
	v14 =	vld.idx.msk [tilespmem:v40+s23+$0x0], $0xffff;
	v2 =	vadd.f32 v10, v2  }
0x1f6: {  	s11 =	sadd.s32 $0xFFFFFFD0, s7;
	v45 =	vor.u32 $0x1, v8;
	v13 =	vshll.u32 v44, $0x4;
	v4 =	vld.idx.msk [tilespmem:v4+s23+$0x0], $0xffff;
	v6 =	vadd.f32 v9, v6  }
0x1f7: {  	v46 =	vmov s11;
	v13 =	vor.u32 v0, v13;
	v3 =	vld.idx.msk [tilespmem:v3+s23+$0x0], $0xffff;
	v2 =	vadd.f32 v11, v2  }
0x1f8: {  	s10 =	sadd.s32 $0xFFFFFFE0, s7;
	v7 =	vld.idx.msk [tilespmem:v7+s23+$0x0], $0xffff;
	v47 =	vor.u32 $0x1, v13;
	v9 =	vshll.u32 v46, $0x4;
	v6 =	vadd.f32 v12, v6  }
0x1f9: {  	v48 =	vmov s10;
	v5 =	vld.idx.msk [tilespmem:v43+s23+$0x0], $0xffff;
	v9 =	vor.u32 v0, v9;
	v2 =	vadd.f32 v15, v2  }
0x1fa: {  	s11 =	sadd.s32 $0xFFFFFFF0, s7;
	v8 =	vld.idx.msk [tilespmem:v8+s23+$0x0], $0xffff;
	v49 =	vor.u32 $0x1, v9;
	v12 =	vshll.u32 v48, $0x4;
	v6 =	vadd.f32 v14, v6  }
0x1fb: {  	v50 =	vmov s11;
	v10 =	vld.idx.msk [tilespmem:v45+s23+$0x0], $0xffff;
	v12 =	vor.u32 v0, v12;
	v2 =	vadd.f32 v4, v2  }
0x1fc: {  	v51 =	vld.idx.msk [tilespmem:v13+s23+$0x0], $0xffff;
	v52 =	vor.u32 $0x1, v12;
	v14 =	vshll.u32 v50, $0x4;
	v3 =	vadd.f32 v3, v6  }
0x1fd: {  	v53 =	vmov s7;
	v11 =	vld.idx.msk [tilespmem:v47+s23+$0x0], $0xffff;
	v14 =	vor.u32 v0, v14;
	v2 =	vadd.f32 v7, v2  }
0x1fe: {  	v54 =	vld.idx.msk [tilespmem:v9+s23+$0x0], $0xffff;
	v55 =	vor.u32 $0x1, v14;
	v6 =	vshll.u32 v53, $0x4;
	v3 =	vadd.f32 v5, v3  }
0x1ff: {  	v56 =	vld.idx.msk [tilespmem:v49+s23+$0x0], $0xffff;
	v6 =	vor.u32 v0, v6;
	v2 =	vadd.f32 v8, v2  }
0x200: {  	v57 =	vld.idx.msk [tilespmem:v12+s23+$0x0], $0xffff;
	v58 =	vor.u32 $0x1, v6;
	v3 =	vadd.f32 v10, v3  }
0x201: {  	v59 =	vld.idx.msk [tilespmem:v52+s23+$0x0], $0xffff;
	v2 =	vadd.f32 v51, v2  }
0x202: {  	v60 =	vld.idx.msk [tilespmem:v14+s23+$0x0], $0xffff;
	v3 =	vadd.f32 v11, v3  }
0x203: {  	v9 =	vld.idx.msk [tilespmem:v55+s23+$0x0], $0xffff;
	v2 =	vadd.f32 v54, v2  }
0x204: {  	v61 =	vmov s1;
	v6 =	vld.idx.msk [tilespmem:v6+s23+$0x0], $0xffff;
	v3 =	vadd.f32 v56, v3  }
0x205: {  	v5 =	vshll.u32 v61, $0x3;
	v62 =	vld.idx.msk [tilespmem:v58+s23+$0x0], $0xffff;
	v2 =	vadd.f32 v57, v2  }
0x206: {  	s2 =	sadd.s32 $0x1, s2;
	v5 =	vor.u32 v1, v5;
	v3 =	vadd.f32 v59, v3  }
0x207: {  	p0 =	sne.s32 s2, $0x10;
	v63 =	vor.u32 $0x1, v5;
	v2 =	vadd.f32 v60, v2  }
.Ltmp6:
0x208: {  	v3 =	vadd.f32 v9, v3;
	(pc) =	sbr.rel @p0 .LBB2_4-.Ltmp6, $4  }
0x209: {  	v2 =	vadd.f32 v6, v2  }
0x20a: {  	v3 =	vadd.f32 v62, v3  }
0x20b: {  	[tilespmem:v5+s30+$0x0] =	vst.idx.msk $0xffff, v2  }
0x20c: {  	[tilespmem:v63+s30+$0x0] =	vst.idx.msk $0xffff, v3  }
0x20d: {  	s7 =	simm.s32 $0x0;
	s0 =	rddreg [dreg:$0x5]  }
0x20e: {  	[hbm4b:s0+s7] =	stream.linear.scatter [tilespmem:s30], [sflag:$0x3], $0x1000, $0x38;
	[tilespmem:$0x1C5A0] =	vst v63  }
0x20f: {  	_ =	swait.ge [sflag:s12], $0x1000  }
0x210: {  	s1 =	rddreg [dreg:$0x7]  }
0x211: {  	s11 =	rddreg [dreg:$0x6];
	s1 =	sadd.s32 $0x1, s1  }
0x212: {  	p0 =	sne.s32 s1, s11  }
.Ltmp7:
0x213: {  	_ = 	snop;
	(pc) =	sbr.rel @p0 .LBB2_1-.Ltmp7, $3  }
0x214: {  	_ =	sdelay $0x1  }
0x215: {  	[sflag:s12] =	ssyncset.done $0x0  }
0x216: {  	[sflag:s12] =	ssyncadd.s32 $0xFFFFF000  }
0x217: {  	_ =	sfence.sel $0x180000  }
0x218: {  	[bflag:$0x0] =	sbarrier.arrive $0xFFFF  }
0x219: {  	_ =	strace $0x90000047  }
0x21a: {  	s0 =	stileid.u32;
	[bflag:$0x2] =	sbarrier.arrive $0xFFFF  }
0x21b: {  	p0 =	sne.s32 s0, $0x0;
	s0 =	rddreg [dreg:$0x2]  }
0x21c: {  	s0 =	sadd.s32 @!p0 $0x100000, s0  }
0x21d: {  	[sflag:s0] =	ssyncadd.tile.s32 @!p0 $0x1;
	_ =	shalt  }
.Lfunc_end2:
_tile_overlayer_lowered:
.L_overlay_start_2:
0x21e: {  	(tag) =	ssettag $0x2  }
0x21f: {  	s0 =	rddreg [dreg:$0x0];
	s2 =	stileid.u32  }
0x220: {  	s1 =	rddreg [dreg:$0x1];
	p0 =	sne.s32 s2, $0x0  }
0x221: {  	s3 =	rddreg [dreg:$0x2];
	[bflag:$0x3] =	sbarrier.arrive $0xFFFF;
	s2 =	simm.s32 @!p0 $0x1C03  }
0x222: {  	[timem:s3], [sflag:s2] =	dma.local @!p0 [hbm:s0], s1  }
0x223: {  	s0 =	simm.s32 @!p0 $0x3  }
0x224: {  	_ =	swait.ge @!p0 [sflag:s0], s1  }
0x225: {  	s1 =	ssub.s32 @!p0 $0x0, s1;
	[sflag:s0] =	ssyncset.done @!p0 $0x0  }
0x226: {  	[sflag:s0] =	ssyncadd.s32 @!p0 s1  }
0x227: {  	[bflag:$0x3] =	sbarrier.arrive $0xFFFF  }
0x228: {  	_ =	shalt  }

</sc_bundles>
